<compile_context>
chip_gen: v7x
topology: tpu7x:2x2x1
jax: 0.10.2.dev20260603
libtpu: 0.0.44.dev20260713+nightly
codegen_flags: <defaults>
</compile_context>

<pallas_src>
import functools

import jax
import jax.numpy as jnp
from jax import lax
from jax.experimental import pallas as pl
from jax.experimental.pallas import tpu as pltpu
from jax.experimental.pallas import tpu_sc as plsc

V = 1000000
D = 32
R = 16384
S = 50
NC, NS = 2, 16
NW = NC * NS
RPW = R // NW
TCW = RPW // 128
SCH = 2
NU = TCW * (S // SCH)
NPAIR = NU // 2
UROWS = SCH * 128

_mesh = plsc.VectorSubcoreMesh(core_axis_name="c", subcore_axis_name="s")


@functools.partial(
    pl.kernel,
    mesh=_mesh,
    out_type=jax.ShapeDtypeStruct((S * D // 8, R // 128, 8, 128), jnp.float32),
    scratch_types=[
        pltpu.VMEM((RPW, S), jnp.int32),
        pltpu.VMEM((UROWS,), jnp.int32),
        pltpu.VMEM((UROWS,), jnp.int32),
        pltpu.VMEM((UROWS, D), jnp.float32),
        pltpu.VMEM((UROWS, D), jnp.float32),
        pltpu.VMEM((SCH * 4, 8, 128), jnp.float32),
        pltpu.VMEM((SCH * 4, 8, 128), jnp.float32),
        pltpu.SemaphoreType.DMA,
        pltpu.SemaphoreType.DMA,
        pltpu.SemaphoreType.DMA,
        pltpu.SemaphoreType.DMA,
    ],
    compiler_params=pltpu.CompilerParams(
        use_tc_tiling_on_sc=False, needs_layout_passes=False
    ),
)
def _emb_lookup(table_hbm, idx_hbm, out_hbm, idx_s, blk_a, blk_b,
                gbuf_a, gbuf_b, stage_a, stage_b,
                gsem_a, gsem_b, ssem_a, ssem_b):
    wid = lax.axis_index("s") * NC + lax.axis_index("c")
    wbase = wid * RPW
    pltpu.sync_copy(idx_hbm.at[pl.ds(wbase, RPW)], idx_s)

    blks = (blk_a, blk_b)
    gbufs = (gbuf_a, gbuf_b)
    stages = (stage_a, stage_b)
    gsems = (gsem_a, gsem_b)
    ssems = (ssem_a, ssem_b)

    lane = lax.iota(jnp.int32, 16)
    def unit_coords(u):
        tc_l = u // (NU // TCW)
        s0 = (u % (NU // TCW)) * SCH
        return tc_l, s0

    def prep_and_gather(u, bank):
        tc_l, s0 = unit_coords(u)
        for sc in range(SCH):
            s_col = jnp.full((16,), s0 + sc, jnp.int32)
            for lg in range(8):
                rows = tc_l * 128 + lg * 16 + lane
                iv = plsc.load_gather(idx_s, [rows, s_col])
                blks[bank][pl.ds(sc * 128 + lg * 16, 16)] = iv
        for h in range(UROWS // 128):
            pltpu.async_copy(
                table_hbm.at[blks[bank].at[pl.ds(h * 128, 128)]],
                gbufs[bank].at[pl.ds(h * 128, 128)],
                gsems[bank],
            )

    def wait_gathers(u, bank):
        pltpu.make_async_copy(
            table_hbm.at[pl.ds(0, UROWS)], gbufs[bank], gsems[bank],
        ).wait()

    def extract(u, bank):
        gbuf = gbufs[bank]
        stage = stages[bank]

        @plsc.parallel_loop(0, D, unroll=4)
        def _(d):
            dhi = d // 8
            dlo = d % 8
            col = jnp.full((16,), d, jnp.int32)
            vs = []
            for sc in range(SCH):
                for lg in range(8):
                    rows = jnp.asarray(sc * 128 + lg * 16, jnp.int32) + lane
                    vs.append(plsc.load_gather(gbuf, [rows, col]))
            k = 0
            for sc in range(SCH):
                for lg in range(8):
                    stage[sc * 4 + dhi, dlo, pl.ds(lg * 16, 16)] = vs[k]
                    k += 1

    def start_store(u, bank):
        tc_l, s0 = unit_coords(u)
        pltpu.async_copy(
            stages[bank],
            out_hbm.at[pl.ds(4 * s0, SCH * 4), wid * TCW + tc_l],
            ssems[bank],
        )

    def wait_store(u, bank):
        tc_l, s0 = unit_coords(u)
        pltpu.make_async_copy(
            stages[bank],
            out_hbm.at[pl.ds(4 * s0, SCH * 4), wid * TCW + tc_l],
            ssems[bank],
        ).wait()

    prep_and_gather(0, 0)

    def body(t, carry):
        u_a = 2 * t
        u_b = u_a + 1

        prep_and_gather(u_b, 1)
        wait_gathers(u_a, 0)

        @pl.when(t > 0)
        def _():
            wait_store(u_a - 2, 0)

        extract(u_a, 0)
        start_store(u_a, 0)

        @pl.when(t < NPAIR - 1)
        def _():
            prep_and_gather(u_a + 2, 0)

        wait_gathers(u_b, 1)

        @pl.when(t > 0)
        def _():
            wait_store(u_b - 2, 1)

        extract(u_b, 1)
        start_store(u_b, 1)
        return carry

    lax.fori_loop(0, NPAIR, body, 0)
    wait_store(NU - 2, 0)
    wait_store(NU - 1, 1)


def kernel(input_, weight):
    out4 = _emb_lookup(weight, input_.astype(jnp.int32))
    o = out4.reshape(S, 4, R // 128, 8, 128)
    o = o.transpose(2, 4, 0, 1, 3)
    return o.reshape(R, S, D)

# --- scband reference (transcript-rebuilt; emitter-appended) ---
"""Pipeline reference for scband-parallel-embedding-1606317769200 (READ-ONLY COPY).

The authoritative reference and input builder live on the scoring server;
editing this copy changes nothing except your own understanding.
"""

import jax, jax.numpy as jnp
import numpy as np

NUM_EMBEDDINGS = 1000000
EMBEDDING_DIM = 32

def setup_inputs(seed: int = 0) -> dict:
    key = jax.random.key(seed)
    k_idx, k_w = jax.random.split(key)
    input_ = jax.random.randint(k_idx, (16384, 50), 0, NUM_EMBEDDINGS, dtype=jnp.int64 if jax.config.jax_enable_x64 else jnp.int32)
    # init.normal_ default: mean=0, std=1
    weight = jax.random.normal(k_w, (NUM_EMBEDDINGS, EMBEDDING_DIM), dtype=jnp.float32)
    return {"input_": input_, "weight": weight}

def reference(input_, weight):
    # tensor_model_parallel_size == 1 path: plain embedding lookup
    # F.embedding(masked_input.long(), weight) -> gather rows
    output = jnp.take(weight, input_.astype(jnp.int32), axis=0)
    # reduce_from_tensor_model_parallel_region is identity for world_size == 1
    return output

if __name__ == "__main__":
    import jax
    _d = setup_inputs()
    print(jax.jit(kernel)(*tuple(_d.values())))

</pallas_src>

<mosaic_0001>
#map = affine_map<(d0, d1) -> (0, 0)>
#map1 = affine_map<(d0, d1) -> (0, 0, 0, 0)>
module attributes {stable_mosaic.version = 14 : i64} {
  func.func @_emb_lookup(%arg0: i32, %arg1: i32, %arg2: memref<1000000x32xf32, #tpu.memory_space<hbm>>, %arg3: memref<16384x50xi32, #tpu.memory_space<hbm>>, %arg4: memref<200x128x8x128xf32, #tpu.memory_space<hbm>>, %arg5: memref<512x50xi32, #tpu.memory_space<vmem>>, %arg6: memref<256xi32, #tpu.memory_space<vmem>>, %arg7: memref<256xi32, #tpu.memory_space<vmem>>, %arg8: memref<256x32xf32, #tpu.memory_space<vmem>>, %arg9: memref<256x32xf32, #tpu.memory_space<vmem>>, %arg10: memref<8x8x128xf32, #tpu.memory_space<vmem>>, %arg11: memref<8x8x128xf32, #tpu.memory_space<vmem>>, %arg12: memref<!tpu.dma_semaphore, #tpu.memory_space<semaphore_mem>>, %arg13: memref<!tpu.dma_semaphore, #tpu.memory_space<semaphore_mem>>, %arg14: memref<!tpu.dma_semaphore, #tpu.memory_space<semaphore_mem>>, %arg15: memref<!tpu.dma_semaphore, #tpu.memory_space<semaphore_mem>>) attributes {dimension_semantics = [#tpu.dimension_semantics<core_parallel>, #tpu.dimension_semantics<subcore_parallel>], iteration_bounds = array<i64: 2, 16>, scalar_prefetch = 0 : i64, scratch_operands = 11 : i64, tpu.core_type = #tpu.core_type<sc_vector_subcore>, window_params = [{transform_indices = #map}, {transform_indices = #map}, {transform_indices = #map1}]} {
    %mul3A = arith.constant 2 : i32
    %mul3A_0 = arith.muli %arg1, %mul3A : i32
    %add3A = arith.addi %mul3A_0, %arg0 : i32
    %mul3A_1 = arith.constant 512 : i32
    %mul3A_2 = arith.muli %add3A, %mul3A_1 : i32
    "tpu.region"() ({
      %run_scoped3A = tpu.sem_alloc : memref<!tpu.dma_semaphore, #tpu.memory_space<semaphore_mem>>
      %dma_start3A_147 = arith.constant 0 : i32
      %dma_start3A_148 = tpu.memref_slice %arg3[%mul3A_2, %dma_start3A_147] : memref<16384x50xi32, #tpu.memory_space<hbm>> -> memref<512x50xi32, #tpu.memory_space<hbm>>
      %dma_start3A_149 = arith.constant 0 : i32
      %dma_start3A_150 = tpu.memref_slice %arg3[%mul3A_2, %dma_start3A_149] : memref<16384x50xi32, #tpu.memory_space<hbm>> -> memref<512x50xi32, #tpu.memory_space<hbm>>
      tpu.enqueue_dma source(%dma_start3A_150 : memref<512x50xi32, #tpu.memory_space<hbm>>) target(%arg5 : memref<512x50xi32, #tpu.memory_space<vmem>>) target_semaphore(%run_scoped3A : memref<!tpu.dma_semaphore, #tpu.memory_space<semaphore_mem>>)
      %dma_wait3A_151 = arith.constant 0 : i32
      %dma_wait3A_152 = tpu.memref_slice %arg3[%mul3A_2, %dma_wait3A_151] : memref<16384x50xi32, #tpu.memory_space<hbm>> -> memref<512x50xi32, #tpu.memory_space<hbm>>
      %dma_wait3A_153 = arith.constant 0 : i32
      %dma_wait3A_154 = tpu.memref_slice %arg3[%mul3A_2, %dma_wait3A_153] : memref<16384x50xi32, #tpu.memory_space<hbm>> -> memref<512x50xi32, #tpu.memory_space<hbm>>
      tpu.wait_dma2 semaphore(%run_scoped3A : memref<!tpu.dma_semaphore, #tpu.memory_space<semaphore_mem>>) src(%dma_wait3A_154 : memref<512x50xi32, #tpu.memory_space<hbm>>) dst(%arg5 : memref<512x50xi32, #tpu.memory_space<vmem>>)
      tpu.yield
    }) : () -> ()
    %iota3A = tpu.iota {dimensions = array<i32: 0>} : vector<16xi32>
    %broadcast_in_dim3A = arith.constant 0 : i32
    %broadcast_in_dim3A_3 = vector.broadcast %broadcast_in_dim3A : i32 to vector<16xi32>
    %add3A_4 = arith.constant 0 : i32
    %add3A_5 = vector.broadcast %add3A_4 : i32 to vector<16xi32>
    %add3A_6 = arith.addi %add3A_5, %iota3A : vector<16xi32>
    %gather3A = tpu.vector_load_idx %arg5[%add3A_6, %broadcast_in_dim3A_3] : memref<512x50xi32, #tpu.memory_space<vmem>>[vector<16xi32>, vector<16xi32>], vector<16xi32>,
    %swap3A = arith.constant 0 : index
    %swap3A_7 = tpu.vector_load %arg6[%swap3A] {strides = array<i32>} : memref<256xi32, #tpu.memory_space<vmem>>, vector<16xi32>,
    tpu.vector_store %arg6[%swap3A], %gather3A {strides = array<i32>} : memref<256xi32, #tpu.memory_space<vmem>>, vector<16xi32>,
    %add3A_8 = arith.constant 16 : i32
    %add3A_9 = vector.broadcast %add3A_8 : i32 to vector<16xi32>
    %add3A_10 = arith.addi %add3A_9, %iota3A : vector<16xi32>
    %gather3A_11 = tpu.vector_load_idx %arg5[%add3A_10, %broadcast_in_dim3A_3] : memref<512x50xi32, #tpu.memory_space<vmem>>[vector<16xi32>, vector<16xi32>], vector<16xi32>,
    %swap3A_12 = arith.constant 16 : index
    %swap3A_13 = tpu.vector_load %arg6[%swap3A_12] {strides = array<i32>} : memref<256xi32, #tpu.memory_space<vmem>>, vector<16xi32>,
    tpu.vector_store %arg6[%swap3A_12], %gather3A_11 {strides = array<i32>} : memref<256xi32, #tpu.memory_space<vmem>>, vector<16xi32>,
    %add3A_14 = arith.constant 32 : i32
    %add3A_15 = vector.broadcast %add3A_14 : i32 to vector<16xi32>
    %add3A_16 = arith.addi %add3A_15, %iota3A : vector<16xi32>
    %gather3A_17 = tpu.vector_load_idx %arg5[%add3A_16, %broadcast_in_dim3A_3] : memref<512x50xi32, #tpu.memory_space<vmem>>[vector<16xi32>, vector<16xi32>], vector<16xi32>,
    %swap3A_18 = arith.constant 32 : index
    %swap3A_19 = tpu.vector_load %arg6[%swap3A_18] {strides = array<i32>} : memref<256xi32, #tpu.memory_space<vmem>>, vector<16xi32>,
    tpu.vector_store %arg6[%swap3A_18], %gather3A_17 {strides = array<i32>} : memref<256xi32, #tpu.memory_space<vmem>>, vector<16xi32>,
    %add3A_20 = arith.constant 48 : i32
    %add3A_21 = vector.broadcast %add3A_20 : i32 to vector<16xi32>
    %add3A_22 = arith.addi %add3A_21, %iota3A : vector<16xi32>
    %gather3A_23 = tpu.vector_load_idx %arg5[%add3A_22, %broadcast_in_dim3A_3] : memref<512x50xi32, #tpu.memory_space<vmem>>[vector<16xi32>, vector<16xi32>], vector<16xi32>,
    %swap3A_24 = arith.constant 48 : index
    %swap3A_25 = tpu.vector_load %arg6[%swap3A_24] {strides = array<i32>} : memref<256xi32, #tpu.memory_space<vmem>>, vector<16xi32>,
    tpu.vector_store %arg6[%swap3A_24], %gather3A_23 {strides = array<i32>} : memref<256xi32, #tpu.memory_space<vmem>>, vector<16xi32>,
    %add3A_26 = arith.constant 64 : i32
    %add3A_27 = vector.broadcast %add3A_26 : i32 to vector<16xi32>
    %add3A_28 = arith.addi %add3A_27, %iota3A : vector<16xi32>
    %gather3A_29 = tpu.vector_load_idx %arg5[%add3A_28, %broadcast_in_dim3A_3] : memref<512x50xi32, #tpu.memory_space<vmem>>[vector<16xi32>, vector<16xi32>], vector<16xi32>,
    %swap3A_30 = arith.constant 64 : index
    %swap3A_31 = tpu.vector_load %arg6[%swap3A_30] {strides = array<i32>} : memref<256xi32, #tpu.memory_space<vmem>>, vector<16xi32>,
    tpu.vector_store %arg6[%swap3A_30], %gather3A_29 {strides = array<i32>} : memref<256xi32, #tpu.memory_space<vmem>>, vector<16xi32>,
    %add3A_32 = arith.constant 80 : i32
    %add3A_33 = vector.broadcast %add3A_32 : i32 to vector<16xi32>
    %add3A_34 = arith.addi %add3A_33, %iota3A : vector<16xi32>
    %gather3A_35 = tpu.vector_load_idx %arg5[%add3A_34, %broadcast_in_dim3A_3] : memref<512x50xi32, #tpu.memory_space<vmem>>[vector<16xi32>, vector<16xi32>], vector<16xi32>,
    %swap3A_36 = arith.constant 80 : index
    %swap3A_37 = tpu.vector_load %arg6[%swap3A_36] {strides = array<i32>} : memref<256xi32, #tpu.memory_space<vmem>>, vector<16xi32>,
    tpu.vector_store %arg6[%swap3A_36], %gather3A_35 {strides = array<i32>} : memref<256xi32, #tpu.memory_space<vmem>>, vector<16xi32>,
    %add3A_38 = arith.constant 96 : i32
    %add3A_39 = vector.broadcast %add3A_38 : i32 to vector<16xi32>
    %add3A_40 = arith.addi %add3A_39, %iota3A : vector<16xi32>
    %gather3A_41 = tpu.vector_load_idx %arg5[%add3A_40, %broadcast_in_dim3A_3] : memref<512x50xi32, #tpu.memory_space<vmem>>[vector<16xi32>, vector<16xi32>], vector<16xi32>,
    %swap3A_42 = arith.constant 96 : index
    %swap3A_43 = tpu.vector_load %arg6[%swap3A_42] {strides = array<i32>} : memref<256xi32, #tpu.memory_space<vmem>>, vector<16xi32>,
    tpu.vector_store %arg6[%swap3A_42], %gather3A_41 {strides = array<i32>} : memref<256xi32, #tpu.memory_space<vmem>>, vector<16xi32>,
    %add3A_44 = arith.constant 112 : i32
    %add3A_45 = vector.broadcast %add3A_44 : i32 to vector<16xi32>
    %add3A_46 = arith.addi %add3A_45, %iota3A : vector<16xi32>
    %gather3A_47 = tpu.vector_load_idx %arg5[%add3A_46, %broadcast_in_dim3A_3] : memref<512x50xi32, #tpu.memory_space<vmem>>[vector<16xi32>, vector<16xi32>], vector<16xi32>,
    %swap3A_48 = arith.constant 112 : index
    %swap3A_49 = tpu.vector_load %arg6[%swap3A_48] {strides = array<i32>} : memref<256xi32, #tpu.memory_space<vmem>>, vector<16xi32>,
    tpu.vector_store %arg6[%swap3A_48], %gather3A_47 {strides = array<i32>} : memref<256xi32, #tpu.memory_space<vmem>>, vector<16xi32>,
    %broadcast_in_dim3A_50 = arith.constant 1 : i32
    %broadcast_in_dim3A_51 = vector.broadcast %broadcast_in_dim3A_50 : i32 to vector<16xi32>
    %add3A_52 = arith.constant 0 : i32
    %add3A_53 = vector.broadcast %add3A_52 : i32 to vector<16xi32>
    %add3A_54 = arith.addi %add3A_53, %iota3A : vector<16xi32>
    %gather3A_55 = tpu.vector_load_idx %arg5[%add3A_54, %broadcast_in_dim3A_51] : memref<512x50xi32, #tpu.memory_space<vmem>>[vector<16xi32>, vector<16xi32>], vector<16xi32>,
    %swap3A_56 = arith.constant 128 : index
    %swap3A_57 = tpu.vector_load %arg6[%swap3A_56] {strides = array<i32>} : memref<256xi32, #tpu.memory_space<vmem>>, vector<16xi32>,
    tpu.vector_store %arg6[%swap3A_56], %gather3A_55 {strides = array<i32>} : memref<256xi32, #tpu.memory_space<vmem>>, vector<16xi32>,
    %add3A_58 = arith.constant 16 : i32
    %add3A_59 = vector.broadcast %add3A_58 : i32 to vector<16xi32>
    %add3A_60 = arith.addi %add3A_59, %iota3A : vector<16xi32>
    %gather3A_61 = tpu.vector_load_idx %arg5[%add3A_60, %broadcast_in_dim3A_51] : memref<512x50xi32, #tpu.memory_space<vmem>>[vector<16xi32>, vector<16xi32>], vector<16xi32>,
    %swap3A_62 = arith.constant 144 : index
    %swap3A_63 = tpu.vector_load %arg6[%swap3A_62] {strides = array<i32>} : memref<256xi32, #tpu.memory_space<vmem>>, vector<16xi32>,
    tpu.vector_store %arg6[%swap3A_62], %gather3A_61 {strides = array<i32>} : memref<256xi32, #tpu.memory_space<vmem>>, vector<16xi32>,
    %add3A_64 = arith.constant 32 : i32
    %add3A_65 = vector.broadcast %add3A_64 : i32 to vector<16xi32>
    %add3A_66 = arith.addi %add3A_65, %iota3A : vector<16xi32>
    %gather3A_67 = tpu.vector_load_idx %arg5[%add3A_66, %broadcast_in_dim3A_51] : memref<512x50xi32, #tpu.memory_space<vmem>>[vector<16xi32>, vector<16xi32>], vector<16xi32>,
    %swap3A_68 = arith.constant 160 : index
    %swap3A_69 = tpu.vector_load %arg6[%swap3A_68] {strides = array<i32>} : memref<256xi32, #tpu.memory_space<vmem>>, vector<16xi32>,
    tpu.vector_store %arg6[%swap3A_68], %gather3A_67 {strides = array<i32>} : memref<256xi32, #tpu.memory_space<vmem>>, vector<16xi32>,
    %add3A_70 = arith.constant 48 : i32
    %add3A_71 = vector.broadcast %add3A_70 : i32 to vector<16xi32>
    %add3A_72 = arith.addi %add3A_71, %iota3A : vector<16xi32>
    %gather3A_73 = tpu.vector_load_idx %arg5[%add3A_72, %broadcast_in_dim3A_51] : memref<512x50xi32, #tpu.memory_space<vmem>>[vector<16xi32>, vector<16xi32>], vector<16xi32>,
    %swap3A_74 = arith.constant 176 : index
    %swap3A_75 = tpu.vector_load %arg6[%swap3A_74] {strides = array<i32>} : memref<256xi32, #tpu.memory_space<vmem>>, vector<16xi32>,
    tpu.vector_store %arg6[%swap3A_74], %gather3A_73 {strides = array<i32>} : memref<256xi32, #tpu.memory_space<vmem>>, vector<16xi32>,
    %add3A_76 = arith.constant 64 : i32
    %add3A_77 = vector.broadcast %add3A_76 : i32 to vector<16xi32>
    %add3A_78 = arith.addi %add3A_77, %iota3A : vector<16xi32>
    %gather3A_79 = tpu.vector_load_idx %arg5[%add3A_78, %broadcast_in_dim3A_51] : memref<512x50xi32, #tpu.memory_space<vmem>>[vector<16xi32>, vector<16xi32>], vector<16xi32>,
    %swap3A_80 = arith.constant 192 : index
    %swap3A_81 = tpu.vector_load %arg6[%swap3A_80] {strides = array<i32>} : memref<256xi32, #tpu.memory_space<vmem>>, vector<16xi32>,
    tpu.vector_store %arg6[%swap3A_80], %gather3A_79 {strides = array<i32>} : memref<256xi32, #tpu.memory_space<vmem>>, vector<16xi32>,
    %add3A_82 = arith.constant 80 : i32
    %add3A_83 = vector.broadcast %add3A_82 : i32 to vector<16xi32>
    %add3A_84 = arith.addi %add3A_83, %iota3A : vector<16xi32>
    %gather3A_85 = tpu.vector_load_idx %arg5[%add3A_84, %broadcast_in_dim3A_51] : memref<512x50xi32, #tpu.memory_space<vmem>>[vector<16xi32>, vector<16xi32>], vector<16xi32>,
    %swap3A_86 = arith.constant 208 : index
    %swap3A_87 = tpu.vector_load %arg6[%swap3A_86] {strides = array<i32>} : memref<256xi32, #tpu.memory_space<vmem>>, vector<16xi32>,
    tpu.vector_store %arg6[%swap3A_86], %gather3A_85 {strides = array<i32>} : memref<256xi32, #tpu.memory_space<vmem>>, vector<16xi32>,
    %add3A_88 = arith.constant 96 : i32
    %add3A_89 = vector.broadcast %add3A_88 : i32 to vector<16xi32>
    %add3A_90 = arith.addi %add3A_89, %iota3A : vector<16xi32>
    %gather3A_91 = tpu.vector_load_idx %arg5[%add3A_90, %broadcast_in_dim3A_51] : memref<512x50xi32, #tpu.memory_space<vmem>>[vector<16xi32>, vector<16xi32>], vector<16xi32>,
    %swap3A_92 = arith.constant 224 : index
    %swap3A_93 = tpu.vector_load %arg6[%swap3A_92] {strides = array<i32>} : memref<256xi32, #tpu.memory_space<vmem>>, vector<16xi32>,
    tpu.vector_store %arg6[%swap3A_92], %gather3A_91 {strides = array<i32>} : memref<256xi32, #tpu.memory_space<vmem>>, vector<16xi32>,
    %add3A_94 = arith.constant 112 : i32
    %add3A_95 = vector.broadcast %add3A_94 : i32 to vector<16xi32>
    %add3A_96 = arith.addi %add3A_95, %iota3A : vector<16xi32>
    %gather3A_97 = tpu.vector_load_idx %arg5[%add3A_96, %broadcast_in_dim3A_51] : memref<512x50xi32, #tpu.memory_space<vmem>>[vector<16xi32>, vector<16xi32>], vector<16xi32>,
    %swap3A_98 = arith.constant 240 : index
    %swap3A_99 = tpu.vector_load %arg6[%swap3A_98] {strides = array<i32>} : memref<256xi32, #tpu.memory_space<vmem>>, vector<16xi32>,
    tpu.vector_store %arg6[%swap3A_98], %gather3A_97 {strides = array<i32>} : memref<256xi32, #tpu.memory_space<vmem>>, vector<16xi32>,
    %dma_start3A = arith.constant 0 : i32
    %dma_start3A_100 = arith.constant 0 : i32
    %dma_start3A_101 = tpu.memref_slice %arg8[%dma_start3A, %dma_start3A_100] : memref<256x32xf32, #tpu.memory_space<vmem>> -> memref<128x32xf32, #tpu.memory_space<vmem>>
    %dma_start3A_102 = arith.constant 0 : i32
    %dma_start3A_103 = tpu.memref_slice %arg6[%dma_start3A_102] : memref<256xi32, #tpu.memory_space<vmem>> -> memref<128xi32, #tpu.memory_space<vmem>>
    %dma_start3A_104 = arith.constant 0 : i32
    %dma_start3A_105 = arith.constant 0 : i32
    %dma_start3A_106 = tpu.memref_slice %arg2[%dma_start3A_104, %dma_start3A_105] : memref<1000000x32xf32, #tpu.memory_space<hbm>> -> memref<1000000x32xf32, #tpu.memory_space<hbm>>
    tpu.enqueue_indirect_dma source(%dma_start3A_106 : memref<1000000x32xf32, #tpu.memory_space<hbm>>) target(%dma_start3A_101 : memref<128x32xf32, #tpu.memory_space<vmem>>) offsets(%dma_start3A_103 : memref<128xi32, #tpu.memory_space<vmem>>) semaphore(%arg12 : memref<!tpu.dma_semaphore, #tpu.memory_space<semaphore_mem>>)
    %dma_start3A_107 = arith.constant 128 : i32
    %dma_start3A_108 = arith.constant 0 : i32
    %dma_start3A_109 = tpu.memref_slice %arg8[%dma_start3A_107, %dma_start3A_108] : memref<256x32xf32, #tpu.memory_space<vmem>> -> memref<128x32xf32, #tpu.memory_space<vmem>>
    %dma_start3A_110 = arith.constant 128 : i32
    %dma_start3A_111 = tpu.memref_slice %arg6[%dma_start3A_110] : memref<256xi32, #tpu.memory_space<vmem>> -> memref<128xi32, #tpu.memory_space<vmem>>
    %dma_start3A_112 = arith.constant 0 : i32
    %dma_start3A_113 = arith.constant 0 : i32
    %dma_start3A_114 = tpu.memref_slice %arg2[%dma_start3A_112, %dma_start3A_113] : memref<1000000x32xf32, #tpu.memory_space<hbm>> -> memref<1000000x32xf32, #tpu.memory_space<hbm>>
    tpu.enqueue_indirect_dma source(%dma_start3A_114 : memref<1000000x32xf32, #tpu.memory_space<hbm>>) target(%dma_start3A_109 : memref<128x32xf32, #tpu.memory_space<vmem>>) offsets(%dma_start3A_111 : memref<128xi32, #tpu.memory_space<vmem>>) semaphore(%arg12 : memref<!tpu.dma_semaphore, #tpu.memory_space<semaphore_mem>>)
    %scan3A = arith.constant 0 : i32
    %scan3A_115 = arith.constant 0 : i32
    %scan3A_116 = arith.constant 50 : i32
    %scan3A_117 = arith.addi %scan3A_115, %scan3A_116 : i32
    %scan3A_118 = arith.constant 1 : i32
    scf.for %scan3A_147 = %scan3A_115 to %scan3A_117 step %scan3A_118  : i32 {
      %mul3A_148 = arith.constant 2 : i32
      %mul3A_149 = arith.muli %mul3A_148, %scan3A_147 : i32
      %add3A_150 = arith.constant 1 : i32
      %add3A_151 = arith.addi %mul3A_149, %add3A_150 : i32
      %jit3A = arith.constant 25 : i32
      %div3A = arith.divsi %add3A_151, %jit3A : i32
      %sign3A = arith.constant 0 : i32
      %sign3A_152 = arith.cmpi sgt, %add3A_151, %sign3A : i32
      %sign3A_153 = arith.extui %sign3A_152 : i1 to i32
      %sign3A_154 = arith.constant 0 : i32
      %sign3A_155 = arith.cmpi slt, %add3A_151, %sign3A_154 : i32
      %sign3A_156 = arith.extui %sign3A_155 : i1 to i32
      %sign3A_157 = arith.subi %sign3A_153, %sign3A_156 : i32
      %sign3A_158 = arith.constant 0 : i32
      %sign3A_159 = arith.cmpi sgt, %jit3A, %sign3A_158 : i32
      %sign3A_160 = arith.extui %sign3A_159 : i1 to i32
      %sign3A_161 = arith.constant 0 : i32
      %sign3A_162 = arith.cmpi slt, %jit3A, %sign3A_161 : i32
      %sign3A_163 = arith.extui %sign3A_162 : i1 to i32
      %sign3A_164 = arith.subi %sign3A_160, %sign3A_163 : i32
      %ne3A = arith.cmpi ne, %sign3A_157, %sign3A_164 : i32
      %rem3A = arith.remsi %add3A_151, %jit3A : i32
      %ne3A_165 = arith.constant 0 : i32
      %ne3A_166 = arith.cmpi ne, %rem3A, %ne3A_165 : i32
      %and3A = arith.andi %ne3A, %ne3A_166 : i1
      %sub3A = arith.constant 1 : i32
      %sub3A_167 = arith.subi %div3A, %sub3A : i32
      %select_n3A = arith.select %and3A, %sub3A_167, %div3A : i32
      %jit3A_168 = arith.constant 25 : i32
      %eq3A = arith.constant 0 : i32
      %eq3A_169 = arith.cmpi eq, %jit3A_168, %eq3A : i32
      %jit3A_170 = arith.constant 1 : i32
      %select_n3A_171 = arith.select %eq3A_169, %jit3A_170, %jit3A_168 : i32
      %rem3A_172 = arith.remsi %add3A_151, %select_n3A_171 : i32
      %ne3A_173 = arith.constant 0 : i32
      %ne3A_174 = arith.cmpi ne, %rem3A_172, %ne3A_173 : i32
      %lt3A = arith.constant 0 : i32
      %lt3A_175 = arith.cmpi slt, %rem3A_172, %lt3A : i32
      %lt3A_176 = arith.constant 0 : i32
      %lt3A_177 = arith.cmpi slt, %select_n3A_171, %lt3A_176 : i32
      %ne3A_178 = arith.xori %lt3A_175, %lt3A_177 : i1
      %and3A_179 = arith.andi %ne3A_178, %ne3A_174 : i1
      %add3A_180 = arith.addi %rem3A_172, %select_n3A_171 : i32
      %select_n3A_181 = arith.select %and3A_179, %add3A_180, %rem3A_172 : i32
      %mul3A_182 = arith.constant 2 : i32
      %mul3A_183 = arith.muli %select_n3A_181, %mul3A_182 : i32
      %add3A_184 = arith.constant 0 : i32
      %add3A_185 = arith.addi %mul3A_183, %add3A_184 : i32
      %broadcast_in_dim3A_186 = vector.broadcast %add3A_185 : i32 to vector<16xi32>
      %mul3A_187 = arith.constant 128 : i32
      %mul3A_188 = arith.muli %select_n3A, %mul3A_187 : i32
      %add3A_189 = arith.constant 0 : i32
      %add3A_190 = arith.addi %mul3A_188, %add3A_189 : i32
      %add3A_191 = vector.broadcast %add3A_190 : i32 to vector<16xi32>
      %add3A_192 = arith.addi %add3A_191, %iota3A : vector<16xi32>
      %gather3A_193 = tpu.vector_load_idx %arg5[%add3A_192, %broadcast_in_dim3A_186] : memref<512x50xi32, #tpu.memory_space<vmem>>[vector<16xi32>, vector<16xi32>], vector<16xi32>,
      %swap3A_194 = arith.constant 0 : index
      %swap3A_195 = tpu.vector_load %arg7[%swap3A_194] {strides = array<i32>} : memref<256xi32, #tpu.memory_space<vmem>>, vector<16xi32>,
      tpu.vector_store %arg7[%swap3A_194], %gather3A_193 {strides = array<i32>} : memref<256xi32, #tpu.memory_space<vmem>>, vector<16xi32>,
      %mul3A_196 = arith.constant 128 : i32
      %mul3A_197 = arith.muli %select_n3A, %mul3A_196 : i32
      %add3A_198 = arith.constant 16 : i32
      %add3A_199 = arith.addi %mul3A_197, %add3A_198 : i32
      %add3A_200 = vector.broadcast %add3A_199 : i32 to vector<16xi32>
      %add3A_201 = arith.addi %add3A_200, %iota3A : vector<16xi32>
      %gather3A_202 = tpu.vector_load_idx %arg5[%add3A_201, %broadcast_in_dim3A_186] : memref<512x50xi32, #tpu.memory_space<vmem>>[vector<16xi32>, vector<16xi32>], vector<16xi32>,
      %swap3A_203 = arith.constant 16 : index
      %swap3A_204 = tpu.vector_load %arg7[%swap3A_203] {strides = array<i32>} : memref<256xi32, #tpu.memory_space<vmem>>, vector<16xi32>,
      tpu.vector_store %arg7[%swap3A_203], %gather3A_202 {strides = array<i32>} : memref<256xi32, #tpu.memory_space<vmem>>, vector<16xi32>,
      %mul3A_205 = arith.constant 128 : i32
      %mul3A_206 = arith.muli %select_n3A, %mul3A_205 : i32
      %add3A_207 = arith.constant 32 : i32
      %add3A_208 = arith.addi %mul3A_206, %add3A_207 : i32
      %add3A_209 = vector.broadcast %add3A_208 : i32 to vector<16xi32>
      %add3A_210 = arith.addi %add3A_209, %iota3A : vector<16xi32>
      %gather3A_211 = tpu.vector_load_idx %arg5[%add3A_210, %broadcast_in_dim3A_186] : memref<512x50xi32, #tpu.memory_space<vmem>>[vector<16xi32>, vector<16xi32>], vector<16xi32>,
      %swap3A_212 = arith.constant 32 : index
      %swap3A_213 = tpu.vector_load %arg7[%swap3A_212] {strides = array<i32>} : memref<256xi32, #tpu.memory_space<vmem>>, vector<16xi32>,
      tpu.vector_store %arg7[%swap3A_212], %gather3A_211 {strides = array<i32>} : memref<256xi32, #tpu.memory_space<vmem>>, vector<16xi32>,
      %mul3A_214 = arith.constant 128 : i32
      %mul3A_215 = arith.muli %select_n3A, %mul3A_214 : i32
      %add3A_216 = arith.constant 48 : i32
      %add3A_217 = arith.addi %mul3A_215, %add3A_216 : i32
      %add3A_218 = vector.broadcast %add3A_217 : i32 to vector<16xi32>
      %add3A_219 = arith.addi %add3A_218, %iota3A : vector<16xi32>
      %gather3A_220 = tpu.vector_load_idx %arg5[%add3A_219, %broadcast_in_dim3A_186] : memref<512x50xi32, #tpu.memory_space<vmem>>[vector<16xi32>, vector<16xi32>], vector<16xi32>,
      %swap3A_221 = arith.constant 48 : index
      %swap3A_222 = tpu.vector_load %arg7[%swap3A_221] {strides = array<i32>} : memref<256xi32, #tpu.memory_space<vmem>>, vector<16xi32>,
      tpu.vector_store %arg7[%swap3A_221], %gather3A_220 {strides = array<i32>} : memref<256xi32, #tpu.memory_space<vmem>>, vector<16xi32>,
      %mul3A_223 = arith.constant 128 : i32
      %mul3A_224 = arith.muli %select_n3A, %mul3A_223 : i32
      %add3A_225 = arith.constant 64 : i32
      %add3A_226 = arith.addi %mul3A_224, %add3A_225 : i32
      %add3A_227 = vector.broadcast %add3A_226 : i32 to vector<16xi32>
      %add3A_228 = arith.addi %add3A_227, %iota3A : vector<16xi32>
      %gather3A_229 = tpu.vector_load_idx %arg5[%add3A_228, %broadcast_in_dim3A_186] : memref<512x50xi32, #tpu.memory_space<vmem>>[vector<16xi32>, vector<16xi32>], vector<16xi32>,
      %swap3A_230 = arith.constant 64 : index
      %swap3A_231 = tpu.vector_load %arg7[%swap3A_230] {strides = array<i32>} : memref<256xi32, #tpu.memory_space<vmem>>, vector<16xi32>,
      tpu.vector_store %arg7[%swap3A_230], %gather3A_229 {strides = array<i32>} : memref<256xi32, #tpu.memory_space<vmem>>, vector<16xi32>,
      %mul3A_232 = arith.constant 128 : i32
      %mul3A_233 = arith.muli %select_n3A, %mul3A_232 : i32
      %add3A_234 = arith.constant 80 : i32
      %add3A_235 = arith.addi %mul3A_233, %add3A_234 : i32
      %add3A_236 = vector.broadcast %add3A_235 : i32 to vector<16xi32>
      %add3A_237 = arith.addi %add3A_236, %iota3A : vector<16xi32>
      %gather3A_238 = tpu.vector_load_idx %arg5[%add3A_237, %broadcast_in_dim3A_186] : memref<512x50xi32, #tpu.memory_space<vmem>>[vector<16xi32>, vector<16xi32>], vector<16xi32>,
      %swap3A_239 = arith.constant 80 : index
      %swap3A_240 = tpu.vector_load %arg7[%swap3A_239] {strides = array<i32>} : memref<256xi32, #tpu.memory_space<vmem>>, vector<16xi32>,
      tpu.vector_store %arg7[%swap3A_239], %gather3A_238 {strides = array<i32>} : memref<256xi32, #tpu.memory_space<vmem>>, vector<16xi32>,
      %mul3A_241 = arith.constant 128 : i32
      %mul3A_242 = arith.muli %select_n3A, %mul3A_241 : i32
      %add3A_243 = arith.constant 96 : i32
      %add3A_244 = arith.addi %mul3A_242, %add3A_243 : i32
      %add3A_245 = vector.broadcast %add3A_244 : i32 to vector<16xi32>
      %add3A_246 = arith.addi %add3A_245, %iota3A : vector<16xi32>
      %gather3A_247 = tpu.vector_load_idx %arg5[%add3A_246, %broadcast_in_dim3A_186] : memref<512x50xi32, #tpu.memory_space<vmem>>[vector<16xi32>, vector<16xi32>], vector<16xi32>,
      %swap3A_248 = arith.constant 96 : index
      %swap3A_249 = tpu.vector_load %arg7[%swap3A_248] {strides = array<i32>} : memref<256xi32, #tpu.memory_space<vmem>>, vector<16xi32>,
      tpu.vector_store %arg7[%swap3A_248], %gather3A_247 {strides = array<i32>} : memref<256xi32, #tpu.memory_space<vmem>>, vector<16xi32>,
      %mul3A_250 = arith.constant 128 : i32
      %mul3A_251 = arith.muli %select_n3A, %mul3A_250 : i32
      %add3A_252 = arith.constant 112 : i32
      %add3A_253 = arith.addi %mul3A_251, %add3A_252 : i32
      %add3A_254 = vector.broadcast %add3A_253 : i32 to vector<16xi32>
      %add3A_255 = arith.addi %add3A_254, %iota3A : vector<16xi32>
      %gather3A_256 = tpu.vector_load_idx %arg5[%add3A_255, %broadcast_in_dim3A_186] : memref<512x50xi32, #tpu.memory_space<vmem>>[vector<16xi32>, vector<16xi32>], vector<16xi32>,
      %swap3A_257 = arith.constant 112 : index
      %swap3A_258 = tpu.vector_load %arg7[%swap3A_257] {strides = array<i32>} : memref<256xi32, #tpu.memory_space<vmem>>, vector<16xi32>,
      tpu.vector_store %arg7[%swap3A_257], %gather3A_256 {strides = array<i32>} : memref<256xi32, #tpu.memory_space<vmem>>, vector<16xi32>,
      %add3A_259 = arith.constant 1 : i32
      %add3A_260 = arith.addi %mul3A_183, %add3A_259 : i32
      %broadcast_in_dim3A_261 = vector.broadcast %add3A_260 : i32 to vector<16xi32>
      %mul3A_262 = arith.constant 128 : i32
      %mul3A_263 = arith.muli %select_n3A, %mul3A_262 : i32
      %add3A_264 = arith.constant 0 : i32
      %add3A_265 = arith.addi %mul3A_263, %add3A_264 : i32
      %add3A_266 = vector.broadcast %add3A_265 : i32 to vector<16xi32>
      %add3A_267 = arith.addi %add3A_266, %iota3A : vector<16xi32>
      %gather3A_268 = tpu.vector_load_idx %arg5[%add3A_267, %broadcast_in_dim3A_261] : memref<512x50xi32, #tpu.memory_space<vmem>>[vector<16xi32>, vector<16xi32>], vector<16xi32>,
      %swap3A_269 = arith.constant 128 : index
      %swap3A_270 = tpu.vector_load %arg7[%swap3A_269] {strides = array<i32>} : memref<256xi32, #tpu.memory_space<vmem>>, vector<16xi32>,
      tpu.vector_store %arg7[%swap3A_269], %gather3A_268 {strides = array<i32>} : memref<256xi32, #tpu.memory_space<vmem>>, vector<16xi32>,
      %mul3A_271 = arith.constant 128 : i32
      %mul3A_272 = arith.muli %select_n3A, %mul3A_271 : i32
      %add3A_273 = arith.constant 16 : i32
      %add3A_274 = arith.addi %mul3A_272, %add3A_273 : i32
      %add3A_275 = vector.broadcast %add3A_274 : i32 to vector<16xi32>
      %add3A_276 = arith.addi %add3A_275, %iota3A : vector<16xi32>
      %gather3A_277 = tpu.vector_load_idx %arg5[%add3A_276, %broadcast_in_dim3A_261] : memref<512x50xi32, #tpu.memory_space<vmem>>[vector<16xi32>, vector<16xi32>], vector<16xi32>,
      %swap3A_278 = arith.constant 144 : index
      %swap3A_279 = tpu.vector_load %arg7[%swap3A_278] {strides = array<i32>} : memref<256xi32, #tpu.memory_space<vmem>>, vector<16xi32>,
      tpu.vector_store %arg7[%swap3A_278], %gather3A_277 {strides = array<i32>} : memref<256xi32, #tpu.memory_space<vmem>>, vector<16xi32>,
      %mul3A_280 = arith.constant 128 : i32
      %mul3A_281 = arith.muli %select_n3A, %mul3A_280 : i32
      %add3A_282 = arith.constant 32 : i32
      %add3A_283 = arith.addi %mul3A_281, %add3A_282 : i32
      %add3A_284 = vector.broadcast %add3A_283 : i32 to vector<16xi32>
      %add3A_285 = arith.addi %add3A_284, %iota3A : vector<16xi32>
      %gather3A_286 = tpu.vector_load_idx %arg5[%add3A_285, %broadcast_in_dim3A_261] : memref<512x50xi32, #tpu.memory_space<vmem>>[vector<16xi32>, vector<16xi32>], vector<16xi32>,
      %swap3A_287 = arith.constant 160 : index
      %swap3A_288 = tpu.vector_load %arg7[%swap3A_287] {strides = array<i32>} : memref<256xi32, #tpu.memory_space<vmem>>, vector<16xi32>,
      tpu.vector_store %arg7[%swap3A_287], %gather3A_286 {strides = array<i32>} : memref<256xi32, #tpu.memory_space<vmem>>, vector<16xi32>,
      %mul3A_289 = arith.constant 128 : i32
      %mul3A_290 = arith.muli %select_n3A, %mul3A_289 : i32
      %add3A_291 = arith.constant 48 : i32
      %add3A_292 = arith.addi %mul3A_290, %add3A_291 : i32
      %add3A_293 = vector.broadcast %add3A_292 : i32 to vector<16xi32>
      %add3A_294 = arith.addi %add3A_293, %iota3A : vector<16xi32>
      %gather3A_295 = tpu.vector_load_idx %arg5[%add3A_294, %broadcast_in_dim3A_261] : memref<512x50xi32, #tpu.memory_space<vmem>>[vector<16xi32>, vector<16xi32>], vector<16xi32>,
      %swap3A_296 = arith.constant 176 : index
      %swap3A_297 = tpu.vector_load %arg7[%swap3A_296] {strides = array<i32>} : memref<256xi32, #tpu.memory_space<vmem>>, vector<16xi32>,
      tpu.vector_store %arg7[%swap3A_296], %gather3A_295 {strides = array<i32>} : memref<256xi32, #tpu.memory_space<vmem>>, vector<16xi32>,
      %mul3A_298 = arith.constant 128 : i32
      %mul3A_299 = arith.muli %select_n3A, %mul3A_298 : i32
      %add3A_300 = arith.constant 64 : i32
      %add3A_301 = arith.addi %mul3A_299, %add3A_300 : i32
      %add3A_302 = vector.broadcast %add3A_301 : i32 to vector<16xi32>
      %add3A_303 = arith.addi %add3A_302, %iota3A : vector<16xi32>
      %gather3A_304 = tpu.vector_load_idx %arg5[%add3A_303, %broadcast_in_dim3A_261] : memref<512x50xi32, #tpu.memory_space<vmem>>[vector<16xi32>, vector<16xi32>], vector<16xi32>,
      %swap3A_305 = arith.constant 192 : index
      %swap3A_306 = tpu.vector_load %arg7[%swap3A_305] {strides = array<i32>} : memref<256xi32, #tpu.memory_space<vmem>>, vector<16xi32>,
      tpu.vector_store %arg7[%swap3A_305], %gather3A_304 {strides = array<i32>} : memref<256xi32, #tpu.memory_space<vmem>>, vector<16xi32>,
      %mul3A_307 = arith.constant 128 : i32
      %mul3A_308 = arith.muli %select_n3A, %mul3A_307 : i32
      %add3A_309 = arith.constant 80 : i32
      %add3A_310 = arith.addi %mul3A_308, %add3A_309 : i32
      %add3A_311 = vector.broadcast %add3A_310 : i32 to vector<16xi32>
      %add3A_312 = arith.addi %add3A_311, %iota3A : vector<16xi32>
      %gather3A_313 = tpu.vector_load_idx %arg5[%add3A_312, %broadcast_in_dim3A_261] : memref<512x50xi32, #tpu.memory_space<vmem>>[vector<16xi32>, vector<16xi32>], vector<16xi32>,
      %swap3A_314 = arith.constant 208 : index
      %swap3A_315 = tpu.vector_load %arg7[%swap3A_314] {strides = array<i32>} : memref<256xi32, #tpu.memory_space<vmem>>, vector<16xi32>,
      tpu.vector_store %arg7[%swap3A_314], %gather3A_313 {strides = array<i32>} : memref<256xi32, #tpu.memory_space<vmem>>, vector<16xi32>,
      %mul3A_316 = arith.constant 128 : i32
      %mul3A_317 = arith.muli %select_n3A, %mul3A_316 : i32
      %add3A_318 = arith.constant 96 : i32
      %add3A_319 = arith.addi %mul3A_317, %add3A_318 : i32
      %add3A_320 = vector.broadcast %add3A_319 : i32 to vector<16xi32>
      %add3A_321 = arith.addi %add3A_320, %iota3A : vector<16xi32>
      %gather3A_322 = tpu.vector_load_idx %arg5[%add3A_321, %broadcast_in_dim3A_261] : memref<512x50xi32, #tpu.memory_space<vmem>>[vector<16xi32>, vector<16xi32>], vector<16xi32>,
      %swap3A_323 = arith.constant 224 : index
      %swap3A_324 = tpu.vector_load %arg7[%swap3A_323] {strides = array<i32>} : memref<256xi32, #tpu.memory_space<vmem>>, vector<16xi32>,
      tpu.vector_store %arg7[%swap3A_323], %gather3A_322 {strides = array<i32>} : memref<256xi32, #tpu.memory_space<vmem>>, vector<16xi32>,
      %mul3A_325 = arith.constant 128 : i32
      %mul3A_326 = arith.muli %select_n3A, %mul3A_325 : i32
      %add3A_327 = arith.constant 112 : i32
      %add3A_328 = arith.addi %mul3A_326, %add3A_327 : i32
      %add3A_329 = vector.broadcast %add3A_328 : i32 to vector<16xi32>
      %add3A_330 = arith.addi %add3A_329, %iota3A : vector<16xi32>
      %gather3A_331 = tpu.vector_load_idx %arg5[%add3A_330, %broadcast_in_dim3A_261] : memref<512x50xi32, #tpu.memory_space<vmem>>[vector<16xi32>, vector<16xi32>], vector<16xi32>,
      %swap3A_332 = arith.constant 240 : index
      %swap3A_333 = tpu.vector_load %arg7[%swap3A_332] {strides = array<i32>} : memref<256xi32, #tpu.memory_space<vmem>>, vector<16xi32>,
      tpu.vector_store %arg7[%swap3A_332], %gather3A_331 {strides = array<i32>} : memref<256xi32, #tpu.memory_space<vmem>>, vector<16xi32>,
      %dma_start3A_334 = arith.constant 0 : i32
      %dma_start3A_335 = arith.constant 0 : i32
      %dma_start3A_336 = tpu.memref_slice %arg9[%dma_start3A_334, %dma_start3A_335] : memref<256x32xf32, #tpu.memory_space<vmem>> -> memref<128x32xf32, #tpu.memory_space<vmem>>
      %dma_start3A_337 = arith.constant 0 : i32
      %dma_start3A_338 = tpu.memref_slice %arg7[%dma_start3A_337] : memref<256xi32, #tpu.memory_space<vmem>> -> memref<128xi32, #tpu.memory_space<vmem>>
      %dma_start3A_339 = arith.constant 0 : i32
      %dma_start3A_340 = arith.constant 0 : i32
      %dma_start3A_341 = tpu.memref_slice %arg2[%dma_start3A_339, %dma_start3A_340] : memref<1000000x32xf32, #tpu.memory_space<hbm>> -> memref<1000000x32xf32, #tpu.memory_space<hbm>>
      tpu.enqueue_indirect_dma source(%dma_start3A_341 : memref<1000000x32xf32, #tpu.memory_space<hbm>>) target(%dma_start3A_336 : memref<128x32xf32, #tpu.memory_space<vmem>>) offsets(%dma_start3A_338 : memref<128xi32, #tpu.memory_space<vmem>>) semaphore(%arg13 : memref<!tpu.dma_semaphore, #tpu.memory_space<semaphore_mem>>)
      %dma_start3A_342 = arith.constant 128 : i32
      %dma_start3A_343 = arith.constant 0 : i32
      %dma_start3A_344 = tpu.memref_slice %arg9[%dma_start3A_342, %dma_start3A_343] : memref<256x32xf32, #tpu.memory_space<vmem>> -> memref<128x32xf32, #tpu.memory_space<vmem>>
      %dma_start3A_345 = arith.constant 128 : i32
      %dma_start3A_346 = tpu.memref_slice %arg7[%dma_start3A_345] : memref<256xi32, #tpu.memory_space<vmem>> -> memref<128xi32, #tpu.memory_space<vmem>>
      %dma_start3A_347 = arith.constant 0 : i32
      %dma_start3A_348 = arith.constant 0 : i32
      %dma_start3A_349 = tpu.memref_slice %arg2[%dma_start3A_347, %dma_start3A_348] : memref<1000000x32xf32, #tpu.memory_space<hbm>> -> memref<1000000x32xf32, #tpu.memory_space<hbm>>
      tpu.enqueue_indirect_dma source(%dma_start3A_349 : memref<1000000x32xf32, #tpu.memory_space<hbm>>) target(%dma_start3A_344 : memref<128x32xf32, #tpu.memory_space<vmem>>) offsets(%dma_start3A_346 : memref<128xi32, #tpu.memory_space<vmem>>) semaphore(%arg13 : memref<!tpu.dma_semaphore, #tpu.memory_space<semaphore_mem>>)
      %dma_wait3A_350 = arith.constant 0 : i32
      %dma_wait3A_351 = arith.constant 0 : i32
      %dma_wait3A_352 = tpu.memref_slice %arg2[%dma_wait3A_350, %dma_wait3A_351] : memref<1000000x32xf32, #tpu.memory_space<hbm>> -> memref<256x32xf32, #tpu.memory_space<hbm>>
      %dma_wait3A_353 = arith.constant 0 : i32
      %dma_wait3A_354 = arith.constant 0 : i32
      %dma_wait3A_355 = tpu.memref_slice %arg2[%dma_wait3A_353, %dma_wait3A_354] : memref<1000000x32xf32, #tpu.memory_space<hbm>> -> memref<256x32xf32, #tpu.memory_space<hbm>>
      tpu.wait_dma2 semaphore(%arg12 : memref<!tpu.dma_semaphore, #tpu.memory_space<semaphore_mem>>) src(%dma_wait3A_355 : memref<256x32xf32, #tpu.memory_space<hbm>>) dst(%arg8 : memref<256x32xf32, #tpu.memory_space<vmem>>)
      %gt3A = arith.constant 0 : i32
      %gt3A_356 = arith.cmpi sgt, %scan3A_147, %gt3A : i32
      %convert_element_type3A = arith.extui %gt3A_356 : i1 to i32
      %cond3A = arith.constant 0 : i32
      %cond3A_357 = arith.cmpi ne, %convert_element_type3A, %cond3A : i32
      scf.if %cond3A_357 {
        %sub3A_489 = arith.constant 2 : i32
        %sub3A_490 = arith.subi %mul3A_149, %sub3A_489 : i32
        %jit3A_491 = arith.constant 25 : i32
        %div3A_492 = arith.divsi %sub3A_490, %jit3A_491 : i32
        %sign3A_493 = arith.constant 0 : i32
        %sign3A_494 = arith.cmpi sgt, %sub3A_490, %sign3A_493 : i32
        %sign3A_495 = arith.extui %sign3A_494 : i1 to i32
        %sign3A_496 = arith.constant 0 : i32
        %sign3A_497 = arith.cmpi slt, %sub3A_490, %sign3A_496 : i32
        %sign3A_498 = arith.extui %sign3A_497 : i1 to i32
        %sign3A_499 = arith.subi %sign3A_495, %sign3A_498 : i32
        %sign3A_500 = arith.constant 0 : i32
        %sign3A_501 = arith.cmpi sgt, %jit3A_491, %sign3A_500 : i32
        %sign3A_502 = arith.extui %sign3A_501 : i1 to i32
        %sign3A_503 = arith.constant 0 : i32
        %sign3A_504 = arith.cmpi slt, %jit3A_491, %sign3A_503 : i32
        %sign3A_505 = arith.extui %sign3A_504 : i1 to i32
        %sign3A_506 = arith.subi %sign3A_502, %sign3A_505 : i32
        %ne3A_507 = arith.cmpi ne, %sign3A_499, %sign3A_506 : i32
        %rem3A_508 = arith.remsi %sub3A_490, %jit3A_491 : i32
        %ne3A_509 = arith.constant 0 : i32
        %ne3A_510 = arith.cmpi ne, %rem3A_508, %ne3A_509 : i32
        %and3A_511 = arith.andi %ne3A_507, %ne3A_510 : i1
        %sub3A_512 = arith.constant 1 : i32
        %sub3A_513 = arith.subi %div3A_492, %sub3A_512 : i32
        %select_n3A_514 = arith.select %and3A_511, %sub3A_513, %div3A_492 : i32
        %jit3A_515 = arith.constant 25 : i32
        %eq3A_516 = arith.constant 0 : i32
        %eq3A_517 = arith.cmpi eq, %jit3A_515, %eq3A_516 : i32
        %jit3A_518 = arith.constant 1 : i32
        %select_n3A_519 = arith.select %eq3A_517, %jit3A_518, %jit3A_515 : i32
        %rem3A_520 = arith.remsi %sub3A_490, %select_n3A_519 : i32
        %ne3A_521 = arith.constant 0 : i32
        %ne3A_522 = arith.cmpi ne, %rem3A_520, %ne3A_521 : i32
        %lt3A_523 = arith.constant 0 : i32
        %lt3A_524 = arith.cmpi slt, %rem3A_520, %lt3A_523 : i32
        %lt3A_525 = arith.constant 0 : i32
        %lt3A_526 = arith.cmpi slt, %select_n3A_519, %lt3A_525 : i32
        %ne3A_527 = arith.xori %lt3A_524, %lt3A_526 : i1
        %and3A_528 = arith.andi %ne3A_527, %ne3A_522 : i1
        %add3A_529 = arith.addi %rem3A_520, %select_n3A_519 : i32
        %select_n3A_530 = arith.select %and3A_528, %add3A_529, %rem3A_520 : i32
        %mul3A_531 = arith.constant 2 : i32
        %mul3A_532 = arith.muli %select_n3A_530, %mul3A_531 : i32
        %mul3A_533 = arith.constant 4 : i32
        %mul3A_534 = arith.muli %mul3A_533, %mul3A_532 : i32
        %mul3A_535 = arith.constant 4 : i32
        %mul3A_536 = arith.muli %add3A, %mul3A_535 : i32
        %add3A_537 = arith.addi %mul3A_536, %select_n3A_514 : i32
        %dma_wait3A_538 = arith.constant 0 : i32
        %dma_wait3A_539 = arith.constant 0 : i32
        %dma_wait3A_540 = tpu.memref_slice %arg4[%mul3A_534, %add3A_537, %dma_wait3A_538, %dma_wait3A_539] : memref<200x128x8x128xf32, #tpu.memory_space<hbm>> -> memref<8x1x8x128xf32, #tpu.memory_space<hbm>>
        %dma_wait3A_541 = tpu.memref_squeeze %dma_wait3A_540 : memref<8x1x8x128xf32, #tpu.memory_space<hbm>> -> memref<8x8x128xf32, #tpu.memory_space<hbm>>
        %dma_wait3A_542 = arith.constant 0 : i32
        %dma_wait3A_543 = arith.constant 0 : i32
        %dma_wait3A_544 = tpu.memref_slice %arg4[%mul3A_534, %add3A_537, %dma_wait3A_542, %dma_wait3A_543] : memref<200x128x8x128xf32, #tpu.memory_space<hbm>> -> memref<8x1x8x128xf32, #tpu.memory_space<hbm>>
        %dma_wait3A_545 = tpu.memref_squeeze %dma_wait3A_544 : memref<8x1x8x128xf32, #tpu.memory_space<hbm>> -> memref<8x8x128xf32, #tpu.memory_space<hbm>>
        tpu.wait_dma2 semaphore(%arg14 : memref<!tpu.dma_semaphore, #tpu.memory_space<semaphore_mem>>) src(%arg10 : memref<8x8x128xf32, #tpu.memory_space<vmem>>) dst(%dma_wait3A_545 : memref<8x8x128xf32, #tpu.memory_space<hbm>>)
      } else {
      }
      %parallel_loop3A = arith.constant 0 : i32
      %parallel_loop3A_358 = arith.constant 32 : i32
      %parallel_loop3A_359 = arith.constant 1 : i32
      scf.for %parallel_loop3A_489 = %parallel_loop3A to %parallel_loop3A_358 step %parallel_loop3A_359  : i32 {
        %parallel_loop3A_490 = arith.constant 8 : i32
        %parallel_loop3A_491 = arith.divsi %parallel_loop3A_489, %parallel_loop3A_490 : i32
        %parallel_loop3A_492 = arith.constant 0 : i32
        %parallel_loop3A_493 = arith.cmpi sgt, %parallel_loop3A_489, %parallel_loop3A_492 : i32
        %parallel_loop3A_494 = arith.extui %parallel_loop3A_493 : i1 to i32
        %parallel_loop3A_495 = arith.constant 0 : i32
        %parallel_loop3A_496 = arith.cmpi slt, %parallel_loop3A_489, %parallel_loop3A_495 : i32
        %parallel_loop3A_497 = arith.extui %parallel_loop3A_496 : i1 to i32
        %parallel_loop3A_498 = arith.subi %parallel_loop3A_494, %parallel_loop3A_497 : i32
        %parallel_loop3A_499 = arith.constant 0 : i32
        %parallel_loop3A_500 = arith.cmpi sgt, %parallel_loop3A_490, %parallel_loop3A_499 : i32
        %parallel_loop3A_501 = arith.extui %parallel_loop3A_500 : i1 to i32
        %parallel_loop3A_502 = arith.constant 0 : i32
        %parallel_loop3A_503 = arith.cmpi slt, %parallel_loop3A_490, %parallel_loop3A_502 : i32
        %parallel_loop3A_504 = arith.extui %parallel_loop3A_503 : i1 to i32
        %parallel_loop3A_505 = arith.subi %parallel_loop3A_501, %parallel_loop3A_504 : i32
        %parallel_loop3A_506 = arith.cmpi ne, %parallel_loop3A_498, %parallel_loop3A_505 : i32
        %parallel_loop3A_507 = arith.remsi %parallel_loop3A_489, %parallel_loop3A_490 : i32
        %parallel_loop3A_508 = arith.constant 0 : i32
        %parallel_loop3A_509 = arith.cmpi ne, %parallel_loop3A_507, %parallel_loop3A_508 : i32
        %parallel_loop3A_510 = arith.andi %parallel_loop3A_506, %parallel_loop3A_509 : i1
        %parallel_loop3A_511 = arith.constant 1 : i32
        %parallel_loop3A_512 = arith.subi %parallel_loop3A_491, %parallel_loop3A_511 : i32
        %parallel_loop3A_513 = arith.select %parallel_loop3A_510, %parallel_loop3A_512, %parallel_loop3A_491 : i32
        %parallel_loop3A_514 = arith.constant 8 : i32
        %parallel_loop3A_515 = arith.constant 0 : i32
        %parallel_loop3A_516 = arith.cmpi eq, %parallel_loop3A_514, %parallel_loop3A_515 : i32
        %parallel_loop3A_517 = arith.constant 1 : i32
        %parallel_loop3A_518 = arith.select %parallel_loop3A_516, %parallel_loop3A_517, %parallel_loop3A_514 : i32
        %parallel_loop3A_519 = arith.remsi %parallel_loop3A_489, %parallel_loop3A_518 : i32
        %parallel_loop3A_520 = arith.constant 0 : i32
        %parallel_loop3A_521 = arith.cmpi ne, %parallel_loop3A_519, %parallel_loop3A_520 : i32
        %parallel_loop3A_522 = arith.constant 0 : i32
        %parallel_loop3A_523 = arith.cmpi slt, %parallel_loop3A_519, %parallel_loop3A_522 : i32
        %parallel_loop3A_524 = arith.constant 0 : i32
        %parallel_loop3A_525 = arith.cmpi slt, %parallel_loop3A_518, %parallel_loop3A_524 : i32
        %parallel_loop3A_526 = arith.xori %parallel_loop3A_523, %parallel_loop3A_525 : i1
        %parallel_loop3A_527 = arith.andi %parallel_loop3A_526, %parallel_loop3A_521 : i1
        %parallel_loop3A_528 = arith.addi %parallel_loop3A_519, %parallel_loop3A_518 : i32
        %parallel_loop3A_529 = arith.select %parallel_loop3A_527, %parallel_loop3A_528, %parallel_loop3A_519 : i32
        %parallel_loop3A_530 = vector.broadcast %parallel_loop3A_489 : i32 to vector<16xi32>
        %parallel_loop3A_531 = arith.constant 0 : i32
        %parallel_loop3A_532 = vector.broadcast %parallel_loop3A_531 : i32 to vector<16xi32>
        %parallel_loop3A_533 = arith.addi %parallel_loop3A_532, %iota3A : vector<16xi32>
        %parallel_loop3A_534 = tpu.vector_load_idx %arg8[%parallel_loop3A_533, %parallel_loop3A_530] : memref<256x32xf32, #tpu.memory_space<vmem>>[vector<16xi32>, vector<16xi32>], vector<16xf32>,
        %parallel_loop3A_535 = arith.constant 16 : i32
        %parallel_loop3A_536 = vector.broadcast %parallel_loop3A_535 : i32 to vector<16xi32>
        %parallel_loop3A_537 = arith.addi %parallel_loop3A_536, %iota3A : vector<16xi32>
        %parallel_loop3A_538 = tpu.vector_load_idx %arg8[%parallel_loop3A_537, %parallel_loop3A_530] : memref<256x32xf32, #tpu.memory_space<vmem>>[vector<16xi32>, vector<16xi32>], vector<16xf32>,
        %parallel_loop3A_539 = arith.constant 32 : i32
        %parallel_loop3A_540 = vector.broadcast %parallel_loop3A_539 : i32 to vector<16xi32>
        %parallel_loop3A_541 = arith.addi %parallel_loop3A_540, %iota3A : vector<16xi32>
        %parallel_loop3A_542 = tpu.vector_load_idx %arg8[%parallel_loop3A_541, %parallel_loop3A_530] : memref<256x32xf32, #tpu.memory_space<vmem>>[vector<16xi32>, vector<16xi32>], vector<16xf32>,
        %parallel_loop3A_543 = arith.constant 48 : i32
        %parallel_loop3A_544 = vector.broadcast %parallel_loop3A_543 : i32 to vector<16xi32>
        %parallel_loop3A_545 = arith.addi %parallel_loop3A_544, %iota3A : vector<16xi32>
        %parallel_loop3A_546 = tpu.vector_load_idx %arg8[%parallel_loop3A_545, %parallel_loop3A_530] : memref<256x32xf32, #tpu.memory_space<vmem>>[vector<16xi32>, vector<16xi32>], vector<16xf32>,
        %parallel_loop3A_547 = arith.constant 64 : i32
        %parallel_loop3A_548 = vector.broadcast %parallel_loop3A_547 : i32 to vector<16xi32>
        %parallel_loop3A_549 = arith.addi %parallel_loop3A_548, %iota3A : vector<16xi32>
        %parallel_loop3A_550 = tpu.vector_load_idx %arg8[%parallel_loop3A_549, %parallel_loop3A_530] : memref<256x32xf32, #tpu.memory_space<vmem>>[vector<16xi32>, vector<16xi32>], vector<16xf32>,
        %parallel_loop3A_551 = arith.constant 80 : i32
        %parallel_loop3A_552 = vector.broadcast %parallel_loop3A_551 : i32 to vector<16xi32>
        %parallel_loop3A_553 = arith.addi %parallel_loop3A_552, %iota3A : vector<16xi32>
        %parallel_loop3A_554 = tpu.vector_load_idx %arg8[%parallel_loop3A_553, %parallel_loop3A_530] : memref<256x32xf32, #tpu.memory_space<vmem>>[vector<16xi32>, vector<16xi32>], vector<16xf32>,
        %parallel_loop3A_555 = arith.constant 96 : i32
        %parallel_loop3A_556 = vector.broadcast %parallel_loop3A_555 : i32 to vector<16xi32>
        %parallel_loop3A_557 = arith.addi %parallel_loop3A_556, %iota3A : vector<16xi32>
        %parallel_loop3A_558 = tpu.vector_load_idx %arg8[%parallel_loop3A_557, %parallel_loop3A_530] : memref<256x32xf32, #tpu.memory_space<vmem>>[vector<16xi32>, vector<16xi32>], vector<16xf32>,
        %parallel_loop3A_559 = arith.constant 112 : i32
        %parallel_loop3A_560 = vector.broadcast %parallel_loop3A_559 : i32 to vector<16xi32>
        %parallel_loop3A_561 = arith.addi %parallel_loop3A_560, %iota3A : vector<16xi32>
        %parallel_loop3A_562 = tpu.vector_load_idx %arg8[%parallel_loop3A_561, %parallel_loop3A_530] : memref<256x32xf32, #tpu.memory_space<vmem>>[vector<16xi32>, vector<16xi32>], vector<16xf32>,
        %parallel_loop3A_563 = arith.constant 128 : i32
        %parallel_loop3A_564 = vector.broadcast %parallel_loop3A_563 : i32 to vector<16xi32>
        %parallel_loop3A_565 = arith.addi %parallel_loop3A_564, %iota3A : vector<16xi32>
        %parallel_loop3A_566 = tpu.vector_load_idx %arg8[%parallel_loop3A_565, %parallel_loop3A_530] : memref<256x32xf32, #tpu.memory_space<vmem>>[vector<16xi32>, vector<16xi32>], vector<16xf32>,
        %parallel_loop3A_567 = arith.constant 144 : i32
        %parallel_loop3A_568 = vector.broadcast %parallel_loop3A_567 : i32 to vector<16xi32>
        %parallel_loop3A_569 = arith.addi %parallel_loop3A_568, %iota3A : vector<16xi32>
        %parallel_loop3A_570 = tpu.vector_load_idx %arg8[%parallel_loop3A_569, %parallel_loop3A_530] : memref<256x32xf32, #tpu.memory_space<vmem>>[vector<16xi32>, vector<16xi32>], vector<16xf32>,
        %parallel_loop3A_571 = arith.constant 160 : i32
        %parallel_loop3A_572 = vector.broadcast %parallel_loop3A_571 : i32 to vector<16xi32>
        %parallel_loop3A_573 = arith.addi %parallel_loop3A_572, %iota3A : vector<16xi32>
        %parallel_loop3A_574 = tpu.vector_load_idx %arg8[%parallel_loop3A_573, %parallel_loop3A_530] : memref<256x32xf32, #tpu.memory_space<vmem>>[vector<16xi32>, vector<16xi32>], vector<16xf32>,
        %parallel_loop3A_575 = arith.constant 176 : i32
        %parallel_loop3A_576 = vector.broadcast %parallel_loop3A_575 : i32 to vector<16xi32>
        %parallel_loop3A_577 = arith.addi %parallel_loop3A_576, %iota3A : vector<16xi32>
        %parallel_loop3A_578 = tpu.vector_load_idx %arg8[%parallel_loop3A_577, %parallel_loop3A_530] : memref<256x32xf32, #tpu.memory_space<vmem>>[vector<16xi32>, vector<16xi32>], vector<16xf32>,
        %parallel_loop3A_579 = arith.constant 192 : i32
        %parallel_loop3A_580 = vector.broadcast %parallel_loop3A_579 : i32 to vector<16xi32>
        %parallel_loop3A_581 = arith.addi %parallel_loop3A_580, %iota3A : vector<16xi32>
        %parallel_loop3A_582 = tpu.vector_load_idx %arg8[%parallel_loop3A_581, %parallel_loop3A_530] : memref<256x32xf32, #tpu.memory_space<vmem>>[vector<16xi32>, vector<16xi32>], vector<16xf32>,
        %parallel_loop3A_583 = arith.constant 208 : i32
        %parallel_loop3A_584 = vector.broadcast %parallel_loop3A_583 : i32 to vector<16xi32>
        %parallel_loop3A_585 = arith.addi %parallel_loop3A_584, %iota3A : vector<16xi32>
        %parallel_loop3A_586 = tpu.vector_load_idx %arg8[%parallel_loop3A_585, %parallel_loop3A_530] : memref<256x32xf32, #tpu.memory_space<vmem>>[vector<16xi32>, vector<16xi32>], vector<16xf32>,
        %parallel_loop3A_587 = arith.constant 224 : i32
        %parallel_loop3A_588 = vector.broadcast %parallel_loop3A_587 : i32 to vector<16xi32>
        %parallel_loop3A_589 = arith.addi %parallel_loop3A_588, %iota3A : vector<16xi32>
        %parallel_loop3A_590 = tpu.vector_load_idx %arg8[%parallel_loop3A_589, %parallel_loop3A_530] : memref<256x32xf32, #tpu.memory_space<vmem>>[vector<16xi32>, vector<16xi32>], vector<16xf32>,
        %parallel_loop3A_591 = arith.constant 240 : i32
        %parallel_loop3A_592 = vector.broadcast %parallel_loop3A_591 : i32 to vector<16xi32>
        %parallel_loop3A_593 = arith.addi %parallel_loop3A_592, %iota3A : vector<16xi32>
        %parallel_loop3A_594 = tpu.vector_load_idx %arg8[%parallel_loop3A_593, %parallel_loop3A_530] : memref<256x32xf32, #tpu.memory_space<vmem>>[vector<16xi32>, vector<16xi32>], vector<16xf32>,
        %parallel_loop3A_595 = arith.constant 0 : i32
        %parallel_loop3A_596 = arith.addi %parallel_loop3A_595, %parallel_loop3A_513 : i32
        %parallel_loop3A_597 = arith.index_cast %parallel_loop3A_596 : i32 to index
        %parallel_loop3A_598 = arith.index_cast %parallel_loop3A_529 : i32 to index
        %parallel_loop3A_599 = arith.constant 0 : index
        %parallel_loop3A_600 = tpu.vector_load %arg10[%parallel_loop3A_597, %parallel_loop3A_598, %parallel_loop3A_599] {strides = array<i32>} : memref<8x8x128xf32, #tpu.memory_space<vmem>>, vector<16xf32>,
        tpu.vector_store %arg10[%parallel_loop3A_597, %parallel_loop3A_598, %parallel_loop3A_599], %parallel_loop3A_534 {strides = array<i32>} : memref<8x8x128xf32, #tpu.memory_space<vmem>>, vector<16xf32>,
        %parallel_loop3A_601 = arith.constant 0 : i32
        %parallel_loop3A_602 = arith.addi %parallel_loop3A_601, %parallel_loop3A_513 : i32
        %parallel_loop3A_603 = arith.index_cast %parallel_loop3A_602 : i32 to index
        %parallel_loop3A_604 = arith.index_cast %parallel_loop3A_529 : i32 to index
        %parallel_loop3A_605 = arith.constant 16 : index
        %parallel_loop3A_606 = tpu.vector_load %arg10[%parallel_loop3A_603, %parallel_loop3A_604, %parallel_loop3A_605] {strides = array<i32>} : memref<8x8x128xf32, #tpu.memory_space<vmem>>, vector<16xf32>,
        tpu.vector_store %arg10[%parallel_loop3A_603, %parallel_loop3A_604, %parallel_loop3A_605], %parallel_loop3A_538 {strides = array<i32>} : memref<8x8x128xf32, #tpu.memory_space<vmem>>, vector<16xf32>,
        %parallel_loop3A_607 = arith.constant 0 : i32
        %parallel_loop3A_608 = arith.addi %parallel_loop3A_607, %parallel_loop3A_513 : i32
        %parallel_loop3A_609 = arith.index_cast %parallel_loop3A_608 : i32 to index
        %parallel_loop3A_610 = arith.index_cast %parallel_loop3A_529 : i32 to index
        %parallel_loop3A_611 = arith.constant 32 : index
        %parallel_loop3A_612 = tpu.vector_load %arg10[%parallel_loop3A_609, %parallel_loop3A_610, %parallel_loop3A_611] {strides = array<i32>} : memref<8x8x128xf32, #tpu.memory_space<vmem>>, vector<16xf32>,
        tpu.vector_store %arg10[%parallel_loop3A_609, %parallel_loop3A_610, %parallel_loop3A_611], %parallel_loop3A_542 {strides = array<i32>} : memref<8x8x128xf32, #tpu.memory_space<vmem>>, vector<16xf32>,
        %parallel_loop3A_613 = arith.constant 0 : i32
        %parallel_loop3A_614 = arith.addi %parallel_loop3A_613, %parallel_loop3A_513 : i32
        %parallel_loop3A_615 = arith.index_cast %parallel_loop3A_614 : i32 to index
        %parallel_loop3A_616 = arith.index_cast %parallel_loop3A_529 : i32 to index
        %parallel_loop3A_617 = arith.constant 48 : index
        %parallel_loop3A_618 = tpu.vector_load %arg10[%parallel_loop3A_615, %parallel_loop3A_616, %parallel_loop3A_617] {strides = array<i32>} : memref<8x8x128xf32, #tpu.memory_space<vmem>>, vector<16xf32>,
        tpu.vector_store %arg10[%parallel_loop3A_615, %parallel_loop3A_616, %parallel_loop3A_617], %parallel_loop3A_546 {strides = array<i32>} : memref<8x8x128xf32, #tpu.memory_space<vmem>>, vector<16xf32>,
        %parallel_loop3A_619 = arith.constant 0 : i32
        %parallel_loop3A_620 = arith.addi %parallel_loop3A_619, %parallel_loop3A_513 : i32
        %parallel_loop3A_621 = arith.index_cast %parallel_loop3A_620 : i32 to index
        %parallel_loop3A_622 = arith.index_cast %parallel_loop3A_529 : i32 to index
        %parallel_loop3A_623 = arith.constant 64 : index
        %parallel_loop3A_624 = tpu.vector_load %arg10[%parallel_loop3A_621, %parallel_loop3A_622, %parallel_loop3A_623] {strides = array<i32>} : memref<8x8x128xf32, #tpu.memory_space<vmem>>, vector<16xf32>,
        tpu.vector_store %arg10[%parallel_loop3A_621, %parallel_loop3A_622, %parallel_loop3A_623], %parallel_loop3A_550 {strides = array<i32>} : memref<8x8x128xf32, #tpu.memory_space<vmem>>, vector<16xf32>,
        %parallel_loop3A_625 = arith.constant 0 : i32
        %parallel_loop3A_626 = arith.addi %parallel_loop3A_625, %parallel_loop3A_513 : i32
        %parallel_loop3A_627 = arith.index_cast %parallel_loop3A_626 : i32 to index
        %parallel_loop3A_628 = arith.index_cast %parallel_loop3A_529 : i32 to index
        %parallel_loop3A_629 = arith.constant 80 : index
        %parallel_loop3A_630 = tpu.vector_load %arg10[%parallel_loop3A_627, %parallel_loop3A_628, %parallel_loop3A_629] {strides = array<i32>} : memref<8x8x128xf32, #tpu.memory_space<vmem>>, vector<16xf32>,
        tpu.vector_store %arg10[%parallel_loop3A_627, %parallel_loop3A_628, %parallel_loop3A_629], %parallel_loop3A_554 {strides = array<i32>} : memref<8x8x128xf32, #tpu.memory_space<vmem>>, vector<16xf32>,
        %parallel_loop3A_631 = arith.constant 0 : i32
        %parallel_loop3A_632 = arith.addi %parallel_loop3A_631, %parallel_loop3A_513 : i32
        %parallel_loop3A_633 = arith.index_cast %parallel_loop3A_632 : i32 to index
        %parallel_loop3A_634 = arith.index_cast %parallel_loop3A_529 : i32 to index
        %parallel_loop3A_635 = arith.constant 96 : index
        %parallel_loop3A_636 = tpu.vector_load %arg10[%parallel_loop3A_633, %parallel_loop3A_634, %parallel_loop3A_635] {strides = array<i32>} : memref<8x8x128xf32, #tpu.memory_space<vmem>>, vector<16xf32>,
        tpu.vector_store %arg10[%parallel_loop3A_633, %parallel_loop3A_634, %parallel_loop3A_635], %parallel_loop3A_558 {strides = array<i32>} : memref<8x8x128xf32, #tpu.memory_space<vmem>>, vector<16xf32>,
        %parallel_loop3A_637 = arith.constant 0 : i32
        %parallel_loop3A_638 = arith.addi %parallel_loop3A_637, %parallel_loop3A_513 : i32
        %parallel_loop3A_639 = arith.index_cast %parallel_loop3A_638 : i32 to index
        %parallel_loop3A_640 = arith.index_cast %parallel_loop3A_529 : i32 to index
        %parallel_loop3A_641 = arith.constant 112 : index
        %parallel_loop3A_642 = tpu.vector_load %arg10[%parallel_loop3A_639, %parallel_loop3A_640, %parallel_loop3A_641] {strides = array<i32>} : memref<8x8x128xf32, #tpu.memory_space<vmem>>, vector<16xf32>,
        tpu.vector_store %arg10[%parallel_loop3A_639, %parallel_loop3A_640, %parallel_loop3A_641], %parallel_loop3A_562 {strides = array<i32>} : memref<8x8x128xf32, #tpu.memory_space<vmem>>, vector<16xf32>,
        %parallel_loop3A_643 = arith.constant 4 : i32
        %parallel_loop3A_644 = arith.addi %parallel_loop3A_643, %parallel_loop3A_513 : i32
        %parallel_loop3A_645 = arith.index_cast %parallel_loop3A_644 : i32 to index
        %parallel_loop3A_646 = arith.index_cast %parallel_loop3A_529 : i32 to index
        %parallel_loop3A_647 = arith.constant 0 : index
        %parallel_loop3A_648 = tpu.vector_load %arg10[%parallel_loop3A_645, %parallel_loop3A_646, %parallel_loop3A_647] {strides = array<i32>} : memref<8x8x128xf32, #tpu.memory_space<vmem>>, vector<16xf32>,
        tpu.vector_store %arg10[%parallel_loop3A_645, %parallel_loop3A_646, %parallel_loop3A_647], %parallel_loop3A_566 {strides = array<i32>} : memref<8x8x128xf32, #tpu.memory_space<vmem>>, vector<16xf32>,
        %parallel_loop3A_649 = arith.constant 4 : i32
        %parallel_loop3A_650 = arith.addi %parallel_loop3A_649, %parallel_loop3A_513 : i32
        %parallel_loop3A_651 = arith.index_cast %parallel_loop3A_650 : i32 to index
        %parallel_loop3A_652 = arith.index_cast %parallel_loop3A_529 : i32 to index
        %parallel_loop3A_653 = arith.constant 16 : index
        %parallel_loop3A_654 = tpu.vector_load %arg10[%parallel_loop3A_651, %parallel_loop3A_652, %parallel_loop3A_653] {strides = array<i32>} : memref<8x8x128xf32, #tpu.memory_space<vmem>>, vector<16xf32>,
        tpu.vector_store %arg10[%parallel_loop3A_651, %parallel_loop3A_652, %parallel_loop3A_653], %parallel_loop3A_570 {strides = array<i32>} : memref<8x8x128xf32, #tpu.memory_space<vmem>>, vector<16xf32>,
        %parallel_loop3A_655 = arith.constant 4 : i32
        %parallel_loop3A_656 = arith.addi %parallel_loop3A_655, %parallel_loop3A_513 : i32
        %parallel_loop3A_657 = arith.index_cast %parallel_loop3A_656 : i32 to index
        %parallel_loop3A_658 = arith.index_cast %parallel_loop3A_529 : i32 to index
        %parallel_loop3A_659 = arith.constant 32 : index
        %parallel_loop3A_660 = tpu.vector_load %arg10[%parallel_loop3A_657, %parallel_loop3A_658, %parallel_loop3A_659] {strides = array<i32>} : memref<8x8x128xf32, #tpu.memory_space<vmem>>, vector<16xf32>,
        tpu.vector_store %arg10[%parallel_loop3A_657, %parallel_loop3A_658, %parallel_loop3A_659], %parallel_loop3A_574 {strides = array<i32>} : memref<8x8x128xf32, #tpu.memory_space<vmem>>, vector<16xf32>,
        %parallel_loop3A_661 = arith.constant 4 : i32
        %parallel_loop3A_662 = arith.addi %parallel_loop3A_661, %parallel_loop3A_513 : i32
        %parallel_loop3A_663 = arith.index_cast %parallel_loop3A_662 : i32 to index
        %parallel_loop3A_664 = arith.index_cast %parallel_loop3A_529 : i32 to index
        %parallel_loop3A_665 = arith.constant 48 : index
        %parallel_loop3A_666 = tpu.vector_load %arg10[%parallel_loop3A_663, %parallel_loop3A_664, %parallel_loop3A_665] {strides = array<i32>} : memref<8x8x128xf32, #tpu.memory_space<vmem>>, vector<16xf32>,
        tpu.vector_store %arg10[%parallel_loop3A_663, %parallel_loop3A_664, %parallel_loop3A_665], %parallel_loop3A_578 {strides = array<i32>} : memref<8x8x128xf32, #tpu.memory_space<vmem>>, vector<16xf32>,
        %parallel_loop3A_667 = arith.constant 4 : i32
        %parallel_loop3A_668 = arith.addi %parallel_loop3A_667, %parallel_loop3A_513 : i32
        %parallel_loop3A_669 = arith.index_cast %parallel_loop3A_668 : i32 to index
        %parallel_loop3A_670 = arith.index_cast %parallel_loop3A_529 : i32 to index
        %parallel_loop3A_671 = arith.constant 64 : index
        %parallel_loop3A_672 = tpu.vector_load %arg10[%parallel_loop3A_669, %parallel_loop3A_670, %parallel_loop3A_671] {strides = array<i32>} : memref<8x8x128xf32, #tpu.memory_space<vmem>>, vector<16xf32>,
        tpu.vector_store %arg10[%parallel_loop3A_669, %parallel_loop3A_670, %parallel_loop3A_671], %parallel_loop3A_582 {strides = array<i32>} : memref<8x8x128xf32, #tpu.memory_space<vmem>>, vector<16xf32>,
        %parallel_loop3A_673 = arith.constant 4 : i32
        %parallel_loop3A_674 = arith.addi %parallel_loop3A_673, %parallel_loop3A_513 : i32
        %parallel_loop3A_675 = arith.index_cast %parallel_loop3A_674 : i32 to index
        %parallel_loop3A_676 = arith.index_cast %parallel_loop3A_529 : i32 to index
        %parallel_loop3A_677 = arith.constant 80 : index
        %parallel_loop3A_678 = tpu.vector_load %arg10[%parallel_loop3A_675, %parallel_loop3A_676, %parallel_loop3A_677] {strides = array<i32>} : memref<8x8x128xf32, #tpu.memory_space<vmem>>, vector<16xf32>,
        tpu.vector_store %arg10[%parallel_loop3A_675, %parallel_loop3A_676, %parallel_loop3A_677], %parallel_loop3A_586 {strides = array<i32>} : memref<8x8x128xf32, #tpu.memory_space<vmem>>, vector<16xf32>,
        %parallel_loop3A_679 = arith.constant 4 : i32
        %parallel_loop3A_680 = arith.addi %parallel_loop3A_679, %parallel_loop3A_513 : i32
        %parallel_loop3A_681 = arith.index_cast %parallel_loop3A_680 : i32 to index
        %parallel_loop3A_682 = arith.index_cast %parallel_loop3A_529 : i32 to index
        %parallel_loop3A_683 = arith.constant 96 : index
        %parallel_loop3A_684 = tpu.vector_load %arg10[%parallel_loop3A_681, %parallel_loop3A_682, %parallel_loop3A_683] {strides = array<i32>} : memref<8x8x128xf32, #tpu.memory_space<vmem>>, vector<16xf32>,
        tpu.vector_store %arg10[%parallel_loop3A_681, %parallel_loop3A_682, %parallel_loop3A_683], %parallel_loop3A_590 {strides = array<i32>} : memref<8x8x128xf32, #tpu.memory_space<vmem>>, vector<16xf32>,
        %parallel_loop3A_685 = arith.constant 4 : i32
        %parallel_loop3A_686 = arith.addi %parallel_loop3A_685, %parallel_loop3A_513 : i32
        %parallel_loop3A_687 = arith.index_cast %parallel_loop3A_686 : i32 to index
        %parallel_loop3A_688 = arith.index_cast %parallel_loop3A_529 : i32 to index
        %parallel_loop3A_689 = arith.constant 112 : index
        %parallel_loop3A_690 = tpu.vector_load %arg10[%parallel_loop3A_687, %parallel_loop3A_688, %parallel_loop3A_689] {strides = array<i32>} : memref<8x8x128xf32, #tpu.memory_space<vmem>>, vector<16xf32>,
        tpu.vector_store %arg10[%parallel_loop3A_687, %parallel_loop3A_688, %parallel_loop3A_689], %parallel_loop3A_594 {strides = array<i32>} : memref<8x8x128xf32, #tpu.memory_space<vmem>>, vector<16xf32>,
      } {sc.loop_unroll_factor = 4 : i64, sc.parallel_access}
      %jit3A_360 = arith.constant 25 : i32
      %div3A_361 = arith.divsi %mul3A_149, %jit3A_360 : i32
      %sign3A_362 = arith.constant 0 : i32
      %sign3A_363 = arith.cmpi sgt, %mul3A_149, %sign3A_362 : i32
      %sign3A_364 = arith.extui %sign3A_363 : i1 to i32
      %sign3A_365 = arith.constant 0 : i32
      %sign3A_366 = arith.cmpi slt, %mul3A_149, %sign3A_365 : i32
      %sign3A_367 = arith.extui %sign3A_366 : i1 to i32
      %sign3A_368 = arith.subi %sign3A_364, %sign3A_367 : i32
      %sign3A_369 = arith.constant 0 : i32
      %sign3A_370 = arith.cmpi sgt, %jit3A_360, %sign3A_369 : i32
      %sign3A_371 = arith.extui %sign3A_370 : i1 to i32
      %sign3A_372 = arith.constant 0 : i32
      %sign3A_373 = arith.cmpi slt, %jit3A_360, %sign3A_372 : i32
      %sign3A_374 = arith.extui %sign3A_373 : i1 to i32
      %sign3A_375 = arith.subi %sign3A_371, %sign3A_374 : i32
      %ne3A_376 = arith.cmpi ne, %sign3A_368, %sign3A_375 : i32
      %rem3A_377 = arith.remsi %mul3A_149, %jit3A_360 : i32
      %ne3A_378 = arith.constant 0 : i32
      %ne3A_379 = arith.cmpi ne, %rem3A_377, %ne3A_378 : i32
      %and3A_380 = arith.andi %ne3A_376, %ne3A_379 : i1
      %sub3A_381 = arith.constant 1 : i32
      %sub3A_382 = arith.subi %div3A_361, %sub3A_381 : i32
      %select_n3A_383 = arith.select %and3A_380, %sub3A_382, %div3A_361 : i32
      %jit3A_384 = arith.constant 25 : i32
      %eq3A_385 = arith.constant 0 : i32
      %eq3A_386 = arith.cmpi eq, %jit3A_384, %eq3A_385 : i32
      %jit3A_387 = arith.constant 1 : i32
      %select_n3A_388 = arith.select %eq3A_386, %jit3A_387, %jit3A_384 : i32
      %rem3A_389 = arith.remsi %mul3A_149, %select_n3A_388 : i32
      %ne3A_390 = arith.constant 0 : i32
      %ne3A_391 = arith.cmpi ne, %rem3A_389, %ne3A_390 : i32
      %lt3A_392 = arith.constant 0 : i32
      %lt3A_393 = arith.cmpi slt, %rem3A_389, %lt3A_392 : i32
      %lt3A_394 = arith.constant 0 : i32
      %lt3A_395 = arith.cmpi slt, %select_n3A_388, %lt3A_394 : i32
      %ne3A_396 = arith.xori %lt3A_393, %lt3A_395 : i1
      %and3A_397 = arith.andi %ne3A_396, %ne3A_391 : i1
      %add3A_398 = arith.addi %rem3A_389, %select_n3A_388 : i32
      %select_n3A_399 = arith.select %and3A_397, %add3A_398, %rem3A_389 : i32
      %mul3A_400 = arith.constant 2 : i32
      %mul3A_401 = arith.muli %select_n3A_399, %mul3A_400 : i32
      %mul3A_402 = arith.constant 4 : i32
      %mul3A_403 = arith.muli %mul3A_402, %mul3A_401 : i32
      %mul3A_404 = arith.constant 4 : i32
      %mul3A_405 = arith.muli %add3A, %mul3A_404 : i32
      %add3A_406 = arith.addi %mul3A_405, %select_n3A_383 : i32
      %dma_start3A_407 = arith.constant 0 : i32
      %dma_start3A_408 = arith.constant 0 : i32
      %dma_start3A_409 = tpu.memref_slice %arg4[%mul3A_403, %add3A_406, %dma_start3A_407, %dma_start3A_408] : memref<200x128x8x128xf32, #tpu.memory_space<hbm>> -> memref<8x1x8x128xf32, #tpu.memory_space<hbm>>
      %dma_start3A_410 = tpu.memref_squeeze %dma_start3A_409 : memref<8x1x8x128xf32, #tpu.memory_space<hbm>> -> memref<8x8x128xf32, #tpu.memory_space<hbm>>
      %dma_start3A_411 = arith.constant 0 : i32
      %dma_start3A_412 = arith.constant 0 : i32
      %dma_start3A_413 = tpu.memref_slice %arg4[%mul3A_403, %add3A_406, %dma_start3A_411, %dma_start3A_412] : memref<200x128x8x128xf32, #tpu.memory_space<hbm>> -> memref<8x1x8x128xf32, #tpu.memory_space<hbm>>
      %dma_start3A_414 = tpu.memref_squeeze %dma_start3A_413 : memref<8x1x8x128xf32, #tpu.memory_space<hbm>> -> memref<8x8x128xf32, #tpu.memory_space<hbm>>
      tpu.enqueue_dma source(%arg10 : memref<8x8x128xf32, #tpu.memory_space<vmem>>) target(%dma_start3A_414 : memref<8x8x128xf32, #tpu.memory_space<hbm>>) target_semaphore(%arg14 : memref<!tpu.dma_semaphore, #tpu.memory_space<semaphore_mem>>)
      %lt3A_415 = arith.constant 49 : i32
      %lt3A_416 = arith.cmpi slt, %scan3A_147, %lt3A_415 : i32
      %convert_element_type3A_417 = arith.extui %lt3A_416 : i1 to i32
      %cond3A_418 = arith.constant 0 : i32
      %cond3A_419 = arith.cmpi ne, %convert_element_type3A_417, %cond3A_418 : i32
      scf.if %cond3A_419 {
        %add3A_489 = arith.constant 2 : i32
        %add3A_490 = arith.addi %mul3A_149, %add3A_489 : i32
        %jit3A_491 = arith.constant 25 : i32
        %div3A_492 = arith.divsi %add3A_490, %jit3A_491 : i32
        %sign3A_493 = arith.constant 0 : i32
        %sign3A_494 = arith.cmpi sgt, %add3A_490, %sign3A_493 : i32
        %sign3A_495 = arith.extui %sign3A_494 : i1 to i32
        %sign3A_496 = arith.constant 0 : i32
        %sign3A_497 = arith.cmpi slt, %add3A_490, %sign3A_496 : i32
        %sign3A_498 = arith.extui %sign3A_497 : i1 to i32
        %sign3A_499 = arith.subi %sign3A_495, %sign3A_498 : i32
        %sign3A_500 = arith.constant 0 : i32
        %sign3A_501 = arith.cmpi sgt, %jit3A_491, %sign3A_500 : i32
        %sign3A_502 = arith.extui %sign3A_501 : i1 to i32
        %sign3A_503 = arith.constant 0 : i32
        %sign3A_504 = arith.cmpi slt, %jit3A_491, %sign3A_503 : i32
        %sign3A_505 = arith.extui %sign3A_504 : i1 to i32
        %sign3A_506 = arith.subi %sign3A_502, %sign3A_505 : i32
        %ne3A_507 = arith.cmpi ne, %sign3A_499, %sign3A_506 : i32
        %rem3A_508 = arith.remsi %add3A_490, %jit3A_491 : i32
        %ne3A_509 = arith.constant 0 : i32
        %ne3A_510 = arith.cmpi ne, %rem3A_508, %ne3A_509 : i32
        %and3A_511 = arith.andi %ne3A_507, %ne3A_510 : i1
        %sub3A_512 = arith.constant 1 : i32
        %sub3A_513 = arith.subi %div3A_492, %sub3A_512 : i32
        %select_n3A_514 = arith.select %and3A_511, %sub3A_513, %div3A_492 : i32
        %jit3A_515 = arith.constant 25 : i32
        %eq3A_516 = arith.constant 0 : i32
        %eq3A_517 = arith.cmpi eq, %jit3A_515, %eq3A_516 : i32
        %jit3A_518 = arith.constant 1 : i32
        %select_n3A_519 = arith.select %eq3A_517, %jit3A_518, %jit3A_515 : i32
        %rem3A_520 = arith.remsi %add3A_490, %select_n3A_519 : i32
        %ne3A_521 = arith.constant 0 : i32
        %ne3A_522 = arith.cmpi ne, %rem3A_520, %ne3A_521 : i32
        %lt3A_523 = arith.constant 0 : i32
        %lt3A_524 = arith.cmpi slt, %rem3A_520, %lt3A_523 : i32
        %lt3A_525 = arith.constant 0 : i32
        %lt3A_526 = arith.cmpi slt, %select_n3A_519, %lt3A_525 : i32
        %ne3A_527 = arith.xori %lt3A_524, %lt3A_526 : i1
        %and3A_528 = arith.andi %ne3A_527, %ne3A_522 : i1
        %add3A_529 = arith.addi %rem3A_520, %select_n3A_519 : i32
        %select_n3A_530 = arith.select %and3A_528, %add3A_529, %rem3A_520 : i32
        %mul3A_531 = arith.constant 2 : i32
        %mul3A_532 = arith.muli %select_n3A_530, %mul3A_531 : i32
        %add3A_533 = arith.constant 0 : i32
        %add3A_534 = arith.addi %mul3A_532, %add3A_533 : i32
        %broadcast_in_dim3A_535 = vector.broadcast %add3A_534 : i32 to vector<16xi32>
        %mul3A_536 = arith.constant 128 : i32
        %mul3A_537 = arith.muli %select_n3A_514, %mul3A_536 : i32
        %add3A_538 = arith.constant 0 : i32
        %add3A_539 = arith.addi %mul3A_537, %add3A_538 : i32
        %add3A_540 = vector.broadcast %add3A_539 : i32 to vector<16xi32>
        %add3A_541 = arith.addi %add3A_540, %iota3A : vector<16xi32>
        %gather3A_542 = tpu.vector_load_idx %arg5[%add3A_541, %broadcast_in_dim3A_535] : memref<512x50xi32, #tpu.memory_space<vmem>>[vector<16xi32>, vector<16xi32>], vector<16xi32>,
        %swap3A_543 = arith.constant 0 : index
        %swap3A_544 = tpu.vector_load %arg6[%swap3A_543] {strides = array<i32>} : memref<256xi32, #tpu.memory_space<vmem>>, vector<16xi32>,
        tpu.vector_store %arg6[%swap3A_543], %gather3A_542 {strides = array<i32>} : memref<256xi32, #tpu.memory_space<vmem>>, vector<16xi32>,
        %mul3A_545 = arith.constant 128 : i32
        %mul3A_546 = arith.muli %select_n3A_514, %mul3A_545 : i32
        %add3A_547 = arith.constant 16 : i32
        %add3A_548 = arith.addi %mul3A_546, %add3A_547 : i32
        %add3A_549 = vector.broadcast %add3A_548 : i32 to vector<16xi32>
        %add3A_550 = arith.addi %add3A_549, %iota3A : vector<16xi32>
        %gather3A_551 = tpu.vector_load_idx %arg5[%add3A_550, %broadcast_in_dim3A_535] : memref<512x50xi32, #tpu.memory_space<vmem>>[vector<16xi32>, vector<16xi32>], vector<16xi32>,
        %swap3A_552 = arith.constant 16 : index
        %swap3A_553 = tpu.vector_load %arg6[%swap3A_552] {strides = array<i32>} : memref<256xi32, #tpu.memory_space<vmem>>, vector<16xi32>,
        tpu.vector_store %arg6[%swap3A_552], %gather3A_551 {strides = array<i32>} : memref<256xi32, #tpu.memory_space<vmem>>, vector<16xi32>,
        %mul3A_554 = arith.constant 128 : i32
        %mul3A_555 = arith.muli %select_n3A_514, %mul3A_554 : i32
        %add3A_556 = arith.constant 32 : i32
        %add3A_557 = arith.addi %mul3A_555, %add3A_556 : i32
        %add3A_558 = vector.broadcast %add3A_557 : i32 to vector<16xi32>
        %add3A_559 = arith.addi %add3A_558, %iota3A : vector<16xi32>
        %gather3A_560 = tpu.vector_load_idx %arg5[%add3A_559, %broadcast_in_dim3A_535] : memref<512x50xi32, #tpu.memory_space<vmem>>[vector<16xi32>, vector<16xi32>], vector<16xi32>,
        %swap3A_561 = arith.constant 32 : index
        %swap3A_562 = tpu.vector_load %arg6[%swap3A_561] {strides = array<i32>} : memref<256xi32, #tpu.memory_space<vmem>>, vector<16xi32>,
        tpu.vector_store %arg6[%swap3A_561], %gather3A_560 {strides = array<i32>} : memref<256xi32, #tpu.memory_space<vmem>>, vector<16xi32>,
        %mul3A_563 = arith.constant 128 : i32
        %mul3A_564 = arith.muli %select_n3A_514, %mul3A_563 : i32
        %add3A_565 = arith.constant 48 : i32
        %add3A_566 = arith.addi %mul3A_564, %add3A_565 : i32
        %add3A_567 = vector.broadcast %add3A_566 : i32 to vector<16xi32>
        %add3A_568 = arith.addi %add3A_567, %iota3A : vector<16xi32>
        %gather3A_569 = tpu.vector_load_idx %arg5[%add3A_568, %broadcast_in_dim3A_535] : memref<512x50xi32, #tpu.memory_space<vmem>>[vector<16xi32>, vector<16xi32>], vector<16xi32>,
        %swap3A_570 = arith.constant 48 : index
        %swap3A_571 = tpu.vector_load %arg6[%swap3A_570] {strides = array<i32>} : memref<256xi32, #tpu.memory_space<vmem>>, vector<16xi32>,
        tpu.vector_store %arg6[%swap3A_570], %gather3A_569 {strides = array<i32>} : memref<256xi32, #tpu.memory_space<vmem>>, vector<16xi32>,
        %mul3A_572 = arith.constant 128 : i32
        %mul3A_573 = arith.muli %select_n3A_514, %mul3A_572 : i32
        %add3A_574 = arith.constant 64 : i32
        %add3A_575 = arith.addi %mul3A_573, %add3A_574 : i32
        %add3A_576 = vector.broadcast %add3A_575 : i32 to vector<16xi32>
        %add3A_577 = arith.addi %add3A_576, %iota3A : vector<16xi32>
        %gather3A_578 = tpu.vector_load_idx %arg5[%add3A_577, %broadcast_in_dim3A_535] : memref<512x50xi32, #tpu.memory_space<vmem>>[vector<16xi32>, vector<16xi32>], vector<16xi32>,
        %swap3A_579 = arith.constant 64 : index
        %swap3A_580 = tpu.vector_load %arg6[%swap3A_579] {strides = array<i32>} : memref<256xi32, #tpu.memory_space<vmem>>, vector<16xi32>,
        tpu.vector_store %arg6[%swap3A_579], %gather3A_578 {strides = array<i32>} : memref<256xi32, #tpu.memory_space<vmem>>, vector<16xi32>,
        %mul3A_581 = arith.constant 128 : i32
        %mul3A_582 = arith.muli %select_n3A_514, %mul3A_581 : i32
        %add3A_583 = arith.constant 80 : i32
        %add3A_584 = arith.addi %mul3A_582, %add3A_583 : i32
        %add3A_585 = vector.broadcast %add3A_584 : i32 to vector<16xi32>
        %add3A_586 = arith.addi %add3A_585, %iota3A : vector<16xi32>
        %gather3A_587 = tpu.vector_load_idx %arg5[%add3A_586, %broadcast_in_dim3A_535] : memref<512x50xi32, #tpu.memory_space<vmem>>[vector<16xi32>, vector<16xi32>], vector<16xi32>,
        %swap3A_588 = arith.constant 80 : index
        %swap3A_589 = tpu.vector_load %arg6[%swap3A_588] {strides = array<i32>} : memref<256xi32, #tpu.memory_space<vmem>>, vector<16xi32>,
        tpu.vector_store %arg6[%swap3A_588], %gather3A_587 {strides = array<i32>} : memref<256xi32, #tpu.memory_space<vmem>>, vector<16xi32>,
        %mul3A_590 = arith.constant 128 : i32
        %mul3A_591 = arith.muli %select_n3A_514, %mul3A_590 : i32
        %add3A_592 = arith.constant 96 : i32
        %add3A_593 = arith.addi %mul3A_591, %add3A_592 : i32
        %add3A_594 = vector.broadcast %add3A_593 : i32 to vector<16xi32>
        %add3A_595 = arith.addi %add3A_594, %iota3A : vector<16xi32>
        %gather3A_596 = tpu.vector_load_idx %arg5[%add3A_595, %broadcast_in_dim3A_535] : memref<512x50xi32, #tpu.memory_space<vmem>>[vector<16xi32>, vector<16xi32>], vector<16xi32>,
        %swap3A_597 = arith.constant 96 : index
        %swap3A_598 = tpu.vector_load %arg6[%swap3A_597] {strides = array<i32>} : memref<256xi32, #tpu.memory_space<vmem>>, vector<16xi32>,
        tpu.vector_store %arg6[%swap3A_597], %gather3A_596 {strides = array<i32>} : memref<256xi32, #tpu.memory_space<vmem>>, vector<16xi32>,
        %mul3A_599 = arith.constant 128 : i32
        %mul3A_600 = arith.muli %select_n3A_514, %mul3A_599 : i32
        %add3A_601 = arith.constant 112 : i32
        %add3A_602 = arith.addi %mul3A_600, %add3A_601 : i32
        %add3A_603 = vector.broadcast %add3A_602 : i32 to vector<16xi32>
        %add3A_604 = arith.addi %add3A_603, %iota3A : vector<16xi32>
        %gather3A_605 = tpu.vector_load_idx %arg5[%add3A_604, %broadcast_in_dim3A_535] : memref<512x50xi32, #tpu.memory_space<vmem>>[vector<16xi32>, vector<16xi32>], vector<16xi32>,
        %swap3A_606 = arith.constant 112 : index
        %swap3A_607 = tpu.vector_load %arg6[%swap3A_606] {strides = array<i32>} : memref<256xi32, #tpu.memory_space<vmem>>, vector<16xi32>,
        tpu.vector_store %arg6[%swap3A_606], %gather3A_605 {strides = array<i32>} : memref<256xi32, #tpu.memory_space<vmem>>, vector<16xi32>,
        %add3A_608 = arith.constant 1 : i32
        %add3A_609 = arith.addi %mul3A_532, %add3A_608 : i32
        %broadcast_in_dim3A_610 = vector.broadcast %add3A_609 : i32 to vector<16xi32>
        %mul3A_611 = arith.constant 128 : i32
        %mul3A_612 = arith.muli %select_n3A_514, %mul3A_611 : i32
        %add3A_613 = arith.constant 0 : i32
        %add3A_614 = arith.addi %mul3A_612, %add3A_613 : i32
        %add3A_615 = vector.broadcast %add3A_614 : i32 to vector<16xi32>
        %add3A_616 = arith.addi %add3A_615, %iota3A : vector<16xi32>
        %gather3A_617 = tpu.vector_load_idx %arg5[%add3A_616, %broadcast_in_dim3A_610] : memref<512x50xi32, #tpu.memory_space<vmem>>[vector<16xi32>, vector<16xi32>], vector<16xi32>,
        %swap3A_618 = arith.constant 128 : index
        %swap3A_619 = tpu.vector_load %arg6[%swap3A_618] {strides = array<i32>} : memref<256xi32, #tpu.memory_space<vmem>>, vector<16xi32>,
        tpu.vector_store %arg6[%swap3A_618], %gather3A_617 {strides = array<i32>} : memref<256xi32, #tpu.memory_space<vmem>>, vector<16xi32>,
        %mul3A_620 = arith.constant 128 : i32
        %mul3A_621 = arith.muli %select_n3A_514, %mul3A_620 : i32
        %add3A_622 = arith.constant 16 : i32
        %add3A_623 = arith.addi %mul3A_621, %add3A_622 : i32
        %add3A_624 = vector.broadcast %add3A_623 : i32 to vector<16xi32>
        %add3A_625 = arith.addi %add3A_624, %iota3A : vector<16xi32>
        %gather3A_626 = tpu.vector_load_idx %arg5[%add3A_625, %broadcast_in_dim3A_610] : memref<512x50xi32, #tpu.memory_space<vmem>>[vector<16xi32>, vector<16xi32>], vector<16xi32>,
        %swap3A_627 = arith.constant 144 : index
        %swap3A_628 = tpu.vector_load %arg6[%swap3A_627] {strides = array<i32>} : memref<256xi32, #tpu.memory_space<vmem>>, vector<16xi32>,
        tpu.vector_store %arg6[%swap3A_627], %gather3A_626 {strides = array<i32>} : memref<256xi32, #tpu.memory_space<vmem>>, vector<16xi32>,
        %mul3A_629 = arith.constant 128 : i32
        %mul3A_630 = arith.muli %select_n3A_514, %mul3A_629 : i32
        %add3A_631 = arith.constant 32 : i32
        %add3A_632 = arith.addi %mul3A_630, %add3A_631 : i32
        %add3A_633 = vector.broadcast %add3A_632 : i32 to vector<16xi32>
        %add3A_634 = arith.addi %add3A_633, %iota3A : vector<16xi32>
        %gather3A_635 = tpu.vector_load_idx %arg5[%add3A_634, %broadcast_in_dim3A_610] : memref<512x50xi32, #tpu.memory_space<vmem>>[vector<16xi32>, vector<16xi32>], vector<16xi32>,
        %swap3A_636 = arith.constant 160 : index
        %swap3A_637 = tpu.vector_load %arg6[%swap3A_636] {strides = array<i32>} : memref<256xi32, #tpu.memory_space<vmem>>, vector<16xi32>,
        tpu.vector_store %arg6[%swap3A_636], %gather3A_635 {strides = array<i32>} : memref<256xi32, #tpu.memory_space<vmem>>, vector<16xi32>,
        %mul3A_638 = arith.constant 128 : i32
        %mul3A_639 = arith.muli %select_n3A_514, %mul3A_638 : i32
        %add3A_640 = arith.constant 48 : i32
        %add3A_641 = arith.addi %mul3A_639, %add3A_640 : i32
        %add3A_642 = vector.broadcast %add3A_641 : i32 to vector<16xi32>
        %add3A_643 = arith.addi %add3A_642, %iota3A : vector<16xi32>
        %gather3A_644 = tpu.vector_load_idx %arg5[%add3A_643, %broadcast_in_dim3A_610] : memref<512x50xi32, #tpu.memory_space<vmem>>[vector<16xi32>, vector<16xi32>], vector<16xi32>,
        %swap3A_645 = arith.constant 176 : index
        %swap3A_646 = tpu.vector_load %arg6[%swap3A_645] {strides = array<i32>} : memref<256xi32, #tpu.memory_space<vmem>>, vector<16xi32>,
        tpu.vector_store %arg6[%swap3A_645], %gather3A_644 {strides = array<i32>} : memref<256xi32, #tpu.memory_space<vmem>>, vector<16xi32>,
        %mul3A_647 = arith.constant 128 : i32
        %mul3A_648 = arith.muli %select_n3A_514, %mul3A_647 : i32
        %add3A_649 = arith.constant 64 : i32
        %add3A_650 = arith.addi %mul3A_648, %add3A_649 : i32
        %add3A_651 = vector.broadcast %add3A_650 : i32 to vector<16xi32>
        %add3A_652 = arith.addi %add3A_651, %iota3A : vector<16xi32>
        %gather3A_653 = tpu.vector_load_idx %arg5[%add3A_652, %broadcast_in_dim3A_610] : memref<512x50xi32, #tpu.memory_space<vmem>>[vector<16xi32>, vector<16xi32>], vector<16xi32>,
        %swap3A_654 = arith.constant 192 : index
        %swap3A_655 = tpu.vector_load %arg6[%swap3A_654] {strides = array<i32>} : memref<256xi32, #tpu.memory_space<vmem>>, vector<16xi32>,
        tpu.vector_store %arg6[%swap3A_654], %gather3A_653 {strides = array<i32>} : memref<256xi32, #tpu.memory_space<vmem>>, vector<16xi32>,
        %mul3A_656 = arith.constant 128 : i32
        %mul3A_657 = arith.muli %select_n3A_514, %mul3A_656 : i32
        %add3A_658 = arith.constant 80 : i32
        %add3A_659 = arith.addi %mul3A_657, %add3A_658 : i32
        %add3A_660 = vector.broadcast %add3A_659 : i32 to vector<16xi32>
        %add3A_661 = arith.addi %add3A_660, %iota3A : vector<16xi32>
        %gather3A_662 = tpu.vector_load_idx %arg5[%add3A_661, %broadcast_in_dim3A_610] : memref<512x50xi32, #tpu.memory_space<vmem>>[vector<16xi32>, vector<16xi32>], vector<16xi32>,
        %swap3A_663 = arith.constant 208 : index
        %swap3A_664 = tpu.vector_load %arg6[%swap3A_663] {strides = array<i32>} : memref<256xi32, #tpu.memory_space<vmem>>, vector<16xi32>,
        tpu.vector_store %arg6[%swap3A_663], %gather3A_662 {strides = array<i32>} : memref<256xi32, #tpu.memory_space<vmem>>, vector<16xi32>,
        %mul3A_665 = arith.constant 128 : i32
        %mul3A_666 = arith.muli %select_n3A_514, %mul3A_665 : i32
        %add3A_667 = arith.constant 96 : i32
        %add3A_668 = arith.addi %mul3A_666, %add3A_667 : i32
        %add3A_669 = vector.broadcast %add3A_668 : i32 to vector<16xi32>
        %add3A_670 = arith.addi %add3A_669, %iota3A : vector<16xi32>
        %gather3A_671 = tpu.vector_load_idx %arg5[%add3A_670, %broadcast_in_dim3A_610] : memref<512x50xi32, #tpu.memory_space<vmem>>[vector<16xi32>, vector<16xi32>], vector<16xi32>,
        %swap3A_672 = arith.constant 224 : index
        %swap3A_673 = tpu.vector_load %arg6[%swap3A_672] {strides = array<i32>} : memref<256xi32, #tpu.memory_space<vmem>>, vector<16xi32>,
        tpu.vector_store %arg6[%swap3A_672], %gather3A_671 {strides = array<i32>} : memref<256xi32, #tpu.memory_space<vmem>>, vector<16xi32>,
        %mul3A_674 = arith.constant 128 : i32
        %mul3A_675 = arith.muli %select_n3A_514, %mul3A_674 : i32
        %add3A_676 = arith.constant 112 : i32
        %add3A_677 = arith.addi %mul3A_675, %add3A_676 : i32
        %add3A_678 = vector.broadcast %add3A_677 : i32 to vector<16xi32>
        %add3A_679 = arith.addi %add3A_678, %iota3A : vector<16xi32>
        %gather3A_680 = tpu.vector_load_idx %arg5[%add3A_679, %broadcast_in_dim3A_610] : memref<512x50xi32, #tpu.memory_space<vmem>>[vector<16xi32>, vector<16xi32>], vector<16xi32>,
        %swap3A_681 = arith.constant 240 : index
        %swap3A_682 = tpu.vector_load %arg6[%swap3A_681] {strides = array<i32>} : memref<256xi32, #tpu.memory_space<vmem>>, vector<16xi32>,
        tpu.vector_store %arg6[%swap3A_681], %gather3A_680 {strides = array<i32>} : memref<256xi32, #tpu.memory_space<vmem>>, vector<16xi32>,
        %dma_start3A_683 = arith.constant 0 : i32
        %dma_start3A_684 = arith.constant 0 : i32
        %dma_start3A_685 = tpu.memref_slice %arg8[%dma_start3A_683, %dma_start3A_684] : memref<256x32xf32, #tpu.memory_space<vmem>> -> memref<128x32xf32, #tpu.memory_space<vmem>>
        %dma_start3A_686 = arith.constant 0 : i32
        %dma_start3A_687 = tpu.memref_slice %arg6[%dma_start3A_686] : memref<256xi32, #tpu.memory_space<vmem>> -> memref<128xi32, #tpu.memory_space<vmem>>
        %dma_start3A_688 = arith.constant 0 : i32
        %dma_start3A_689 = arith.constant 0 : i32
        %dma_start3A_690 = tpu.memref_slice %arg2[%dma_start3A_688, %dma_start3A_689] : memref<1000000x32xf32, #tpu.memory_space<hbm>> -> memref<1000000x32xf32, #tpu.memory_space<hbm>>
        tpu.enqueue_indirect_dma source(%dma_start3A_690 : memref<1000000x32xf32, #tpu.memory_space<hbm>>) target(%dma_start3A_685 : memref<128x32xf32, #tpu.memory_space<vmem>>) offsets(%dma_start3A_687 : memref<128xi32, #tpu.memory_space<vmem>>) semaphore(%arg12 : memref<!tpu.dma_semaphore, #tpu.memory_space<semaphore_mem>>)
        %dma_start3A_691 = arith.constant 128 : i32
        %dma_start3A_692 = arith.constant 0 : i32
        %dma_start3A_693 = tpu.memref_slice %arg8[%dma_start3A_691, %dma_start3A_692] : memref<256x32xf32, #tpu.memory_space<vmem>> -> memref<128x32xf32, #tpu.memory_space<vmem>>
        %dma_start3A_694 = arith.constant 128 : i32
        %dma_start3A_695 = tpu.memref_slice %arg6[%dma_start3A_694] : memref<256xi32, #tpu.memory_space<vmem>> -> memref<128xi32, #tpu.memory_space<vmem>>
        %dma_start3A_696 = arith.constant 0 : i32
        %dma_start3A_697 = arith.constant 0 : i32
        %dma_start3A_698 = tpu.memref_slice %arg2[%dma_start3A_696, %dma_start3A_697] : memref<1000000x32xf32, #tpu.memory_space<hbm>> -> memref<1000000x32xf32, #tpu.memory_space<hbm>>
        tpu.enqueue_indirect_dma source(%dma_start3A_698 : memref<1000000x32xf32, #tpu.memory_space<hbm>>) target(%dma_start3A_693 : memref<128x32xf32, #tpu.memory_space<vmem>>) offsets(%dma_start3A_695 : memref<128xi32, #tpu.memory_space<vmem>>) semaphore(%arg12 : memref<!tpu.dma_semaphore, #tpu.memory_space<semaphore_mem>>)
      } else {
      }
      %dma_wait3A_420 = arith.constant 0 : i32
      %dma_wait3A_421 = arith.constant 0 : i32
      %dma_wait3A_422 = tpu.memref_slice %arg2[%dma_wait3A_420, %dma_wait3A_421] : memref<1000000x32xf32, #tpu.memory_space<hbm>> -> memref<256x32xf32, #tpu.memory_space<hbm>>
      %dma_wait3A_423 = arith.constant 0 : i32
      %dma_wait3A_424 = arith.constant 0 : i32
      %dma_wait3A_425 = tpu.memref_slice %arg2[%dma_wait3A_423, %dma_wait3A_424] : memref<1000000x32xf32, #tpu.memory_space<hbm>> -> memref<256x32xf32, #tpu.memory_space<hbm>>
      tpu.wait_dma2 semaphore(%arg13 : memref<!tpu.dma_semaphore, #tpu.memory_space<semaphore_mem>>) src(%dma_wait3A_425 : memref<256x32xf32, #tpu.memory_space<hbm>>) dst(%arg9 : memref<256x32xf32, #tpu.memory_space<vmem>>)
      %gt3A_426 = arith.constant 0 : i32
      %gt3A_427 = arith.cmpi sgt, %scan3A_147, %gt3A_426 : i32
      %convert_element_type3A_428 = arith.extui %gt3A_427 : i1 to i32
      %cond3A_429 = arith.constant 0 : i32
      %cond3A_430 = arith.cmpi ne, %convert_element_type3A_428, %cond3A_429 : i32
      scf.if %cond3A_430 {
        %sub3A_489 = arith.constant 2 : i32
        %sub3A_490 = arith.subi %add3A_151, %sub3A_489 : i32
        %jit3A_491 = arith.constant 25 : i32
        %div3A_492 = arith.divsi %sub3A_490, %jit3A_491 : i32
        %sign3A_493 = arith.constant 0 : i32
        %sign3A_494 = arith.cmpi sgt, %sub3A_490, %sign3A_493 : i32
        %sign3A_495 = arith.extui %sign3A_494 : i1 to i32
        %sign3A_496 = arith.constant 0 : i32
        %sign3A_497 = arith.cmpi slt, %sub3A_490, %sign3A_496 : i32
        %sign3A_498 = arith.extui %sign3A_497 : i1 to i32
        %sign3A_499 = arith.subi %sign3A_495, %sign3A_498 : i32
        %sign3A_500 = arith.constant 0 : i32
        %sign3A_501 = arith.cmpi sgt, %jit3A_491, %sign3A_500 : i32
        %sign3A_502 = arith.extui %sign3A_501 : i1 to i32
        %sign3A_503 = arith.constant 0 : i32
        %sign3A_504 = arith.cmpi slt, %jit3A_491, %sign3A_503 : i32
        %sign3A_505 = arith.extui %sign3A_504 : i1 to i32
        %sign3A_506 = arith.subi %sign3A_502, %sign3A_505 : i32
        %ne3A_507 = arith.cmpi ne, %sign3A_499, %sign3A_506 : i32
        %rem3A_508 = arith.remsi %sub3A_490, %jit3A_491 : i32
        %ne3A_509 = arith.constant 0 : i32
        %ne3A_510 = arith.cmpi ne, %rem3A_508, %ne3A_509 : i32
        %and3A_511 = arith.andi %ne3A_507, %ne3A_510 : i1
        %sub3A_512 = arith.constant 1 : i32
        %sub3A_513 = arith.subi %div3A_492, %sub3A_512 : i32
        %select_n3A_514 = arith.select %and3A_511, %sub3A_513, %div3A_492 : i32
        %jit3A_515 = arith.constant 25 : i32
        %eq3A_516 = arith.constant 0 : i32
        %eq3A_517 = arith.cmpi eq, %jit3A_515, %eq3A_516 : i32
        %jit3A_518 = arith.constant 1 : i32
        %select_n3A_519 = arith.select %eq3A_517, %jit3A_518, %jit3A_515 : i32
        %rem3A_520 = arith.remsi %sub3A_490, %select_n3A_519 : i32
        %ne3A_521 = arith.constant 0 : i32
        %ne3A_522 = arith.cmpi ne, %rem3A_520, %ne3A_521 : i32
        %lt3A_523 = arith.constant 0 : i32
        %lt3A_524 = arith.cmpi slt, %rem3A_520, %lt3A_523 : i32
        %lt3A_525 = arith.constant 0 : i32
        %lt3A_526 = arith.cmpi slt, %select_n3A_519, %lt3A_525 : i32
        %ne3A_527 = arith.xori %lt3A_524, %lt3A_526 : i1
        %and3A_528 = arith.andi %ne3A_527, %ne3A_522 : i1
        %add3A_529 = arith.addi %rem3A_520, %select_n3A_519 : i32
        %select_n3A_530 = arith.select %and3A_528, %add3A_529, %rem3A_520 : i32
        %mul3A_531 = arith.constant 2 : i32
        %mul3A_532 = arith.muli %select_n3A_530, %mul3A_531 : i32
        %mul3A_533 = arith.constant 4 : i32
        %mul3A_534 = arith.muli %mul3A_533, %mul3A_532 : i32
        %mul3A_535 = arith.constant 4 : i32
        %mul3A_536 = arith.muli %add3A, %mul3A_535 : i32
        %add3A_537 = arith.addi %mul3A_536, %select_n3A_514 : i32
        %dma_wait3A_538 = arith.constant 0 : i32
        %dma_wait3A_539 = arith.constant 0 : i32
        %dma_wait3A_540 = tpu.memref_slice %arg4[%mul3A_534, %add3A_537, %dma_wait3A_538, %dma_wait3A_539] : memref<200x128x8x128xf32, #tpu.memory_space<hbm>> -> memref<8x1x8x128xf32, #tpu.memory_space<hbm>>
        %dma_wait3A_541 = tpu.memref_squeeze %dma_wait3A_540 : memref<8x1x8x128xf32, #tpu.memory_space<hbm>> -> memref<8x8x128xf32, #tpu.memory_space<hbm>>
        %dma_wait3A_542 = arith.constant 0 : i32
        %dma_wait3A_543 = arith.constant 0 : i32
        %dma_wait3A_544 = tpu.memref_slice %arg4[%mul3A_534, %add3A_537, %dma_wait3A_542, %dma_wait3A_543] : memref<200x128x8x128xf32, #tpu.memory_space<hbm>> -> memref<8x1x8x128xf32, #tpu.memory_space<hbm>>
        %dma_wait3A_545 = tpu.memref_squeeze %dma_wait3A_544 : memref<8x1x8x128xf32, #tpu.memory_space<hbm>> -> memref<8x8x128xf32, #tpu.memory_space<hbm>>
        tpu.wait_dma2 semaphore(%arg15 : memref<!tpu.dma_semaphore, #tpu.memory_space<semaphore_mem>>) src(%arg11 : memref<8x8x128xf32, #tpu.memory_space<vmem>>) dst(%dma_wait3A_545 : memref<8x8x128xf32, #tpu.memory_space<hbm>>)
      } else {
      }
      %parallel_loop3A_431 = arith.constant 0 : i32
      %parallel_loop3A_432 = arith.constant 32 : i32
      %parallel_loop3A_433 = arith.constant 1 : i32
      scf.for %parallel_loop3A_489 = %parallel_loop3A_431 to %parallel_loop3A_432 step %parallel_loop3A_433  : i32 {
        %parallel_loop3A_490 = arith.constant 8 : i32
        %parallel_loop3A_491 = arith.divsi %parallel_loop3A_489, %parallel_loop3A_490 : i32
        %parallel_loop3A_492 = arith.constant 0 : i32
        %parallel_loop3A_493 = arith.cmpi sgt, %parallel_loop3A_489, %parallel_loop3A_492 : i32
        %parallel_loop3A_494 = arith.extui %parallel_loop3A_493 : i1 to i32
        %parallel_loop3A_495 = arith.constant 0 : i32
        %parallel_loop3A_496 = arith.cmpi slt, %parallel_loop3A_489, %parallel_loop3A_495 : i32
        %parallel_loop3A_497 = arith.extui %parallel_loop3A_496 : i1 to i32
        %parallel_loop3A_498 = arith.subi %parallel_loop3A_494, %parallel_loop3A_497 : i32
        %parallel_loop3A_499 = arith.constant 0 : i32
        %parallel_loop3A_500 = arith.cmpi sgt, %parallel_loop3A_490, %parallel_loop3A_499 : i32
        %parallel_loop3A_501 = arith.extui %parallel_loop3A_500 : i1 to i32
        %parallel_loop3A_502 = arith.constant 0 : i32
        %parallel_loop3A_503 = arith.cmpi slt, %parallel_loop3A_490, %parallel_loop3A_502 : i32
        %parallel_loop3A_504 = arith.extui %parallel_loop3A_503 : i1 to i32
        %parallel_loop3A_505 = arith.subi %parallel_loop3A_501, %parallel_loop3A_504 : i32
        %parallel_loop3A_506 = arith.cmpi ne, %parallel_loop3A_498, %parallel_loop3A_505 : i32
        %parallel_loop3A_507 = arith.remsi %parallel_loop3A_489, %parallel_loop3A_490 : i32
        %parallel_loop3A_508 = arith.constant 0 : i32
        %parallel_loop3A_509 = arith.cmpi ne, %parallel_loop3A_507, %parallel_loop3A_508 : i32
        %parallel_loop3A_510 = arith.andi %parallel_loop3A_506, %parallel_loop3A_509 : i1
        %parallel_loop3A_511 = arith.constant 1 : i32
        %parallel_loop3A_512 = arith.subi %parallel_loop3A_491, %parallel_loop3A_511 : i32
        %parallel_loop3A_513 = arith.select %parallel_loop3A_510, %parallel_loop3A_512, %parallel_loop3A_491 : i32
        %parallel_loop3A_514 = arith.constant 8 : i32
        %parallel_loop3A_515 = arith.constant 0 : i32
        %parallel_loop3A_516 = arith.cmpi eq, %parallel_loop3A_514, %parallel_loop3A_515 : i32
        %parallel_loop3A_517 = arith.constant 1 : i32
        %parallel_loop3A_518 = arith.select %parallel_loop3A_516, %parallel_loop3A_517, %parallel_loop3A_514 : i32
        %parallel_loop3A_519 = arith.remsi %parallel_loop3A_489, %parallel_loop3A_518 : i32
        %parallel_loop3A_520 = arith.constant 0 : i32
        %parallel_loop3A_521 = arith.cmpi ne, %parallel_loop3A_519, %parallel_loop3A_520 : i32
        %parallel_loop3A_522 = arith.constant 0 : i32
        %parallel_loop3A_523 = arith.cmpi slt, %parallel_loop3A_519, %parallel_loop3A_522 : i32
        %parallel_loop3A_524 = arith.constant 0 : i32
        %parallel_loop3A_525 = arith.cmpi slt, %parallel_loop3A_518, %parallel_loop3A_524 : i32
        %parallel_loop3A_526 = arith.xori %parallel_loop3A_523, %parallel_loop3A_525 : i1
        %parallel_loop3A_527 = arith.andi %parallel_loop3A_526, %parallel_loop3A_521 : i1
        %parallel_loop3A_528 = arith.addi %parallel_loop3A_519, %parallel_loop3A_518 : i32
        %parallel_loop3A_529 = arith.select %parallel_loop3A_527, %parallel_loop3A_528, %parallel_loop3A_519 : i32
        %parallel_loop3A_530 = vector.broadcast %parallel_loop3A_489 : i32 to vector<16xi32>
        %parallel_loop3A_531 = arith.constant 0 : i32
        %parallel_loop3A_532 = vector.broadcast %parallel_loop3A_531 : i32 to vector<16xi32>
        %parallel_loop3A_533 = arith.addi %parallel_loop3A_532, %iota3A : vector<16xi32>
        %parallel_loop3A_534 = tpu.vector_load_idx %arg9[%parallel_loop3A_533, %parallel_loop3A_530] : memref<256x32xf32, #tpu.memory_space<vmem>>[vector<16xi32>, vector<16xi32>], vector<16xf32>,
        %parallel_loop3A_535 = arith.constant 16 : i32
        %parallel_loop3A_536 = vector.broadcast %parallel_loop3A_535 : i32 to vector<16xi32>
        %parallel_loop3A_537 = arith.addi %parallel_loop3A_536, %iota3A : vector<16xi32>
        %parallel_loop3A_538 = tpu.vector_load_idx %arg9[%parallel_loop3A_537, %parallel_loop3A_530] : memref<256x32xf32, #tpu.memory_space<vmem>>[vector<16xi32>, vector<16xi32>], vector<16xf32>,
        %parallel_loop3A_539 = arith.constant 32 : i32
        %parallel_loop3A_540 = vector.broadcast %parallel_loop3A_539 : i32 to vector<16xi32>
        %parallel_loop3A_541 = arith.addi %parallel_loop3A_540, %iota3A : vector<16xi32>
        %parallel_loop3A_542 = tpu.vector_load_idx %arg9[%parallel_loop3A_541, %parallel_loop3A_530] : memref<256x32xf32, #tpu.memory_space<vmem>>[vector<16xi32>, vector<16xi32>], vector<16xf32>,
        %parallel_loop3A_543 = arith.constant 48 : i32
        %parallel_loop3A_544 = vector.broadcast %parallel_loop3A_543 : i32 to vector<16xi32>
        %parallel_loop3A_545 = arith.addi %parallel_loop3A_544, %iota3A : vector<16xi32>
        %parallel_loop3A_546 = tpu.vector_load_idx %arg9[%parallel_loop3A_545, %parallel_loop3A_530] : memref<256x32xf32, #tpu.memory_space<vmem>>[vector<16xi32>, vector<16xi32>], vector<16xf32>,
        %parallel_loop3A_547 = arith.constant 64 : i32
        %parallel_loop3A_548 = vector.broadcast %parallel_loop3A_547 : i32 to vector<16xi32>
        %parallel_loop3A_549 = arith.addi %parallel_loop3A_548, %iota3A : vector<16xi32>
        %parallel_loop3A_550 = tpu.vector_load_idx %arg9[%parallel_loop3A_549, %parallel_loop3A_530] : memref<256x32xf32, #tpu.memory_space<vmem>>[vector<16xi32>, vector<16xi32>], vector<16xf32>,
        %parallel_loop3A_551 = arith.constant 80 : i32
        %parallel_loop3A_552 = vector.broadcast %parallel_loop3A_551 : i32 to vector<16xi32>
        %parallel_loop3A_553 = arith.addi %parallel_loop3A_552, %iota3A : vector<16xi32>
        %parallel_loop3A_554 = tpu.vector_load_idx %arg9[%parallel_loop3A_553, %parallel_loop3A_530] : memref<256x32xf32, #tpu.memory_space<vmem>>[vector<16xi32>, vector<16xi32>], vector<16xf32>,
        %parallel_loop3A_555 = arith.constant 96 : i32
        %parallel_loop3A_556 = vector.broadcast %parallel_loop3A_555 : i32 to vector<16xi32>
        %parallel_loop3A_557 = arith.addi %parallel_loop3A_556, %iota3A : vector<16xi32>
        %parallel_loop3A_558 = tpu.vector_load_idx %arg9[%parallel_loop3A_557, %parallel_loop3A_530] : memref<256x32xf32, #tpu.memory_space<vmem>>[vector<16xi32>, vector<16xi32>], vector<16xf32>,
        %parallel_loop3A_559 = arith.constant 112 : i32
        %parallel_loop3A_560 = vector.broadcast %parallel_loop3A_559 : i32 to vector<16xi32>
        %parallel_loop3A_561 = arith.addi %parallel_loop3A_560, %iota3A : vector<16xi32>
        %parallel_loop3A_562 = tpu.vector_load_idx %arg9[%parallel_loop3A_561, %parallel_loop3A_530] : memref<256x32xf32, #tpu.memory_space<vmem>>[vector<16xi32>, vector<16xi32>], vector<16xf32>,
        %parallel_loop3A_563 = arith.constant 128 : i32
        %parallel_loop3A_564 = vector.broadcast %parallel_loop3A_563 : i32 to vector<16xi32>
        %parallel_loop3A_565 = arith.addi %parallel_loop3A_564, %iota3A : vector<16xi32>
        %parallel_loop3A_566 = tpu.vector_load_idx %arg9[%parallel_loop3A_565, %parallel_loop3A_530] : memref<256x32xf32, #tpu.memory_space<vmem>>[vector<16xi32>, vector<16xi32>], vector<16xf32>,
        %parallel_loop3A_567 = arith.constant 144 : i32
        %parallel_loop3A_568 = vector.broadcast %parallel_loop3A_567 : i32 to vector<16xi32>
        %parallel_loop3A_569 = arith.addi %parallel_loop3A_568, %iota3A : vector<16xi32>
        %parallel_loop3A_570 = tpu.vector_load_idx %arg9[%parallel_loop3A_569, %parallel_loop3A_530] : memref<256x32xf32, #tpu.memory_space<vmem>>[vector<16xi32>, vector<16xi32>], vector<16xf32>,
        %parallel_loop3A_571 = arith.constant 160 : i32
        %parallel_loop3A_572 = vector.broadcast %parallel_loop3A_571 : i32 to vector<16xi32>
        %parallel_loop3A_573 = arith.addi %parallel_loop3A_572, %iota3A : vector<16xi32>
        %parallel_loop3A_574 = tpu.vector_load_idx %arg9[%parallel_loop3A_573, %parallel_loop3A_530] : memref<256x32xf32, #tpu.memory_space<vmem>>[vector<16xi32>, vector<16xi32>], vector<16xf32>,
        %parallel_loop3A_575 = arith.constant 176 : i32
        %parallel_loop3A_576 = vector.broadcast %parallel_loop3A_575 : i32 to vector<16xi32>
        %parallel_loop3A_577 = arith.addi %parallel_loop3A_576, %iota3A : vector<16xi32>
        %parallel_loop3A_578 = tpu.vector_load_idx %arg9[%parallel_loop3A_577, %parallel_loop3A_530] : memref<256x32xf32, #tpu.memory_space<vmem>>[vector<16xi32>, vector<16xi32>], vector<16xf32>,
        %parallel_loop3A_579 = arith.constant 192 : i32
        %parallel_loop3A_580 = vector.broadcast %parallel_loop3A_579 : i32 to vector<16xi32>
        %parallel_loop3A_581 = arith.addi %parallel_loop3A_580, %iota3A : vector<16xi32>
        %parallel_loop3A_582 = tpu.vector_load_idx %arg9[%parallel_loop3A_581, %parallel_loop3A_530] : memref<256x32xf32, #tpu.memory_space<vmem>>[vector<16xi32>, vector<16xi32>], vector<16xf32>,
        %parallel_loop3A_583 = arith.constant 208 : i32
        %parallel_loop3A_584 = vector.broadcast %parallel_loop3A_583 : i32 to vector<16xi32>
        %parallel_loop3A_585 = arith.addi %parallel_loop3A_584, %iota3A : vector<16xi32>
        %parallel_loop3A_586 = tpu.vector_load_idx %arg9[%parallel_loop3A_585, %parallel_loop3A_530] : memref<256x32xf32, #tpu.memory_space<vmem>>[vector<16xi32>, vector<16xi32>], vector<16xf32>,
        %parallel_loop3A_587 = arith.constant 224 : i32
        %parallel_loop3A_588 = vector.broadcast %parallel_loop3A_587 : i32 to vector<16xi32>
        %parallel_loop3A_589 = arith.addi %parallel_loop3A_588, %iota3A : vector<16xi32>
        %parallel_loop3A_590 = tpu.vector_load_idx %arg9[%parallel_loop3A_589, %parallel_loop3A_530] : memref<256x32xf32, #tpu.memory_space<vmem>>[vector<16xi32>, vector<16xi32>], vector<16xf32>,
        %parallel_loop3A_591 = arith.constant 240 : i32
        %parallel_loop3A_592 = vector.broadcast %parallel_loop3A_591 : i32 to vector<16xi32>
        %parallel_loop3A_593 = arith.addi %parallel_loop3A_592, %iota3A : vector<16xi32>
        %parallel_loop3A_594 = tpu.vector_load_idx %arg9[%parallel_loop3A_593, %parallel_loop3A_530] : memref<256x32xf32, #tpu.memory_space<vmem>>[vector<16xi32>, vector<16xi32>], vector<16xf32>,
        %parallel_loop3A_595 = arith.constant 0 : i32
        %parallel_loop3A_596 = arith.addi %parallel_loop3A_595, %parallel_loop3A_513 : i32
        %parallel_loop3A_597 = arith.index_cast %parallel_loop3A_596 : i32 to index
        %parallel_loop3A_598 = arith.index_cast %parallel_loop3A_529 : i32 to index
        %parallel_loop3A_599 = arith.constant 0 : index
        %parallel_loop3A_600 = tpu.vector_load %arg11[%parallel_loop3A_597, %parallel_loop3A_598, %parallel_loop3A_599] {strides = array<i32>} : memref<8x8x128xf32, #tpu.memory_space<vmem>>, vector<16xf32>,
        tpu.vector_store %arg11[%parallel_loop3A_597, %parallel_loop3A_598, %parallel_loop3A_599], %parallel_loop3A_534 {strides = array<i32>} : memref<8x8x128xf32, #tpu.memory_space<vmem>>, vector<16xf32>,
        %parallel_loop3A_601 = arith.constant 0 : i32
        %parallel_loop3A_602 = arith.addi %parallel_loop3A_601, %parallel_loop3A_513 : i32
        %parallel_loop3A_603 = arith.index_cast %parallel_loop3A_602 : i32 to index
        %parallel_loop3A_604 = arith.index_cast %parallel_loop3A_529 : i32 to index
        %parallel_loop3A_605 = arith.constant 16 : index
        %parallel_loop3A_606 = tpu.vector_load %arg11[%parallel_loop3A_603, %parallel_loop3A_604, %parallel_loop3A_605] {strides = array<i32>} : memref<8x8x128xf32, #tpu.memory_space<vmem>>, vector<16xf32>,
        tpu.vector_store %arg11[%parallel_loop3A_603, %parallel_loop3A_604, %parallel_loop3A_605], %parallel_loop3A_538 {strides = array<i32>} : memref<8x8x128xf32, #tpu.memory_space<vmem>>, vector<16xf32>,
        %parallel_loop3A_607 = arith.constant 0 : i32
        %parallel_loop3A_608 = arith.addi %parallel_loop3A_607, %parallel_loop3A_513 : i32
        %parallel_loop3A_609 = arith.index_cast %parallel_loop3A_608 : i32 to index
        %parallel_loop3A_610 = arith.index_cast %parallel_loop3A_529 : i32 to index
        %parallel_loop3A_611 = arith.constant 32 : index
        %parallel_loop3A_612 = tpu.vector_load %arg11[%parallel_loop3A_609, %parallel_loop3A_610, %parallel_loop3A_611] {strides = array<i32>} : memref<8x8x128xf32, #tpu.memory_space<vmem>>, vector<16xf32>,
        tpu.vector_store %arg11[%parallel_loop3A_609, %parallel_loop3A_610, %parallel_loop3A_611], %parallel_loop3A_542 {strides = array<i32>} : memref<8x8x128xf32, #tpu.memory_space<vmem>>, vector<16xf32>,
        %parallel_loop3A_613 = arith.constant 0 : i32
        %parallel_loop3A_614 = arith.addi %parallel_loop3A_613, %parallel_loop3A_513 : i32
        %parallel_loop3A_615 = arith.index_cast %parallel_loop3A_614 : i32 to index
        %parallel_loop3A_616 = arith.index_cast %parallel_loop3A_529 : i32 to index
        %parallel_loop3A_617 = arith.constant 48 : index
        %parallel_loop3A_618 = tpu.vector_load %arg11[%parallel_loop3A_615, %parallel_loop3A_616, %parallel_loop3A_617] {strides = array<i32>} : memref<8x8x128xf32, #tpu.memory_space<vmem>>, vector<16xf32>,
        tpu.vector_store %arg11[%parallel_loop3A_615, %parallel_loop3A_616, %parallel_loop3A_617], %parallel_loop3A_546 {strides = array<i32>} : memref<8x8x128xf32, #tpu.memory_space<vmem>>, vector<16xf32>,
        %parallel_loop3A_619 = arith.constant 0 : i32
        %parallel_loop3A_620 = arith.addi %parallel_loop3A_619, %parallel_loop3A_513 : i32
        %parallel_loop3A_621 = arith.index_cast %parallel_loop3A_620 : i32 to index
        %parallel_loop3A_622 = arith.index_cast %parallel_loop3A_529 : i32 to index
        %parallel_loop3A_623 = arith.constant 64 : index
        %parallel_loop3A_624 = tpu.vector_load %arg11[%parallel_loop3A_621, %parallel_loop3A_622, %parallel_loop3A_623] {strides = array<i32>} : memref<8x8x128xf32, #tpu.memory_space<vmem>>, vector<16xf32>,
        tpu.vector_store %arg11[%parallel_loop3A_621, %parallel_loop3A_622, %parallel_loop3A_623], %parallel_loop3A_550 {strides = array<i32>} : memref<8x8x128xf32, #tpu.memory_space<vmem>>, vector<16xf32>,
        %parallel_loop3A_625 = arith.constant 0 : i32
        %parallel_loop3A_626 = arith.addi %parallel_loop3A_625, %parallel_loop3A_513 : i32
        %parallel_loop3A_627 = arith.index_cast %parallel_loop3A_626 : i32 to index
        %parallel_loop3A_628 = arith.index_cast %parallel_loop3A_529 : i32 to index
        %parallel_loop3A_629 = arith.constant 80 : index
        %parallel_loop3A_630 = tpu.vector_load %arg11[%parallel_loop3A_627, %parallel_loop3A_628, %parallel_loop3A_629] {strides = array<i32>} : memref<8x8x128xf32, #tpu.memory_space<vmem>>, vector<16xf32>,
        tpu.vector_store %arg11[%parallel_loop3A_627, %parallel_loop3A_628, %parallel_loop3A_629], %parallel_loop3A_554 {strides = array<i32>} : memref<8x8x128xf32, #tpu.memory_space<vmem>>, vector<16xf32>,
        %parallel_loop3A_631 = arith.constant 0 : i32
        %parallel_loop3A_632 = arith.addi %parallel_loop3A_631, %parallel_loop3A_513 : i32
        %parallel_loop3A_633 = arith.index_cast %parallel_loop3A_632 : i32 to index
        %parallel_loop3A_634 = arith.index_cast %parallel_loop3A_529 : i32 to index
        %parallel_loop3A_635 = arith.constant 96 : index
        %parallel_loop3A_636 = tpu.vector_load %arg11[%parallel_loop3A_633, %parallel_loop3A_634, %parallel_loop3A_635] {strides = array<i32>} : memref<8x8x128xf32, #tpu.memory_space<vmem>>, vector<16xf32>,
        tpu.vector_store %arg11[%parallel_loop3A_633, %parallel_loop3A_634, %parallel_loop3A_635], %parallel_loop3A_558 {strides = array<i32>} : memref<8x8x128xf32, #tpu.memory_space<vmem>>, vector<16xf32>,
        %parallel_loop3A_637 = arith.constant 0 : i32
        %parallel_loop3A_638 = arith.addi %parallel_loop3A_637, %parallel_loop3A_513 : i32
        %parallel_loop3A_639 = arith.index_cast %parallel_loop3A_638 : i32 to index
        %parallel_loop3A_640 = arith.index_cast %parallel_loop3A_529 : i32 to index
        %parallel_loop3A_641 = arith.constant 112 : index
        %parallel_loop3A_642 = tpu.vector_load %arg11[%parallel_loop3A_639, %parallel_loop3A_640, %parallel_loop3A_641] {strides = array<i32>} : memref<8x8x128xf32, #tpu.memory_space<vmem>>, vector<16xf32>,
        tpu.vector_store %arg11[%parallel_loop3A_639, %parallel_loop3A_640, %parallel_loop3A_641], %parallel_loop3A_562 {strides = array<i32>} : memref<8x8x128xf32, #tpu.memory_space<vmem>>, vector<16xf32>,
        %parallel_loop3A_643 = arith.constant 4 : i32
        %parallel_loop3A_644 = arith.addi %parallel_loop3A_643, %parallel_loop3A_513 : i32
        %parallel_loop3A_645 = arith.index_cast %parallel_loop3A_644 : i32 to index
        %parallel_loop3A_646 = arith.index_cast %parallel_loop3A_529 : i32 to index
        %parallel_loop3A_647 = arith.constant 0 : index
        %parallel_loop3A_648 = tpu.vector_load %arg11[%parallel_loop3A_645, %parallel_loop3A_646, %parallel_loop3A_647] {strides = array<i32>} : memref<8x8x128xf32, #tpu.memory_space<vmem>>, vector<16xf32>,
        tpu.vector_store %arg11[%parallel_loop3A_645, %parallel_loop3A_646, %parallel_loop3A_647], %parallel_loop3A_566 {strides = array<i32>} : memref<8x8x128xf32, #tpu.memory_space<vmem>>, vector<16xf32>,
        %parallel_loop3A_649 = arith.constant 4 : i32
        %parallel_loop3A_650 = arith.addi %parallel_loop3A_649, %parallel_loop3A_513 : i32
        %parallel_loop3A_651 = arith.index_cast %parallel_loop3A_650 : i32 to index
        %parallel_loop3A_652 = arith.index_cast %parallel_loop3A_529 : i32 to index
        %parallel_loop3A_653 = arith.constant 16 : index
        %parallel_loop3A_654 = tpu.vector_load %arg11[%parallel_loop3A_651, %parallel_loop3A_652, %parallel_loop3A_653] {strides = array<i32>} : memref<8x8x128xf32, #tpu.memory_space<vmem>>, vector<16xf32>,
        tpu.vector_store %arg11[%parallel_loop3A_651, %parallel_loop3A_652, %parallel_loop3A_653], %parallel_loop3A_570 {strides = array<i32>} : memref<8x8x128xf32, #tpu.memory_space<vmem>>, vector<16xf32>,
        %parallel_loop3A_655 = arith.constant 4 : i32
        %parallel_loop3A_656 = arith.addi %parallel_loop3A_655, %parallel_loop3A_513 : i32
        %parallel_loop3A_657 = arith.index_cast %parallel_loop3A_656 : i32 to index
        %parallel_loop3A_658 = arith.index_cast %parallel_loop3A_529 : i32 to index
        %parallel_loop3A_659 = arith.constant 32 : index
        %parallel_loop3A_660 = tpu.vector_load %arg11[%parallel_loop3A_657, %parallel_loop3A_658, %parallel_loop3A_659] {strides = array<i32>} : memref<8x8x128xf32, #tpu.memory_space<vmem>>, vector<16xf32>,
        tpu.vector_store %arg11[%parallel_loop3A_657, %parallel_loop3A_658, %parallel_loop3A_659], %parallel_loop3A_574 {strides = array<i32>} : memref<8x8x128xf32, #tpu.memory_space<vmem>>, vector<16xf32>,
        %parallel_loop3A_661 = arith.constant 4 : i32
        %parallel_loop3A_662 = arith.addi %parallel_loop3A_661, %parallel_loop3A_513 : i32
        %parallel_loop3A_663 = arith.index_cast %parallel_loop3A_662 : i32 to index
        %parallel_loop3A_664 = arith.index_cast %parallel_loop3A_529 : i32 to index
        %parallel_loop3A_665 = arith.constant 48 : index
        %parallel_loop3A_666 = tpu.vector_load %arg11[%parallel_loop3A_663, %parallel_loop3A_664, %parallel_loop3A_665] {strides = array<i32>} : memref<8x8x128xf32, #tpu.memory_space<vmem>>, vector<16xf32>,
        tpu.vector_store %arg11[%parallel_loop3A_663, %parallel_loop3A_664, %parallel_loop3A_665], %parallel_loop3A_578 {strides = array<i32>} : memref<8x8x128xf32, #tpu.memory_space<vmem>>, vector<16xf32>,
        %parallel_loop3A_667 = arith.constant 4 : i32
        %parallel_loop3A_668 = arith.addi %parallel_loop3A_667, %parallel_loop3A_513 : i32
        %parallel_loop3A_669 = arith.index_cast %parallel_loop3A_668 : i32 to index
        %parallel_loop3A_670 = arith.index_cast %parallel_loop3A_529 : i32 to index
        %parallel_loop3A_671 = arith.constant 64 : index
        %parallel_loop3A_672 = tpu.vector_load %arg11[%parallel_loop3A_669, %parallel_loop3A_670, %parallel_loop3A_671] {strides = array<i32>} : memref<8x8x128xf32, #tpu.memory_space<vmem>>, vector<16xf32>,
        tpu.vector_store %arg11[%parallel_loop3A_669, %parallel_loop3A_670, %parallel_loop3A_671], %parallel_loop3A_582 {strides = array<i32>} : memref<8x8x128xf32, #tpu.memory_space<vmem>>, vector<16xf32>,
        %parallel_loop3A_673 = arith.constant 4 : i32
        %parallel_loop3A_674 = arith.addi %parallel_loop3A_673, %parallel_loop3A_513 : i32
        %parallel_loop3A_675 = arith.index_cast %parallel_loop3A_674 : i32 to index
        %parallel_loop3A_676 = arith.index_cast %parallel_loop3A_529 : i32 to index
        %parallel_loop3A_677 = arith.constant 80 : index
        %parallel_loop3A_678 = tpu.vector_load %arg11[%parallel_loop3A_675, %parallel_loop3A_676, %parallel_loop3A_677] {strides = array<i32>} : memref<8x8x128xf32, #tpu.memory_space<vmem>>, vector<16xf32>,
        tpu.vector_store %arg11[%parallel_loop3A_675, %parallel_loop3A_676, %parallel_loop3A_677], %parallel_loop3A_586 {strides = array<i32>} : memref<8x8x128xf32, #tpu.memory_space<vmem>>, vector<16xf32>,
        %parallel_loop3A_679 = arith.constant 4 : i32
        %parallel_loop3A_680 = arith.addi %parallel_loop3A_679, %parallel_loop3A_513 : i32
        %parallel_loop3A_681 = arith.index_cast %parallel_loop3A_680 : i32 to index
        %parallel_loop3A_682 = arith.index_cast %parallel_loop3A_529 : i32 to index
        %parallel_loop3A_683 = arith.constant 96 : index
        %parallel_loop3A_684 = tpu.vector_load %arg11[%parallel_loop3A_681, %parallel_loop3A_682, %parallel_loop3A_683] {strides = array<i32>} : memref<8x8x128xf32, #tpu.memory_space<vmem>>, vector<16xf32>,
        tpu.vector_store %arg11[%parallel_loop3A_681, %parallel_loop3A_682, %parallel_loop3A_683], %parallel_loop3A_590 {strides = array<i32>} : memref<8x8x128xf32, #tpu.memory_space<vmem>>, vector<16xf32>,
        %parallel_loop3A_685 = arith.constant 4 : i32
        %parallel_loop3A_686 = arith.addi %parallel_loop3A_685, %parallel_loop3A_513 : i32
        %parallel_loop3A_687 = arith.index_cast %parallel_loop3A_686 : i32 to index
        %parallel_loop3A_688 = arith.index_cast %parallel_loop3A_529 : i32 to index
        %parallel_loop3A_689 = arith.constant 112 : index
        %parallel_loop3A_690 = tpu.vector_load %arg11[%parallel_loop3A_687, %parallel_loop3A_688, %parallel_loop3A_689] {strides = array<i32>} : memref<8x8x128xf32, #tpu.memory_space<vmem>>, vector<16xf32>,
        tpu.vector_store %arg11[%parallel_loop3A_687, %parallel_loop3A_688, %parallel_loop3A_689], %parallel_loop3A_594 {strides = array<i32>} : memref<8x8x128xf32, #tpu.memory_space<vmem>>, vector<16xf32>,
      } {sc.loop_unroll_factor = 4 : i64, sc.parallel_access}
      %jit3A_434 = arith.constant 25 : i32
      %div3A_435 = arith.divsi %add3A_151, %jit3A_434 : i32
      %sign3A_436 = arith.constant 0 : i32
      %sign3A_437 = arith.cmpi sgt, %add3A_151, %sign3A_436 : i32
      %sign3A_438 = arith.extui %sign3A_437 : i1 to i32
      %sign3A_439 = arith.constant 0 : i32
      %sign3A_440 = arith.cmpi slt, %add3A_151, %sign3A_439 : i32
      %sign3A_441 = arith.extui %sign3A_440 : i1 to i32
      %sign3A_442 = arith.subi %sign3A_438, %sign3A_441 : i32
      %sign3A_443 = arith.constant 0 : i32
      %sign3A_444 = arith.cmpi sgt, %jit3A_434, %sign3A_443 : i32
      %sign3A_445 = arith.extui %sign3A_444 : i1 to i32
      %sign3A_446 = arith.constant 0 : i32
      %sign3A_447 = arith.cmpi slt, %jit3A_434, %sign3A_446 : i32
      %sign3A_448 = arith.extui %sign3A_447 : i1 to i32
      %sign3A_449 = arith.subi %sign3A_445, %sign3A_448 : i32
      %ne3A_450 = arith.cmpi ne, %sign3A_442, %sign3A_449 : i32
      %rem3A_451 = arith.remsi %add3A_151, %jit3A_434 : i32
      %ne3A_452 = arith.constant 0 : i32
      %ne3A_453 = arith.cmpi ne, %rem3A_451, %ne3A_452 : i32
      %and3A_454 = arith.andi %ne3A_450, %ne3A_453 : i1
      %sub3A_455 = arith.constant 1 : i32
      %sub3A_456 = arith.subi %div3A_435, %sub3A_455 : i32
      %select_n3A_457 = arith.select %and3A_454, %sub3A_456, %div3A_435 : i32
      %jit3A_458 = arith.constant 25 : i32
      %eq3A_459 = arith.constant 0 : i32
      %eq3A_460 = arith.cmpi eq, %jit3A_458, %eq3A_459 : i32
      %jit3A_461 = arith.constant 1 : i32
      %select_n3A_462 = arith.select %eq3A_460, %jit3A_461, %jit3A_458 : i32
      %rem3A_463 = arith.remsi %add3A_151, %select_n3A_462 : i32
      %ne3A_464 = arith.constant 0 : i32
      %ne3A_465 = arith.cmpi ne, %rem3A_463, %ne3A_464 : i32
      %lt3A_466 = arith.constant 0 : i32
      %lt3A_467 = arith.cmpi slt, %rem3A_463, %lt3A_466 : i32
      %lt3A_468 = arith.constant 0 : i32
      %lt3A_469 = arith.cmpi slt, %select_n3A_462, %lt3A_468 : i32
      %ne3A_470 = arith.xori %lt3A_467, %lt3A_469 : i1
      %and3A_471 = arith.andi %ne3A_470, %ne3A_465 : i1
      %add3A_472 = arith.addi %rem3A_463, %select_n3A_462 : i32
      %select_n3A_473 = arith.select %and3A_471, %add3A_472, %rem3A_463 : i32
      %mul3A_474 = arith.constant 2 : i32
      %mul3A_475 = arith.muli %select_n3A_473, %mul3A_474 : i32
      %mul3A_476 = arith.constant 4 : i32
      %mul3A_477 = arith.muli %mul3A_476, %mul3A_475 : i32
      %mul3A_478 = arith.constant 4 : i32
      %mul3A_479 = arith.muli %add3A, %mul3A_478 : i32
      %add3A_480 = arith.addi %mul3A_479, %select_n3A_457 : i32
      %dma_start3A_481 = arith.constant 0 : i32
      %dma_start3A_482 = arith.constant 0 : i32
      %dma_start3A_483 = tpu.memref_slice %arg4[%mul3A_477, %add3A_480, %dma_start3A_481, %dma_start3A_482] : memref<200x128x8x128xf32, #tpu.memory_space<hbm>> -> memref<8x1x8x128xf32, #tpu.memory_space<hbm>>
      %dma_start3A_484 = tpu.memref_squeeze %dma_start3A_483 : memref<8x1x8x128xf32, #tpu.memory_space<hbm>> -> memref<8x8x128xf32, #tpu.memory_space<hbm>>
      %dma_start3A_485 = arith.constant 0 : i32
      %dma_start3A_486 = arith.constant 0 : i32
      %dma_start3A_487 = tpu.memref_slice %arg4[%mul3A_477, %add3A_480, %dma_start3A_485, %dma_start3A_486] : memref<200x128x8x128xf32, #tpu.memory_space<hbm>> -> memref<8x1x8x128xf32, #tpu.memory_space<hbm>>
      %dma_start3A_488 = tpu.memref_squeeze %dma_start3A_487 : memref<8x1x8x128xf32, #tpu.memory_space<hbm>> -> memref<8x8x128xf32, #tpu.memory_space<hbm>>
      tpu.enqueue_dma source(%arg11 : memref<8x8x128xf32, #tpu.memory_space<vmem>>) target(%dma_start3A_488 : memref<8x8x128xf32, #tpu.memory_space<hbm>>) target_semaphore(%arg15 : memref<!tpu.dma_semaphore, #tpu.memory_space<semaphore_mem>>)
    }
    %scan3A_119 = arith.constant 50 : i32
    %mul3A_120 = arith.constant 4 : i32
    %mul3A_121 = arith.muli %add3A, %mul3A_120 : i32
    %add3A_122 = arith.constant 3 : i32
    %add3A_123 = arith.addi %mul3A_121, %add3A_122 : i32
    %dma_wait3A = arith.constant 184 : i32
    %dma_wait3A_124 = arith.constant 0 : i32
    %dma_wait3A_125 = arith.constant 0 : i32
    %dma_wait3A_126 = tpu.memref_slice %arg4[%dma_wait3A, %add3A_123, %dma_wait3A_124, %dma_wait3A_125] : memref<200x128x8x128xf32, #tpu.memory_space<hbm>> -> memref<8x1x8x128xf32, #tpu.memory_space<hbm>>
    %dma_wait3A_127 = tpu.memref_squeeze %dma_wait3A_126 : memref<8x1x8x128xf32, #tpu.memory_space<hbm>> -> memref<8x8x128xf32, #tpu.memory_space<hbm>>
    %dma_wait3A_128 = arith.constant 184 : i32
    %dma_wait3A_129 = arith.constant 0 : i32
    %dma_wait3A_130 = arith.constant 0 : i32
    %dma_wait3A_131 = tpu.memref_slice %arg4[%dma_wait3A_128, %add3A_123, %dma_wait3A_129, %dma_wait3A_130] : memref<200x128x8x128xf32, #tpu.memory_space<hbm>> -> memref<8x1x8x128xf32, #tpu.memory_space<hbm>>
    %dma_wait3A_132 = tpu.memref_squeeze %dma_wait3A_131 : memref<8x1x8x128xf32, #tpu.memory_space<hbm>> -> memref<8x8x128xf32, #tpu.memory_space<hbm>>
    tpu.wait_dma2 semaphore(%arg14 : memref<!tpu.dma_semaphore, #tpu.memory_space<semaphore_mem>>) src(%arg10 : memref<8x8x128xf32, #tpu.memory_space<vmem>>) dst(%dma_wait3A_132 : memref<8x8x128xf32, #tpu.memory_space<hbm>>)
    %mul3A_133 = arith.constant 4 : i32
    %mul3A_134 = arith.muli %add3A, %mul3A_133 : i32
    %add3A_135 = arith.constant 3 : i32
    %add3A_136 = arith.addi %mul3A_134, %add3A_135 : i32
    %dma_wait3A_137 = arith.constant 192 : i32
    %dma_wait3A_138 = arith.constant 0 : i32
    %dma_wait3A_139 = arith.constant 0 : i32
    %dma_wait3A_140 = tpu.memref_slice %arg4[%dma_wait3A_137, %add3A_136, %dma_wait3A_138, %dma_wait3A_139] : memref<200x128x8x128xf32, #tpu.memory_space<hbm>> -> memref<8x1x8x128xf32, #tpu.memory_space<hbm>>
    %dma_wait3A_141 = tpu.memref_squeeze %dma_wait3A_140 : memref<8x1x8x128xf32, #tpu.memory_space<hbm>> -> memref<8x8x128xf32, #tpu.memory_space<hbm>>
    %dma_wait3A_142 = arith.constant 192 : i32
    %dma_wait3A_143 = arith.constant 0 : i32
    %dma_wait3A_144 = arith.constant 0 : i32
    %dma_wait3A_145 = tpu.memref_slice %arg4[%dma_wait3A_142, %add3A_136, %dma_wait3A_143, %dma_wait3A_144] : memref<200x128x8x128xf32, #tpu.memory_space<hbm>> -> memref<8x1x8x128xf32, #tpu.memory_space<hbm>>
    %dma_wait3A_146 = tpu.memref_squeeze %dma_wait3A_145 : memref<8x1x8x128xf32, #tpu.memory_space<hbm>> -> memref<8x8x128xf32, #tpu.memory_space<hbm>>
    tpu.wait_dma2 semaphore(%arg15 : memref<!tpu.dma_semaphore, #tpu.memory_space<semaphore_mem>>) src(%arg11 : memref<8x8x128xf32, #tpu.memory_space<vmem>>) dst(%dma_wait3A_146 : memref<8x8x128xf32, #tpu.memory_space<hbm>>)
    return
  }
}

</mosaic_0001>

<sc_bundles>
// kernel: kernel.3.cloned.1.call-start
scs
__scs_entry_jumppad:
0x0: {  	(pc) =	sbr.rel $0x88, $3  }
0x1: {  	(tag) =	ssettag $0x0;
	lr =	simm.s32 $0x1  }
0x2: {  	[smem:$0x3F9F] =	sst lr;
	_ =	strace $0xD0000000  }
0x3: {  	_ = 	snop  }
0x4: {  	_ = 	snop  }
0x5: {  	_ = 	snop  }
0x6: {  	_ = 	snop  }
0x7: {  	_ = 	snop  }
__scs_overlays_trampoline_lowered:
0x8: {  	[smem:$0x3FAE] =	sst s0  }
0x9: {  	[smem:$0x3FAF] =	sst s1  }
0xa: {  	[smem:$0x3FB0] =	sst s2  }
0xb: {  	[smem:$0x3FB1] =	sst s3  }
0xc: {  	[smem:$0x3FB2] =	sst s4  }
0xd: {  	[smem:$0x3FB3] =	sst s5  }
0xe: {  	[smem:$0x3FB4] =	sst s6  }
0xf: {  	[smem:$0x3FB5] =	sst s7  }
0x10: {  	[smem:$0x3FB6] =	sst s8  }
0x11: {  	[smem:$0x3FB7] =	sst s9;
	s0 =	simm.s32 @!p0 $0x0  }
0x12: {  	s1 =	sld [smem:$0x3F9D];
	s0 =	simm.s32 @p0 $0x1  }
0x13: {  	[smem:$0x3FB8] =	sst s0;
	s0 =	simm.s32 @!p1 $0x0  }
0x14: {  	s2 =	sld [smem:$0x3F9C];
	s0 =	simm.s32 @p1 $0x1  }
0x15: {  	[smem:$0x3FB9] =	sst s0;
	s0 =	simm.s32 @!p2 $0x0  }
0x16: {  	s3 =	sld [smem:$0x3FDB];
	s0 =	simm.s32 @p2 $0x1  }
0x17: {  	s4 =	simm.s32 $0x1BF5;
	[smem:$0x3FBB] =	sst s0  }
0x18: {  	s0 =	sld [smem:$0x3F9E];
	_ =	swait.ge [sflag:s4], $0x0  }
0x19: {  	s7 =	sld [smem:$0x3F9F]  }
0x1a: {  	s8 =	sadd.s32 $0xFFFFE003, lr  }
0x1b: {  	s9 =	sadd.s32 $0xFFFFFEF7, lr;
	s5 =	simm.s32 $0xFFFFFFFF;
	p2 =	slt.u32 s8, $0xFFFFF086  }
0x1c: {  	p1 =	slt.u32 s9, $0xF7A;
	s5 =	simm.s32 @!p2 $0x0  }
0x1d: {  	s5 =	simm.s32 @p1 $0x1;
	p0 =	seq.s32 s7, s2  }
0x1e: {  	s7 =	smul.u32 @!p0 $0xF7A, s2;
	p2 =	seq.s32 @!p0 s5, $0x0  }
0x1f: {  	s9 =	smul.u32 $0xF7A, s1;
	s8 =	simm.s32 @!p0 $0x1BF5;
	p2 =	por !p2, p0  }
0x20: {  	[sflag:s8] =	ssyncset.s32 @!p0 $0xFFFFF086;
	s6 =	sadd.s32 @!p0 s3, s7;
	s7 =	simm.s32 @!p0 $0x108  }
0x21: {  	s3 =	sadd.s32 s3, s9;
	s6 =	sadd.s32 @!p0 $0x88, s6;
	s7 =	simm.s32 @p2 $0x1082  }
0x22: {  	[simem:s7], [sflag:s8] =	dma.local @!p0 [hbm:s6], $0xF7A  }
0x23: {  	s9 =	sor.u32 $0xD0000000, s2;
	s6 =	simm.s32 $0x108;
	_ =	swait.ge @!p0 [sflag:s8], $0x0  }
0x24: {  	s3 =	sadd.s32 $0x88, s3;
	s6 =	simm.s32 @!p1 $0x1082;
	[sflag:s4] =	ssyncset.s32 $0xFFFFF086  }
0x25: {  	[simem:s6], [sflag:s4] =	dma.local [hbm:s3], $0xF7A  }
0x26: {  	[smem:$0x3F9F] =	sst s1;
	(tag) =	ssettag s2;
	_ =	strace s9  }
0x27: {  	s1 =	sld [smem:$0x3FAF]  }
0x28: {  	s2 =	sld [smem:$0x3FB0]  }
0x29: {  	s4 =	sld [smem:$0x3FB2]  }
0x2a: {  	p0 =	seq.s32 s5, $0x0;
	s5 =	sld [smem:$0x3FB3]  }
0x2b: {  	s6 =	sld [smem:$0x3FB4]  }
0x2c: {  	s7 =	sld [smem:$0x3FB5]  }
0x2d: {  	s3 =	simm.s32 $0x108;
	s8 =	sld [smem:$0x3FB6]  }
0x2e: {  	s3 =	simm.s32 @!p0 $0x1082;
	s9 =	sld [smem:$0x3FB7]  }
0x2f: {  	lr =	sadd.s32 s0, s3;
	s0 =	sld [smem:$0x3FAE]  }
0x30: {  	s3 =	sld [smem:$0x3FB1]  }
0x31: {  	[smem:$0x3FBA] =	sst s10  }
0x32: {  	s10 =	sld [smem:$0x3FB8];
	_ =	sdelay $0x3  }
0x33: {  	p0 =	seq.s32 s10, $0x1;
	s10 =	sld [smem:$0x3FBA];
	_ =	sdelay $0x3  }
0x34: {  	[smem:$0x3FBA] =	sst s10  }
0x35: {  	s10 =	sld [smem:$0x3FB9];
	_ =	sdelay $0x3  }
0x36: {  	p1 =	seq.s32 s10, $0x1;
	s10 =	sld [smem:$0x3FBA];
	_ =	sdelay $0x3  }
0x37: {  	[smem:$0x3FBA] =	sst s10  }
0x38: {  	s10 =	sld [smem:$0x3FBB]  }
0x39: {  	_ = 	snop;
	(pc) =	sbr.ind lr, $3  }
0x3a: {  	_ = 	snop  }
0x3b: {  	_ = 	snop  }
0x3c: {  	p2 =	seq.s32 s10, $0x1;
	s10 =	sld [smem:$0x3FBA]  }
0x3d: {  	_ =	shalt  }
0x3e: {  	_ =	shalt  }
0x3f: {  	_ =	shalt  }
0x40: {  	_ =	shalt  }
0x41: {  	_ =	shalt  }
0x42: {  	_ =	shalt  }
0x43: {  	_ =	shalt  }
0x44: {  	_ =	shalt  }
0x45: {  	_ =	shalt  }
0x46: {  	_ =	shalt  }
0x47: {  	_ =	shalt  }
0x48: {  	_ =	shalt  }
0x49: {  	_ =	shalt  }
0x4a: {  	_ =	shalt  }
0x4b: {  	_ =	shalt  }
0x4c: {  	_ =	shalt  }
0x4d: {  	_ =	shalt  }
0x4e: {  	_ =	shalt  }
0x4f: {  	_ =	shalt  }
0x50: {  	_ =	shalt  }
0x51: {  	_ =	shalt  }
0x52: {  	_ =	shalt  }
0x53: {  	_ =	shalt  }
0x54: {  	_ =	shalt  }
0x55: {  	_ =	shalt  }
0x56: {  	_ =	shalt  }
0x57: {  	_ =	shalt  }
0x58: {  	_ =	shalt  }
0x59: {  	_ =	shalt  }
0x5a: {  	_ =	shalt  }
0x5b: {  	_ =	shalt  }
0x5c: {  	_ =	shalt  }
0x5d: {  	_ =	shalt  }
0x5e: {  	_ =	shalt  }
0x5f: {  	_ =	shalt  }
0x60: {  	_ =	shalt  }
0x61: {  	_ =	shalt  }
0x62: {  	_ =	shalt  }
0x63: {  	_ =	shalt  }
0x64: {  	_ =	shalt  }
0x65: {  	_ =	shalt  }
0x66: {  	_ =	shalt  }
0x67: {  	_ =	shalt  }
0x68: {  	_ =	shalt  }
0x69: {  	_ =	shalt  }
0x6a: {  	_ =	shalt  }
0x6b: {  	_ =	shalt  }
0x6c: {  	_ =	shalt  }
0x6d: {  	_ =	shalt  }
0x6e: {  	_ =	shalt  }
0x6f: {  	_ =	shalt  }
0x70: {  	_ =	shalt  }
0x71: {  	_ =	shalt  }
0x72: {  	_ =	shalt  }
0x73: {  	_ =	shalt  }
0x74: {  	_ =	shalt  }
0x75: {  	_ =	shalt  }
0x76: {  	_ =	shalt  }
0x77: {  	_ =	shalt  }
0x78: {  	_ =	shalt  }
0x79: {  	_ =	shalt  }
0x7a: {  	_ =	shalt  }
0x7b: {  	_ =	shalt  }
0x7c: {  	_ =	shalt  }
0x7d: {  	_ =	shalt  }
0x7e: {  	_ =	shalt  }
0x7f: {  	_ =	shalt  }
0x80: {  	_ =	shalt  }
0x81: {  	_ =	shalt  }
0x82: {  	_ =	shalt  }
0x83: {  	_ =	shalt  }
0x84: {  	_ =	shalt  }
0x85: {  	_ =	shalt  }
0x86: {  	_ =	shalt  }
0x87: {  	_ =	shalt  }
.Lfunc_end0:
.L_simem_size_0:
called_computation_lowered:
.L_overlay_start_0:
0x88: {  	s2 =	sld [smem:$0x3FD9]  }
0x89: {  	s3 =	sld [smem:$0x3FFE];
	_ =	sdelay $0x1  }
0x8a: {  	s1 =	srdreg.scid  }
0x8b: {  	s0 =	sand.u32 $0x1, s1  }
0x8c: {  	s17 =	sshll.u32 s0, $0xA;
	s2 =	sadd.s32 s3, s2  }
0x8d: {  	s2 =	sadd.s32 s2, s17  }
0x8e: {  	[smem:$0x3FC6] =	sst s2  }
0x8f: {  	_ = 	snop  }
0x90: {  	s2 =	sld [smem:$0x3FD0];
	(tm) =	ssettm $0x1  }
0x91: {  	s18 =	sld [smem:$0x3FFB];
	_ =	sdelay $0x3  }
0x92: {  	_ =	strace s18  }
0x93: {  	s3 =	sld [smem:$0x3FFC];
	_ =	sdelay $0x3  }
0x94: {  	_ =	strace s3  }
0x95: {  	s3 =	sld [smem:$0x3FFD];
	_ =	sdelay $0x3  }
0x96: {  	_ =	strace s3  }
0x97: {  	_ =	strace $0x8FFFFFFF  }
0x98: {  	s19 =	sld [smem:$0x3FDB];
	_ =	sdelay $0x1  }
0x99: {  	s4 =	simm.s32 $_scs_section_size  }
0x9a: {  	s5 =	simm.s32 $_size__tile_overlayer_lowered;
	s6 =	simm.s32 $_tile_overlayer_lowered  }
0x9b: {  	s22 =	simm.s32 $0x1BFF;
	s21 =	sshll.u32 s6, $0x1;
	s3 =	sadd.s32 s4, s19  }
0x9c: {  	s7 =	simm.s32 $0x0;
	s20 =	sshll.u32 s5, $0x1;
	s5 =	sadd.s32 s21, s3  }
0x9d: {  	[timem:s7], [sflag:s22] =	dma.local [hbm:s5], s20  }
0x9e: {  	_ =	swait.ge [sflag:s22], s20  }
0x9f: {  	s4 =	ssub.s32 $0x0, s20;
	[sflag:s22] =	ssyncset.done $0x0  }
0xa0: {  	[sflag:s22] =	ssyncadd.s32 s4;
	_ =	sdelay $0x1  }
0xa1: {  	s23 =	simm.s32 $0x1B8B  }
0xa2: {  	_ =	swait.ge [sflag:s23], $0x1  }
0xa3: {  	[sflag:s23] =	ssyncset.done $0x0  }
0xa4: {  	s25 =	simm.s32 $0x1B8E;
	s24 =	sld [smem:$0x3FFE];
	[sflag:s23] =	ssyncadd.s32 $0xFFFFFFFF  }
0xa5: {  	s26 =	simm.s32 $execute0_lowered;
	[smem:$0x3FD2] =	sst s25  }
0xa6: {  	s5 =	sshll.u32 s26, $0x1;
	_ =	strace $0x80000046;
	[dreg:$0x1] =	wrdreg $0xFFFFFFFF  }
0xa7: {  	s28 =	simm.s32 $_size_execute0_lowered;
	s3 =	sadd.s32 s3, s5;
	[dreg:$0x0] =	wrdreg $0x0  }
0xa8: {  	s5 =	sshll.u32 s28, $0x1;
	[dreg:$0x2] =	wrdreg s3  }
0xa9: {  	[dreg:$0x3] =	wrdreg s5  }
0xaa: {  	[dreg:$0x4] =	wrdreg $0xC0  }
0xab: {  	_ =	task [dreg:s7], $0x5FFFF  }
0xac: {  	[dreg:$0x1] =	wrdreg $0xFFFFFFFF  }
0xad: {  	[dreg:$0x0] =	wrdreg $0x60  }
0xae: {  	[dreg:$0x2] =	wrdreg s24  }
0xaf: {  	[dreg:$0x3] =	wrdreg s2  }
0xb0: {  	[dreg:$0x4] =	wrdreg $0x9  }
0xb1: {  	_ =	task.clear_ibuf [dreg:s7], $0x5FFFF;
	_ =	strace $0x90000046  }
0xb2: {  	s29 =	simm.s32 $0x9;
	_ =	strace $0x80000048  }
0xb3: {  	_ =	swait.ge [sflag:s29], $0x1  }
0xb4: {  	[sflag:s29] =	ssyncadd.s32 $0xFFFFFFFF  }
0xb5: {  	_ =	strace $0x90000048  }
0xb6: {  	_ =	sfence  }
0xb7: {  	s30 =	sld [smem:$0x0];
	_ =	sdelay $0x2  }
0xb8: {  	s31 =	sshll.u32 s1, $0xD;
	s1 =	sshrl.u32 s1, $0x2  }
0xb9: {  	s3 =	sand.u32 $0x4000, s31;
	s1 =	sadd.s32 s1, s30  }
0xba: {  	s0 =	sor.u32 s3, s0;
	s1 =	sshll.u32 s1, $0x11  }
0xbb: {  	s0 =	sor.u32 s1, s0  }
0xbc: {  	s0 =	sadd.s32 $0x8F2B, s0  }
0xbd: {  	[sflag:s0] =	ssyncadd.remote.s32 $0x1  }
0xbe: {  	_ =	sfence.sel $0xFFFF  }
0xbf: {  	[dreg:$0x0] =	wrdreg $0xFFFFFFFF;
	(pc) =	sbr.abs _section_cstart, $3  }
0xc0: {  	[dreg:$0x1] =	wrdreg $0xFFFFFFFF  }
0xc1: {  	_ =	task.clear_ibuf [dreg:s7], $0x2FFFF;
	_ =	strace $0x9FFFFFFF  }
0xc2: {  	(tm) =	ssettm $0x7FFFFFFF  }
0xc3: {  	_ =	shalt  }
tec
execute0_lowered:
.L_overlay_start_1:
0x0: {  	(tag) =	ssettag $0x1  }
0x1: {  	v0 =	vlaneseq.u32  }
0x2: {  	v1 =	vmul.u32 $0x38, v0;
	_ =	sdelay $0x1  }
0x3: {  	v2 =	vadd.s32 $0x380, v1  }
0x4: {  	s0 =	srdreg.scid;
	s2 =	stileid.u32;
	v49 =	vadd.s32 $0x700, v1;
	[tilespmem:$0x1FE00] =	vst v2  }
0x5: {  	s0 =	sand.u32 $0x1, s0;
	s3 =	sshll.u32 s2, $0x1;
	v50 =	vadd.s32 $0xA80, v1;
	[tilespmem:$0x1FE10] =	vst v49  }
0x6: {  	s1 =	rddreg [dreg:$0x0];
	s5 =	sor.u32 s0, s3;
	s3 =	simm.s32 $0x0;
	v51 =	vadd.s32 $0xE00, v1;
	[tilespmem:$0x1FE20] =	vst v50  }
0x7: {  	[smem:$0x7FF] =	sst s3;
	v52 =	vadd.s32 $0x1180, v1;
	[tilespmem:$0x1FE30] =	vst v51  }
0x8: {  	s2 =	rddreg [dreg:$0x1];
	v53 =	vadd.s32 $0x1500, v1;
	_ =	strace $0x80000047;
	[tilespmem:$0x1FE40] =	vst v52  }
0x9: {  	v54 =	vadd.s32 $0x1880, v1;
	[tilespmem:$0x1FE50] =	vst v53  }
0xa: {  	v55 =	vor.u32 $0x1, v1;
	[tilespmem:$0x1FE60] =	vst v54  }
0xb: {  	v56 =	vadd.s32 $0x381, v1;
	[tilespmem:$0x1FE70] =	vst v55  }
0xc: {  	v57 =	vadd.s32 $0x701, v1;
	[tilespmem:$0x1FE80] =	vst v56  }
0xd: {  	v58 =	vadd.s32 $0xA81, v1;
	[tilespmem:$0x1FE90] =	vst v57  }
0xe: {  	v59 =	vadd.s32 $0xE01, v1;
	[tilespmem:$0x1FEA0] =	vst v58  }
0xf: {  	v61 =	vadd.s32 $0x1181, v1;
	[tilespmem:$0x1FEB0] =	vst v59  }
0x10: {  	v62 =	vadd.s32 $0x1501, v1;
	[tilespmem:$0x1FEC0] =	vst v61  }
0x11: {  	[tilespmem:$0x1FED0] =	vst v62  }
0x12: {  	v60 =	vmul.u32 $0x20, v0;
	v63 =	vadd.s32 $0x1881, v1;
	[tilespmem:$0x1FEE0] =	vst v1  }
0x13: {  	[tilespmem:$0x1FEF0] =	vst v63  }
0x14: {  	v22 =	vor.u32 $0x1C00, v60;
	[tilespmem:$0x1FF00] =	vst v60  }
0x15: {  	v14 =	vor.u32 $0xC00, v60;
	[tilespmem:$0x1FF10] =	vst v22  }
0x16: {  	v15 =	vor.u32 $0xE00, v60;
	[tilespmem:$0x1FF20] =	vst v14  }
0x17: {  	v17 =	vor.u32 $0x1200, v60;
	[tilespmem:$0x1FF30] =	vst v15  }
0x18: {  	v16 =	vor.u32 $0x1000, v60;
	[tilespmem:$0x1FF40] =	vst v17  }
0x19: {  	v32 =	vor.u32 $0x400, v60;
	[tilespmem:$0x1FF50] =	vst v16  }
0x1a: {  	v23 =	vor.u32 $0x200, v60;
	[tilespmem:$0x1FF60] =	vst v32  }
0x1b: {  	s9 =	simm.s32 $0x80;
	s11 =	simm.s32 $0x7200;
	v18 =	vor.u32 $0x1400, v60;
	[tilespmem:$0x1FF70] =	vst v23  }
0x1c: {  	s13 =	simm.s32 $0x8200;
	s14 =	simm.s32 $0x7100;
	s15 =	simm.s32 $0x9200;
	v19 =	vor.u32 $0x1600, v60;
	[tilespmem:$0x1FF80] =	vst v18  }
0x1d: {  	s16 =	simm.s32 $0x7180;
	s17 =	simm.s32 $0xA200;
	s18 =	simm.s32 $0x1;
	v20 =	vor.u32 $0x1800, v60;
	[tilespmem:$0x1FF90] =	vst v19  }
0x1e: {  	s19 =	simm.s32 $0x400;
	s20 =	simm.s32 $0x20000;
	s0 =	ssub.s32 $0x2, s0;
	v21 =	vor.u32 $0x1A00, v60;
	[tilespmem:$0x1FFA0] =	vst v20  }
0x1f: {  	s21 =	simm.s32 $0xB200;
	s4 =	smul.u32 $0xE00, s5;
	s7 =	sshrl.u32 s0, $0x1;
	v29 =	vor.u32 $0x600, v60;
	[tilespmem:$0x1FFB0] =	vst v21  }
0x20: {  	s22 =	simm.s32 $0x2;
	s23 =	simm.s32 $0x4;
	v31 =	vor.u32 $0x800, v60;
	s0 =	ssub.s32 s0, s7;
	[tilespmem:$0x1FFC0] =	vst v29  }
0x21: {  	s24 =	simm.s32 $0xD200;
	v13 =	vor.u32 $0xA00, v60;
	s6 =	sadd.s32 s4, s1;
	s0 =	smax.u32 s0, $0x1;
	[tilespmem:$0x1FFD0] =	vst v31  }
0x22: {  	v28 =	vor.u32 $0x1E00, v60;
	s4 =	sadd.s32 $0xF42A00, s1;
	[tilespmem:$0x1FFE0] =	vst v13;
	s31 =	sadd.s32 $0x600, s6;
	[dreg:$0x4] =	wrdreg s0  }
0x23: {  	s1 =	simm.s32 $0x0;
	[tilespmem:$0x1FFF0] =	vst v28;
	s6 =	sshll.u32 s5, $0x2;
	[dreg:$0x3] =	wrdreg s31  }
.LBB2_1:
0x24: {  	[dreg:$0x5] =	wrdreg s1  }
0x25: {  	s0 =	rddreg [dreg:$0x3];
	s29 =	simm.s32 $0x5  }
0x26: {  	[tilespmem:s3], [sflag:$0x5] =	stream.linear.gather [hbm4b:s0+s3], $0x7000, $0x38;
	[tilespmem:$0xF200] =	vst v63  }
0x27: {  	_ =	swait.ge [sflag:s29], $0x7000  }
0x28: {  	v0 =	vld [tilespmem:$0x1FEE0];
	_ =	sdelay $0x5  }
0x29: {  	[sflag:s29] =	ssyncset.done $0x0;
	v49 =	vld [tilespmem:$0x1FE00]  }
0x2a: {  	[sflag:s29] =	ssyncadd.s32 $0xFFFF9000  }
0x2b: {  	v0 =	vld.idx.msk [tilespmem:v0+s3+$0x0], $0xffff;
	_ =	sdelay $0x3  }
0x2c: {  	v50 =	vld [tilespmem:$0x1FE10]  }
0x2d: {  	[tilespmem:$0x7000] =	vst v0  }
0x2e: {  	v0 =	vld.idx.msk [tilespmem:v49+s3+$0x0], $0xffff;
	_ =	sdelay $0x3  }
0x2f: {  	v51 =	vld [tilespmem:$0x1FE20]  }
0x30: {  	[tilespmem:$0x7010] =	vst v0  }
0x31: {  	v0 =	vld.idx.msk [tilespmem:v50+s3+$0x0], $0xffff;
	_ =	sdelay $0x3  }
0x32: {  	v52 =	vld [tilespmem:$0x1FE30]  }
0x33: {  	[tilespmem:$0x7020] =	vst v0  }
0x34: {  	v0 =	vld.idx.msk [tilespmem:v51+s3+$0x0], $0xffff;
	_ =	sdelay $0x3  }
0x35: {  	v53 =	vld [tilespmem:$0x1FE40]  }
0x36: {  	[tilespmem:$0x7030] =	vst v0  }
0x37: {  	v0 =	vld.idx.msk [tilespmem:v52+s3+$0x0], $0xffff;
	_ =	sdelay $0x3  }
0x38: {  	v54 =	vld [tilespmem:$0x1FE50]  }
0x39: {  	[tilespmem:$0x7040] =	vst v0  }
0x3a: {  	v0 =	vld.idx.msk [tilespmem:v53+s3+$0x0], $0xffff;
	_ =	sdelay $0x3  }
0x3b: {  	v55 =	vld [tilespmem:$0x1FE60]  }
0x3c: {  	[tilespmem:$0x7050] =	vst v0  }
0x3d: {  	v0 =	vld.idx.msk [tilespmem:v54+s3+$0x0], $0xffff;
	_ =	sdelay $0x3  }
0x3e: {  	v56 =	vld [tilespmem:$0x1FE70]  }
0x3f: {  	[tilespmem:$0x7060] =	vst v0  }
0x40: {  	v0 =	vld.idx.msk [tilespmem:v55+s3+$0x0], $0xffff;
	_ =	sdelay $0x3  }
0x41: {  	v57 =	vld [tilespmem:$0x1FE80]  }
0x42: {  	[tilespmem:$0x7070] =	vst v0  }
0x43: {  	v0 =	vld.idx.msk [tilespmem:v56+s3+$0x0], $0xffff;
	_ =	sdelay $0x3  }
0x44: {  	v58 =	vld [tilespmem:$0x1FE90]  }
0x45: {  	[tilespmem:$0x7080] =	vst v0  }
0x46: {  	v0 =	vld.idx.msk [tilespmem:v57+s3+$0x0], $0xffff;
	_ =	sdelay $0x3  }
0x47: {  	v59 =	vld [tilespmem:$0x1FEA0]  }
0x48: {  	[tilespmem:$0x7090] =	vst v0  }
0x49: {  	v0 =	vld.idx.msk [tilespmem:v58+s3+$0x0], $0xffff;
	_ =	sdelay $0x3  }
0x4a: {  	v60 =	vld [tilespmem:$0x1FEB0]  }
0x4b: {  	[tilespmem:$0x70A0] =	vst v0  }
0x4c: {  	v0 =	vld.idx.msk [tilespmem:v59+s3+$0x0], $0xffff;
	_ =	sdelay $0x3  }
0x4d: {  	v61 =	vld [tilespmem:$0x1FEC0]  }
0x4e: {  	[tilespmem:$0x70B0] =	vst v0  }
0x4f: {  	v0 =	vld.idx.msk [tilespmem:v60+s3+$0x0], $0xffff;
	_ =	sdelay $0x3  }
0x50: {  	v62 =	vld [tilespmem:$0x1FED0]  }
0x51: {  	[tilespmem:$0x70C0] =	vst v0  }
0x52: {  	v0 =	vld.idx.msk [tilespmem:v61+s3+$0x0], $0xffff;
	_ =	sdelay $0x3  }
0x53: {  	v63 =	vld [tilespmem:$0x1FEF0]  }
0x54: {  	[tilespmem:$0x70D0] =	vst v0  }
0x55: {  	v0 =	vld.idx.msk [tilespmem:v62+s3+$0x0], $0xffff;
	_ =	sdelay $0x4  }
0x56: {  	[tilespmem:$0x70E0] =	vst v0  }
0x57: {  	v0 =	vld.idx.msk [tilespmem:v63+s3+$0x0], $0xffff;
	_ =	sdelay $0x4  }
0x58: {  	s30 =	simm.s32 $0x7000;
	[tilespmem:$0x70F0] =	vst v0  }
0x59: {  	[tilespmem:s11], [sflag:$0x1] =	stream.indirect.gather [hbm4b:s4+s9], $0x20, s30, s9, $0xb8;
	[tilespmem:$0xF200] =	vst v63  }
0x5a: {  	s31 =	simm.s32 $0x7080;
	s28 =	simm.s32 $0x0  }
0x5b: {  	[tilespmem:s13], [sflag:$0x1] =	stream.indirect.gather [hbm4b:s4+s9], $0x20, s31, s9, $0xb8;
	[tilespmem:$0xF200] =	vst v63  }
.LBB2_2:
0x5c: {  	s1 =	sshllo.u32 s28, $0x1  }
0x5d: {  	s0 =	sand.u32 $0xFF, s1  }
0x5e: {  	s0 =	smul.u32 $0x29, s0;
	_ =	sdelay $0x1  }
0x5f: {  	s29 =	sshrl.u32 s0, $0xA  }
0x60: {  	s5 =	smul.u32 $0x19, s29;
	s0 =	sshll.u32 s29, $0x7  }
0x61: {  	v12 =	vld [tilespmem:$0x1FEE0];
	v0 =	vmov s0  }
0x62: {  	s1 =	ssub.s32 s1, s5;
	v0 =	vmul.u32 $0x38, v0  }
0x63: {  	s30 =	sand.u32 $0xFF, s1  }
0x64: {  	s1 =	sshll.u32 s30, $0x1;
	v0 =	vbroadcast v0, $0x0  }
0x65: {  	v1 =	vmov s1  }
0x66: {  	s26 =	sor.u32 $0x10, s0;
	v2 =	vand.u32 $0x38, v1;
	v0 =	vor.u32 v12, v0  }
0x67: {  	v4 =	vmov s26;
	v1 =	vand.u32 $0x6, v1;
	v3 =	vadd.s32 v2, v0  }
0x68: {  	v4 =	vmul.u32 $0x38, v4;
	v3 =	vor.u32 v1, v3;
	_ =	sdelay $0x1  }
0x69: {  	v4 =	vbroadcast v4, $0x0;
	_ =	sdelay $0x1  }
0x6a: {  	s5 =	sor.u32 $0x20, s0;
	v4 =	vadd.s32 v12, v4  }
0x6b: {  	v6 =	vmov s5;
	v5 =	vadd.s32 v2, v4;
	v3 =	vld.idx.msk [tilespmem:v3+s3+$0x0], $0xffff  }
0x6c: {  	v6 =	vmul.u32 $0x38, v6;
	v5 =	vor.u32 v1, v5;
	_ =	sdelay $0x1  }
0x6d: {  	v6 =	vbroadcast v6, $0x0;
	_ =	sdelay $0x1  }
0x6e: {  	s7 =	sor.u32 $0x30, s0;
	[tilespmem:$0x7100] =	vst v3;
	v3 =	vadd.s32 v12, v6  }
0x6f: {  	v7 =	vmov s7;
	v5 =	vld.idx.msk [tilespmem:v5+s3+$0x0], $0xffff;
	v6 =	vadd.s32 v2, v3  }
0x70: {  	v7 =	vmul.u32 $0x38, v7;
	v6 =	vor.u32 v1, v6;
	_ =	sdelay $0x1  }
0x71: {  	v7 =	vbroadcast v7, $0x0;
	_ =	sdelay $0x1  }
0x72: {  	s8 =	sor.u32 $0x40, s0;
	[tilespmem:$0x7110] =	vst v5;
	v5 =	vadd.s32 v12, v7  }
0x73: {  	v8 =	vmov s8;
	v6 =	vld.idx.msk [tilespmem:v6+s3+$0x0], $0xffff;
	v7 =	vadd.s32 v2, v5  }
0x74: {  	v8 =	vmul.u32 $0x38, v8;
	v7 =	vor.u32 v1, v7;
	_ =	sdelay $0x1  }
0x75: {  	v8 =	vbroadcast v8, $0x0;
	_ =	sdelay $0x1  }
0x76: {  	s10 =	sor.u32 $0x50, s0;
	[tilespmem:$0x7120] =	vst v6;
	v6 =	vadd.s32 v12, v8  }
0x77: {  	v9 =	vmov s10;
	v7 =	vld.idx.msk [tilespmem:v7+s3+$0x0], $0xffff;
	v8 =	vadd.s32 v2, v6  }
0x78: {  	v9 =	vmul.u32 $0x38, v9;
	v8 =	vor.u32 v1, v8;
	_ =	sdelay $0x1  }
0x79: {  	v9 =	vbroadcast v9, $0x0;
	_ =	sdelay $0x1  }
0x7a: {  	s12 =	sor.u32 $0x60, s0;
	[tilespmem:$0x7130] =	vst v7;
	v7 =	vadd.s32 v12, v9  }
0x7b: {  	v10 =	vmov s12;
	v8 =	vld.idx.msk [tilespmem:v8+s3+$0x0], $0xffff;
	v9 =	vadd.s32 v2, v7  }
0x7c: {  	v10 =	vmul.u32 $0x38, v10;
	v9 =	vor.u32 v1, v9;
	_ =	sdelay $0x1  }
0x7d: {  	v10 =	vbroadcast v10, $0x0;
	_ =	sdelay $0x1  }
0x7e: {  	s0 =	sor.u32 $0x70, s0;
	[tilespmem:$0x7140] =	vst v8;
	v8 =	vadd.s32 v12, v10  }
0x7f: {  	v11 =	vmov s0;
	v9 =	vld.idx.msk [tilespmem:v9+s3+$0x0], $0xffff;
	v10 =	vadd.s32 v2, v8  }
0x80: {  	v11 =	vmul.u32 $0x38, v11;
	v10 =	vor.u32 v1, v10;
	_ =	sdelay $0x1  }
0x81: {  	v11 =	vbroadcast v11, $0x0;
	_ =	sdelay $0x1  }
0x82: {  	[tilespmem:$0x7150] =	vst v9;
	v9 =	vadd.s32 v12, v11  }
0x83: {  	v10 =	vld.idx.msk [tilespmem:v10+s3+$0x0], $0xffff;
	v2 =	vadd.s32 v2, v9  }
0x84: {  	v1 =	vor.u32 v1, v2;
	_ =	sdelay $0x1  }
0x85: {  	s25 =	sshllo.u32 s30, $0x1  }
0x86: {  	v2 =	vmov s25  }
0x87: {  	[tilespmem:$0x7160] =	vst v10;
	v10 =	vand.u32 $0x38, v2  }
0x88: {  	v2 =	vand.u32 $0x7, v2;
	v1 =	vld.idx.msk [tilespmem:v1+s3+$0x0], $0xffff;
	v0 =	vadd.s32 v10, v0  }
0x89: {  	v0 =	vor.u32 v2, v0;
	_ =	sdelay $0x3  }
0x8a: {  	[tilespmem:$0x7170] =	vst v1  }
0x8b: {  	v1 =	vadd.s32 v10, v4;
	v0 =	vld.idx.msk [tilespmem:v0+s3+$0x0], $0xffff  }
0x8c: {  	v1 =	vor.u32 v2, v1;
	_ =	sdelay $0x3  }
0x8d: {  	[tilespmem:$0x7180] =	vst v0  }
0x8e: {  	v0 =	vld.idx.msk [tilespmem:v1+s3+$0x0], $0xffff;
	v1 =	vadd.s32 v10, v3  }
0x8f: {  	v1 =	vor.u32 v2, v1;
	_ =	sdelay $0x3  }
0x90: {  	[tilespmem:$0x7190] =	vst v0  }
0x91: {  	v0 =	vld.idx.msk [tilespmem:v1+s3+$0x0], $0xffff;
	v1 =	vadd.s32 v10, v5  }
0x92: {  	v1 =	vor.u32 v2, v1;
	_ =	sdelay $0x3  }
0x93: {  	[tilespmem:$0x71A0] =	vst v0  }
0x94: {  	v0 =	vld.idx.msk [tilespmem:v1+s3+$0x0], $0xffff;
	v1 =	vadd.s32 v10, v6  }
0x95: {  	v1 =	vor.u32 v2, v1;
	_ =	sdelay $0x3  }
0x96: {  	[tilespmem:$0x71B0] =	vst v0  }
0x97: {  	v0 =	vld.idx.msk [tilespmem:v1+s3+$0x0], $0xffff;
	v1 =	vadd.s32 v10, v7  }
0x98: {  	v1 =	vor.u32 v2, v1;
	_ =	sdelay $0x3  }
0x99: {  	[tilespmem:$0x71C0] =	vst v0  }
0x9a: {  	v0 =	vld.idx.msk [tilespmem:v1+s3+$0x0], $0xffff;
	v1 =	vadd.s32 v10, v8  }
0x9b: {  	v1 =	vor.u32 v2, v1;
	_ =	sdelay $0x3  }
0x9c: {  	[tilespmem:$0x71D0] =	vst v0  }
0x9d: {  	v0 =	vld.idx.msk [tilespmem:v1+s3+$0x0], $0xffff;
	v1 =	vadd.s32 v10, v9  }
0x9e: {  	v1 =	vor.u32 v2, v1;
	_ =	sdelay $0x3  }
0x9f: {  	[tilespmem:$0x71E0] =	vst v0  }
0xa0: {  	v0 =	vld.idx.msk [tilespmem:v1+s3+$0x0], $0xffff;
	_ =	sdelay $0x4  }
0xa1: {  	[tilespmem:$0x71F0] =	vst v0  }
0xa2: {  	[tilespmem:s15], [sflag:$0x2] =	stream.indirect.gather [hbm4b:s4+s9], $0x20, s14, s9, $0xb8;
	[tilespmem:$0xF200] =	vst v63  }
0xa3: {  	_ = 	snop  }
0xa4: {  	[tilespmem:s17], [sflag:$0x2] =	stream.indirect.gather [hbm4b:s4+s9], $0x20, s16, s9, $0xb8;
	[tilespmem:$0xF200] =	vst v63  }
0xa5: {  	s26 =	simm.s32 $0x0;
	_ =	swait.ge [sflag:s18], $0x2000  }
0xa6: {  	v0 =	vmov s26;
	v30 =	vld [tilespmem:$0x1FF00]  }
0xa7: {  	v0 =	vand.u32 $0x1C, v0  }
0xa8: {  	v0 =	vbroadcast v0, $0x0;
	_ =	sdelay $0x1  }
0xa9: {  	p0 =	seq.s32 s28, $0x0;
	v4 =	vor.u32 v29, v0;
	[sflag:s18] =	ssyncset.done $0x0  }
0xaa: {  	s0 =	simm.s32 @!p0 $0x3;
	[sflag:s18] =	ssyncadd.s32 $0xFFFFE000;
	v1 =	vor.u32 v30, v0  }
0xab: {  	_ =	swait.ge @!p0 [sflag:s0], $0x2000  }
0xac: {  	[sflag:s0] =	ssyncset.done @!p0 $0x0  }
0xad: {  	v2 =	vor.u32 v23, v0;
	[sflag:s0] =	ssyncadd.s32 @!p0 $0xFFFFE000  }
0xae: {  	v3 =	vor.u32 v32, v0;
	v4 =	vld.idx.msk [tilespmem:v4+s11+$0x0], $0xffff  }
0xaf: {  	v10 =	vld.idx.msk [tilespmem:v1+s11+$0x0], $0xffff;
	v1 =	vor.u32 v13, v0;
	_ =	sdelay $0x2  }
0xb0: {  	v12 =	vld.idx.msk [tilespmem:v2+s11+$0x0], $0xffff  }
0xb1: {  	v43 =	vld.idx.msk [tilespmem:v3+s11+$0x0], $0xffff;
	[tilespmem:$0x1FD50] =	vst v4  }
0xb2: {  	v5 =	vor.u32 v31, v0;
	v1 =	vld.idx.msk [tilespmem:v1+s11+$0x0], $0xffff  }
0xb3: {  	v3 =	vor.u32 v15, v0;
	_ =	sdelay $0x3  }
0xb4: {  	v42 =	vld.idx.msk [tilespmem:v5+s11+$0x0], $0xffff;
	[tilespmem:$0x1FD60] =	vst v1  }
0xb5: {  	v2 =	vor.u32 v14, v0;
	v3 =	vld.idx.msk [tilespmem:v3+s11+$0x0], $0xffff  }
0xb6: {  	v4 =	vor.u32 v16, v0;
	_ =	sdelay $0x3  }
0xb7: {  	v41 =	vld.idx.msk [tilespmem:v2+s11+$0x0], $0xffff;
	[tilespmem:$0x1FD70] =	vst v3  }
0xb8: {  	v4 =	vld.idx.msk [tilespmem:v4+s11+$0x0], $0xffff  }
0xb9: {  	v5 =	vor.u32 v17, v0;
	_ =	sdelay $0x3  }
0xba: {  	[tilespmem:$0x1FD80] =	vst v4  }
0xbb: {  	v5 =	vld.idx.msk [tilespmem:v5+s11+$0x0], $0xffff  }
0xbc: {  	v1 =	vor.u32 v18, v0;
	_ =	sdelay $0x3  }
0xbd: {  	[tilespmem:$0x1FD90] =	vst v5  }
0xbe: {  	v1 =	vld.idx.msk [tilespmem:v1+s11+$0x0], $0xffff  }
0xbf: {  	v2 =	vor.u32 v19, v0;
	_ =	sdelay $0x3  }
0xc0: {  	[tilespmem:$0x1FDA0] =	vst v1  }
0xc1: {  	v1 =	vld.idx.msk [tilespmem:v2+s11+$0x0], $0xffff  }
0xc2: {  	v3 =	vor.u32 v20, v0;
	_ =	sdelay $0x3  }
0xc3: {  	[tilespmem:$0x1FDB0] =	vst v1  }
0xc4: {  	v2 =	vld.idx.msk [tilespmem:v3+s11+$0x0], $0xffff  }
0xc5: {  	v4 =	vor.u32 v21, v0;
	_ =	sdelay $0x3  }
0xc6: {  	[tilespmem:$0x1FDC0] =	vst v2  }
0xc7: {  	v3 =	vld.idx.msk [tilespmem:v4+s11+$0x0], $0xffff  }
0xc8: {  	v5 =	vor.u32 v22, v0;
	_ =	sdelay $0x1  }
0xc9: {  	s1 =	simm.s32 $0x1  }
0xca: {  	v6 =	vmov s1  }
0xcb: {  	v6 =	vand.u32 $0x1D, v6;
	[tilespmem:$0x1FDD0] =	vst v3  }
0xcc: {  	s5 =	simm.s32 $0x3;
	v6 =	vbroadcast v6, $0x0;
	v4 =	vld.idx.msk [tilespmem:v5+s11+$0x0], $0xffff  }
0xcd: {  	v0 =	vor.u32 v28, v0;
	v5 =	vmov s5  }
0xce: {  	v1 =	vor.u32 v30, v6;
	v5 =	vand.u32 $0x1F, v5  }
0xcf: {  	v2 =	vor.u32 v23, v6;
	v5 =	vbroadcast v5, $0x0  }
0xd0: {  	v36 =	vmov v20;
	v3 =	vor.u32 v32, v6  }
0xd1: {  	v38 =	vmov v29;
	v52 =	vor.u32 v36, v5;
	[tilespmem:$0x1FDE0] =	vst v4  }
0xd2: {  	v61 =	vmov v14;
	v39 =	vmov v31;
	v4 =	vor.u32 v38, v6;
	v14 =	vld.idx.msk [tilespmem:v0+s11+$0x0], $0xffff  }
0xd3: {  	v34 =	vmov v18;
	v0 =	vor.u32 v39, v6;
	v18 =	vld.idx.msk [tilespmem:v1+s11+$0x0], $0xffff  }
0xd4: {  	v35 =	vmov v19;
	v1 =	vor.u32 v13, v6;
	v19 =	vld.idx.msk [tilespmem:v2+s11+$0x0], $0xffff  }
0xd5: {  	s31 =	simm.s32 $0xC200;
	v2 =	vor.u32 v61, v6;
	v20 =	vld.idx.msk [tilespmem:v3+s11+$0x0], $0xffff  }
0xd6: {  	v3 =	vor.u32 v15, v6;
	[tilespmem:s31+$0xFFFFF000] =	vst v10;
	v10 =	vld.idx.msk [tilespmem:v52+s11+$0x0], $0xffff  }
0xd7: {  	v37 =	vmov v21;
	v21 =	vld.idx.msk [tilespmem:v4+s11+$0x0], $0xffff;
	v4 =	vor.u32 v16, v6  }
0xd8: {  	v33 =	vmovc v16;
	v40 =	vmov v22;
	v8 =	vor.u32 v16, v5;
	v16 =	vor.u32 v28, v5;
	v22 =	vld.idx.msk [tilespmem:v0+s11+$0x0], $0xffff  }
0xd9: {  	v31 =	vmov v23;
	v58 =	vor.u32 v37, v5;
	v23 =	vld.idx.msk [tilespmem:v1+s11+$0x0], $0xffff  }
0xda: {  	v0 =	vor.u32 v17, v6;
	v24 =	vld.idx.msk [tilespmem:v2+s11+$0x0], $0xffff  }
0xdb: {  	v1 =	vor.u32 v34, v6;
	v25 =	vld.idx.msk [tilespmem:v3+s11+$0x0], $0xffff  }
0xdc: {  	v2 =	vor.u32 v35, v6;
	v26 =	vld.idx.msk [tilespmem:v4+s11+$0x0], $0xffff  }
0xdd: {  	v3 =	vor.u32 v36, v6;
	v53 =	vld.idx.msk [tilespmem:v16+s11+$0x0], $0xffff  }
0xde: {  	v49 =	vor.u32 v34, v5;
	v16 =	vld.idx.msk [tilespmem:v58+s11+$0x0], $0xffff  }
0xdf: {  	v4 =	vor.u32 v37, v6;
	v27 =	vld.idx.msk [tilespmem:v0+s11+$0x0], $0xffff  }
0xe0: {  	v0 =	vor.u32 v40, v6;
	v44 =	vld.idx.msk [tilespmem:v1+s11+$0x0], $0xffff  }
0xe1: {  	v1 =	vor.u32 v30, v5;
	v45 =	vld.idx.msk [tilespmem:v2+s11+$0x0], $0xffff  }
0xe2: {  	v2 =	vor.u32 v31, v5;
	v46 =	vld.idx.msk [tilespmem:v3+s11+$0x0], $0xffff  }
0xe3: {  	v55 =	vor.u32 v28, v6;
	v3 =	vor.u32 v32, v5;
	v6 =	vld.idx.msk [tilespmem:v49+s11+$0x0], $0xffff  }
0xe4: {  	v47 =	vld.idx.msk [tilespmem:v4+s11+$0x0], $0xffff;
	v4 =	vor.u32 v38, v5  }
0xe5: {  	v48 =	vld.idx.msk [tilespmem:v0+s11+$0x0], $0xffff;
	v0 =	vor.u32 v39, v5  }
0xe6: {  	v62 =	vmov v15;
	v15 =	vld.idx.msk [tilespmem:v1+s11+$0x0], $0xffff  }
0xe7: {  	v29 =	vmov v13;
	v1 =	vor.u32 v13, v5;
	v13 =	vld.idx.msk [tilespmem:v2+s11+$0x0], $0xffff  }
0xe8: {  	v7 =	vmov v17;
	v17 =	vor.u32 v17, v5;
	v11 =	vld.idx.msk [tilespmem:v3+s11+$0x0], $0xffff  }
0xe9: {  	s7 =	simm.s32 $0x2;
	v2 =	vor.u32 v61, v5;
	v9 =	vld.idx.msk [tilespmem:v4+s11+$0x0], $0xffff  }
0xea: {  	v51 =	vmov s7;
	v3 =	vor.u32 v62, v5;
	v4 =	vld.idx.msk [tilespmem:v0+s11+$0x0], $0xffff  }
0xeb: {  	v0 =	vld.idx.msk [tilespmem:v8+s11+$0x0], $0xffff;
	v8 =	vand.u32 $0x1E, v51  }
0xec: {  	v50 =	vor.u32 v35, v5;
	v1 =	vld.idx.msk [tilespmem:v1+s11+$0x0], $0xffff;
	v54 =	vbroadcast v8, $0x0  }
0xed: {  	v8 =	vld.idx.msk [tilespmem:v17+s11+$0x0], $0xffff;
	v17 =	vor.u32 v40, v5  }
0xee: {  	v2 =	vld.idx.msk [tilespmem:v2+s11+$0x0], $0xffff;
	v59 =	vor.u32 v30, v54  }
0xef: {  	s8 =	simm.s32 $0x0;
	s10 =	simm.s32 $0x80;
	v3 =	vld.idx.msk [tilespmem:v3+s11+$0x0], $0xffff;
	v60 =	vor.u32 v31, v54  }
0xf0: {  	s7 =	sand.u32 $0xC00, s8;
	s5 =	sand.u32 $0x280, s10;
	[tilespmem:s31+$0xFFFFF010] =	vst v12;
	v51 =	vld.idx.msk [tilespmem:v55+s11+$0x0], $0xffff;
	v12 =	vor.u32 v32, v54  }
0xf1: {  	s8 =	sor.u32 s7, s5;
	[tilespmem:s31+$0x70] =	vst v14;
	v5 =	vld.idx.msk [tilespmem:v50+s11+$0x0], $0xffff;
	v14 =	vor.u32 v38, v54  }
0xf2: {  	[tilespmem:s8+$0xB200] =	vst v18;
	v63 =	vor.u32 v39, v54;
	v17 =	vld.idx.msk [tilespmem:v17+s11+$0x0], $0xffff  }
0xf3: {  	[tilespmem:s8+$0xB210] =	vst v19;
	v56 =	vor.u32 v29, v54;
	v18 =	vld.idx.msk [tilespmem:v59+s11+$0x0], $0xffff  }
0xf4: {  	[tilespmem:s8+$0xB220] =	vst v20;
	v57 =	vor.u32 v61, v54;
	v19 =	vld.idx.msk [tilespmem:v60+s11+$0x0], $0xffff  }
0xf5: {  	[tilespmem:s8+$0xB230] =	vst v21;
	v20 =	vor.u32 v62, v54;
	v12 =	vld.idx.msk [tilespmem:v12+s11+$0x0], $0xffff  }
0xf6: {  	[tilespmem:s8+$0xB240] =	vst v22;
	v58 =	vor.u32 v33, v54;
	v14 =	vld.idx.msk [tilespmem:v14+s11+$0x0], $0xffff  }
0xf7: {  	[tilespmem:s8+$0xB250] =	vst v23;
	v22 =	vld.idx.msk [tilespmem:v63+s11+$0x0], $0xffff;
	v60 =	vor.u32 v7, v54  }
0xf8: {  	s1 =	simm.s32 $0x180;
	[tilespmem:s8+$0xB260] =	vst v24;
	v23 =	vld.idx.msk [tilespmem:v56+s11+$0x0], $0xffff;
	v63 =	vor.u32 v34, v54  }
0xf9: {  	s12 =	sand.u32 $0x380, s1;
	s5 =	simm.s32 $0x4;
	[tilespmem:s8+$0xB270] =	vst v25;
	v25 =	vor.u32 v36, v54;
	v24 =	vld.idx.msk [tilespmem:v57+s11+$0x0], $0xffff  }
0xfa: {  	s0 =	sor.u32 s7, s12;
	[tilespmem:s8+$0xC200] =	vst v26;
	v26 =	vor.u32 v37, v54;
	v20 =	vld.idx.msk [tilespmem:v20+s11+$0x0], $0xffff;
	v59 =	vmov s5  }
0xfb: {  	v50 =	vor.u32 v35, v54;
	[tilespmem:s0+$0xC270] =	vst v53;
	v21 =	vld.idx.msk [tilespmem:v58+s11+$0x0], $0xffff;
	v53 =	vand.u32 $0x1C, v59  }
0xfc: {  	[tilespmem:s8+$0xC210] =	vst v27;
	v56 =	vbroadcast v53, $0x0;
	v27 =	vld.idx.msk [tilespmem:v60+s11+$0x0], $0xffff;
	v60 =	vor.u32 v40, v54  }
0xfd: {  	v49 =	vld.idx.msk [tilespmem:v63+s11+$0x0], $0xffff;
	v63 =	vor.u32 v28, v54  }
0xfe: {  	[tilespmem:s8+$0xC250] =	vst v47;
	v25 =	vld.idx.msk [tilespmem:v25+s11+$0x0], $0xffff;
	v47 =	vor.u32 v32, v56  }
0xff: {  	v26 =	vld.idx.msk [tilespmem:v26+s11+$0x0], $0xffff  }
0x100: {  	s25 =	simm.s32 $0x100;
	[tilespmem:s8+$0xC220] =	vst v44;
	v54 =	vld.idx.msk [tilespmem:v50+s11+$0x0], $0xffff  }
0x101: {  	s25 =	sand.u32 $0x300, s25;
	[tilespmem:s8+$0xC230] =	vst v45;
	v59 =	vld.idx.msk [tilespmem:v60+s11+$0x0], $0xffff  }
0x102: {  	s7 =	sor.u32 s7, s25;
	[tilespmem:s8+$0xC240] =	vst v46;
	v45 =	vor.u32 v30, v56;
	v60 =	vld.idx.msk [tilespmem:v63+s11+$0x0], $0xffff  }
0x103: {  	v53 =	vor.u32 v31, v56;
	[tilespmem:s7+$0xB220] =	vst v12;
	v12 =	vld.idx.msk [tilespmem:v47+s11+$0x0], $0xffff  }
0x104: {  	[tilespmem:s8+$0xC260] =	vst v48  }
0x105: {  	[tilespmem:s8+$0xC270] =	vst v51  }
0x106: {  	v48 =	vor.u32 v38, v56;
	[tilespmem:s7+$0xB200] =	vst v18  }
0x107: {  	v55 =	vor.u32 v39, v56;
	v57 =	vld.idx.msk [tilespmem:v45+s11+$0x0], $0xffff;
	[tilespmem:s7+$0xB210] =	vst v19  }
0x108: {  	v51 =	vld.idx.msk [tilespmem:v53+s11+$0x0], $0xffff;
	v18 =	vor.u32 v29, v56;
	[tilespmem:$0x1FDF0] =	vst v12  }
0x109: {  	v19 =	vor.u32 v61, v56;
	[tilespmem:s7+$0xB230] =	vst v14  }
0x10a: {  	v12 =	vor.u32 v62, v56;
	[tilespmem:s7+$0xB240] =	vst v22  }
0x10b: {  	v58 =	vor.u32 v7, v56;
	v45 =	vld.idx.msk [tilespmem:v48+s11+$0x0], $0xffff;
	[tilespmem:s7+$0xB250] =	vst v23  }
0x10c: {  	v14 =	vor.u32 v33, v56;
	v46 =	vld.idx.msk [tilespmem:v55+s11+$0x0], $0xffff;
	[tilespmem:s7+$0xB260] =	vst v24  }
0x10d: {  	v47 =	vld.idx.msk [tilespmem:v18+s11+$0x0], $0xffff;
	v18 =	vor.u32 v34, v56;
	[tilespmem:s7+$0xB270] =	vst v20  }
0x10e: {  	s25 =	simm.s32 $0x5;
	v48 =	vld.idx.msk [tilespmem:v19+s11+$0x0], $0xffff;
	v19 =	vor.u32 v35, v56;
	[tilespmem:s7+$0xC200] =	vst v21  }
0x10f: {  	v20 =	vor.u32 v36, v56;
	[tilespmem:s7+$0xC210] =	vst v27;
	v50 =	vld.idx.msk [tilespmem:v12+s11+$0x0], $0xffff;
	v12 =	vmov s25  }
0x110: {  	v63 =	vor.u32 v40, v56;
	v55 =	vld.idx.msk [tilespmem:v58+s11+$0x0], $0xffff;
	[tilespmem:s7+$0xC220] =	vst v49;
	v12 =	vand.u32 $0x1D, v12  }
0x111: {  	[tilespmem:s7+$0xC230] =	vst v54;
	v53 =	vld.idx.msk [tilespmem:v14+s11+$0x0], $0xffff;
	v14 =	vor.u32 v37, v56;
	v12 =	vbroadcast v12, $0x0  }
0x112: {  	[tilespmem:s7+$0xC240] =	vst v25;
	v58 =	vld.idx.msk [tilespmem:v18+s11+$0x0], $0xffff;
	v18 =	vor.u32 v28, v56  }
0x113: {  	[tilespmem:s7+$0xC250] =	vst v26;
	v56 =	vld.idx.msk [tilespmem:v19+s11+$0x0], $0xffff;
	v19 =	vor.u32 v30, v12  }
0x114: {  	[tilespmem:s7+$0xC260] =	vst v59;
	v54 =	vld.idx.msk [tilespmem:v20+s11+$0x0], $0xffff;
	v20 =	vor.u32 v31, v12  }
0x115: {  	v49 =	vld.idx.msk [tilespmem:v63+s11+$0x0], $0xffff;
	[tilespmem:s7+$0xC270] =	vst v60;
	v22 =	vor.u32 v32, v12  }
0x116: {  	[tilespmem:s0+$0xB200] =	vst v15;
	v44 =	vor.u32 v38, v12;
	v52 =	vld.idx.msk [tilespmem:v14+s11+$0x0], $0xffff  }
0x117: {  	[tilespmem:s0+$0xB210] =	vst v13;
	v15 =	vor.u32 v29, v12;
	v14 =	vld.idx.msk [tilespmem:v18+s11+$0x0], $0xffff  }
0x118: {  	[tilespmem:s0+$0xB220] =	vst v11;
	v13 =	vor.u32 v61, v12;
	v59 =	vld.idx.msk [tilespmem:v19+s11+$0x0], $0xffff  }
0x119: {  	[tilespmem:s0+$0xB230] =	vst v9;
	v11 =	vor.u32 v62, v12;
	v60 =	vld.idx.msk [tilespmem:v20+s11+$0x0], $0xffff  }
0x11a: {  	[tilespmem:s0+$0xB240] =	vst v4;
	v9 =	vor.u32 v33, v12;
	v61 =	vld.idx.msk [tilespmem:v22+s11+$0x0], $0xffff  }
0x11b: {  	[tilespmem:s0+$0xB250] =	vst v1;
	v18 =	vor.u32 v39, v12;
	v62 =	vld.idx.msk [tilespmem:v44+s11+$0x0], $0xffff  }
0x11c: {  	[tilespmem:s0+$0xB260] =	vst v2;
	v1 =	vld.idx.msk [tilespmem:v15+s11+$0x0], $0xffff;
	v15 =	vor.u32 v34, v12  }
0x11d: {  	[tilespmem:s0+$0xB270] =	vst v3;
	v2 =	vld.idx.msk [tilespmem:v13+s11+$0x0], $0xffff;
	v13 =	vor.u32 v35, v12  }
0x11e: {  	[tilespmem:s0+$0xC200] =	vst v0;
	v3 =	vld.idx.msk [tilespmem:v11+s11+$0x0], $0xffff;
	v11 =	vor.u32 v36, v12  }
0x11f: {  	[tilespmem:s0+$0xC210] =	vst v8;
	v4 =	vld.idx.msk [tilespmem:v9+s11+$0x0], $0xffff;
	v19 =	vor.u32 v37, v12  }
0x120: {  	s26 =	simm.s32 $0x7;
	[tilespmem:s0+$0xC220] =	vst v6;
	v20 =	vor.u32 v40, v12;
	v63 =	vld.idx.msk [tilespmem:v18+s11+$0x0], $0xffff  }
0x121: {  	v0 =	vmov s26;
	[tilespmem:s0+$0xC230] =	vst v5;
	v18 =	vor.u32 v7, v12;
	v9 =	vld.idx.msk [tilespmem:v15+s11+$0x0], $0xffff  }
0x122: {  	[tilespmem:s0+$0xC240] =	vst v10;
	v0 =	vand.u32 $0x1F, v0;
	v5 =	vld.idx.msk [tilespmem:v13+s11+$0x0], $0xffff  }
0x123: {  	[tilespmem:s0+$0xC250] =	vst v16;
	v27 =	vbroadcast v0, $0x0;
	v6 =	vld.idx.msk [tilespmem:v11+s11+$0x0], $0xffff  }
0x124: {  	[tilespmem:s0+$0xC260] =	vst v17;
	v10 =	vld.idx.msk [tilespmem:v19+s11+$0x0], $0xffff  }
0x125: {  	[tilespmem:s31+$0xFFFFF020] =	vst v43;
	v0 =	vor.u32 v32, v27;
	v17 =	vor.u32 v38, v27;
	v29 =	vmov v28;
	v11 =	vld.idx.msk [tilespmem:v20+s11+$0x0], $0xffff  }
0x126: {  	s0 =	sshll.u32 s28, $0x1;
	s7 =	simm.s32 $0x8;
	v15 =	vor.u32 v31, v27;
	v13 =	vor.u32 v39, v27;
	v8 =	vld.idx.msk [tilespmem:v18+s11+$0x0], $0xffff;
	v18 =	vor.u32 v30, v27  }
.LBB2_3:
0x127: {  	v16 =	vld [tilespmem:$0x1FD50];
	_ =	sdelay $0x3  }
0x128: {  	v7 =	vld.idx.msk [tilespmem:v18+s11+$0x0], $0xffff  }
0x129: {  	v43 =	vld [tilespmem:$0x1FFE0];
	[tilespmem:s31+$0xFFFFF030] =	vst v16;
	v16 =	vmov v46  }
0x12a: {  	[tilespmem:$0x1FD40] =	vst v16;
	v16 =	vld.idx.msk [tilespmem:v0+s11+$0x0], $0xffff  }
0x12b: {  	v0 =	vld [tilespmem:$0x1FD60]  }
0x12c: {  	v15 =	vld.idx.msk [tilespmem:v15+s11+$0x0], $0xffff  }
0x12d: {  	v31 =	vld [tilespmem:$0x1FF20]  }
0x12e: {  	v30 =	vld [tilespmem:$0x1FF30]  }
0x12f: {  	v34 =	vld [tilespmem:$0x1FF50]  }
0x130: {  	v13 =	vld.idx.msk [tilespmem:v13+s11+$0x0], $0xffff;
	[tilespmem:s31+$0xFFFFF050] =	vst v0;
	v0 =	vmov v47  }
0x131: {  	[tilespmem:$0x1FD60] =	vst v0;
	v0 =	vld.idx.msk [tilespmem:v17+s11+$0x0], $0xffff;
	v17 =	vmov v48  }
0x132: {  	[tilespmem:$0x1FD30] =	vst v17;
	v17 =	vld [tilespmem:$0x1FD70]  }
0x133: {  	v33 =	vld [tilespmem:$0x1FF40];
	v18 =	vor.u32 v43, v27  }
0x134: {  	v37 =	vld [tilespmem:$0x1FF80]  }
0x135: {  	v38 =	vld [tilespmem:$0x1FF90]  }
0x136: {  	v39 =	vld [tilespmem:$0x1FFA0]  }
0x137: {  	v32 =	vld [tilespmem:$0x1FDB0];
	[tilespmem:s31+$0xFFFFF070] =	vst v17;
	v17 =	vmov v50  }
0x138: {  	[tilespmem:$0x1FD70] =	vst v17;
	v17 =	vld.idx.msk [tilespmem:v18+s11+$0x0], $0xffff  }
0x139: {  	v18 =	vld [tilespmem:$0x1FD80]  }
0x13a: {  	v40 =	vld [tilespmem:$0x1FFB0];
	v19 =	vor.u32 v31, v27  }
0x13b: {  	v35 =	vmov v56;
	v44 =	vld [tilespmem:$0x1FF10]  }
0x13c: {  	[tilespmem:$0x1FDB0] =	vst v35;
	v35 =	vld [tilespmem:$0x1FF60]  }
0x13d: {  	v22 =	vor.u32 v29, v27;
	[tilespmem:s31+$0xFFFFF060] =	vst v41;
	v41 =	vld [tilespmem:$0x1FFC0]  }
0x13e: {  	v12 =	vor.u32 v29, v12;
	v47 =	vld [tilespmem:$0x1FDC0];
	[tilespmem:s31+$0x0] =	vst v18;
	v18 =	vmov v53  }
0x13f: {  	v20 =	vmov v45;
	s1 =	sadd.s32 $0x200, s1;
	[tilespmem:$0x1FD80] =	vst v18;
	v18 =	vld.idx.msk [tilespmem:v19+s11+$0x0], $0xffff  }
0x140: {  	[tilespmem:$0x1FD50] =	vst v20;
	s12 =	sadd.s32 $0xFFFFFE80, s1;
	s25 =	sadd.s32 $0xFFFFFF00, s1;
	v24 =	vor.u32 v37, v27;
	v19 =	vld [tilespmem:$0x1FD90]  }
0x141: {  	s8 =	sadd.s32 $0x2, s5;
	s12 =	sand.u32 $0xC00, s12;
	s26 =	sand.u32 $0x280, s25;
	[tilespmem:s31+$0xFFFFF040] =	vst v42;
	v42 =	vld [tilespmem:$0x1FFD0];
	v20 =	vor.u32 v30, v27  }
0x142: {  	v26 =	vmov s8;
	s26 =	sor.u32 s12, s26;
	[tilespmem:s31+$0x30] =	vst v32;
	v46 =	vld.idx.msk [tilespmem:v22+s11+$0x0], $0xffff  }
0x143: {  	v36 =	vand.u32 $0x1E, v26;
	v12 =	vld.idx.msk [tilespmem:v12+s11+$0x0], $0xffff;
	[tilespmem:s26+$0xB200] =	vst v59  }
0x144: {  	v32 =	vld [tilespmem:$0x1FF00];
	[tilespmem:s31+$0x40] =	vst v47;
	v47 =	vbroadcast v36, $0x0  }
0x145: {  	v22 =	vld.idx.msk [tilespmem:v24+s11+$0x0], $0xffff;
	[tilespmem:s31+$0x10] =	vst v19;
	v19 =	vmov v55  }
0x146: {  	v59 =	vor.u32 v43, v47;
	[tilespmem:$0x1FD90] =	vst v19;
	v19 =	vld.idx.msk [tilespmem:v20+s11+$0x0], $0xffff  }
0x147: {  	[tilespmem:s26+$0xB210] =	vst v60;
	v60 =	vor.u32 v31, v47;
	v20 =	vld [tilespmem:$0x1FDA0]  }
0x148: {  	v21 =	vor.u32 v34, v27;
	[tilespmem:s26+$0xB220] =	vst v61;
	v48 =	vmov v54;
	v54 =	vld [tilespmem:$0x1FDE0]  }
0x149: {  	v23 =	vor.u32 v33, v27;
	[tilespmem:s26+$0xB230] =	vst v62;
	v36 =	vld [tilespmem:$0x1FF70]  }
0x14a: {  	v25 =	vor.u32 v38, v27;
	[tilespmem:s26+$0xB260] =	vst v2;
	v50 =	vld [tilespmem:$0x1FDD0]  }
0x14b: {  	v26 =	vor.u32 v40, v27;
	[tilespmem:s26+$0xB270] =	vst v3;
	v2 =	vld.idx.msk [tilespmem:v59+s11+$0x0], $0xffff  }
0x14c: {  	v3 =	vld.idx.msk [tilespmem:v60+s11+$0x0], $0xffff;
	[tilespmem:s31+$0x20] =	vst v20;
	v20 =	vmov v58;
	v58 =	vor.u32 v39, v27  }
0x14d: {  	v27 =	vor.u32 v44, v27;
	[tilespmem:$0x1FDA0] =	vst v20;
	v20 =	vld.idx.msk [tilespmem:v21+s11+$0x0], $0xffff  }
0x14e: {  	[tilespmem:s26+$0xB240] =	vst v63;
	v61 =	vor.u32 v30, v47;
	v21 =	vld.idx.msk [tilespmem:v23+s11+$0x0], $0xffff  }
0x14f: {  	[tilespmem:s26+$0xB250] =	vst v1;
	v62 =	vor.u32 v34, v47;
	v23 =	vld.idx.msk [tilespmem:v25+s11+$0x0], $0xffff  }
0x150: {  	[tilespmem:s26+$0xC200] =	vst v4;
	v63 =	vor.u32 v37, v47;
	v25 =	vld.idx.msk [tilespmem:v26+s11+$0x0], $0xffff  }
0x151: {  	[tilespmem:s26+$0xC210] =	vst v8;
	v24 =	vld.idx.msk [tilespmem:v58+s11+$0x0], $0xffff;
	v58 =	vor.u32 v41, v47  }
0x152: {  	[tilespmem:s31+$0x60] =	vst v54;
	v26 =	vld.idx.msk [tilespmem:v27+s11+$0x0], $0xffff;
	v27 =	vor.u32 v42, v47  }
0x153: {  	[tilespmem:s31+$0x50] =	vst v50;
	v4 =	vld.idx.msk [tilespmem:v61+s11+$0x0], $0xffff;
	v59 =	vor.u32 v39, v47;
	s31 =	sadd.s32 $0x200, s31  }
0x154: {  	v8 =	vld.idx.msk [tilespmem:v62+s11+$0x0], $0xffff;
	[tilespmem:s31+$0xFFFFF000] =	vst v57;
	v57 =	vor.u32 v36, v47  }
0x155: {  	[tilespmem:s26+$0xC230] =	vst v5;
	v60 =	vor.u32 v40, v47;
	v5 =	vld.idx.msk [tilespmem:v63+s11+$0x0], $0xffff  }
0x156: {  	[tilespmem:s26+$0xC250] =	vst v10;
	v56 =	vor.u32 v32, v47;
	v53 =	vmov v52;
	v45 =	vld.idx.msk [tilespmem:v58+s11+$0x0], $0xffff;
	v58 =	vmov s7  }
0x157: {  	[tilespmem:$0x1FDD0] =	vst v53;
	v1 =	vld.idx.msk [tilespmem:v27+s11+$0x0], $0xffff;
	v27 =	vor.u32 v33, v47;
	v53 =	vand.u32 $0x1C, v58  }
0x158: {  	v10 =	vld.idx.msk [tilespmem:v59+s11+$0x0], $0xffff;
	[tilespmem:s31+$0x70] =	vst v14;
	v14 =	vor.u32 v35, v47;
	v54 =	vbroadcast v53, $0x0  }
0x159: {  	s25 =	sand.u32 $0x380, s1;
	[tilespmem:s26+$0xC220] =	vst v9;
	v55 =	vmov v49;
	v49 =	vld.idx.msk [tilespmem:v57+s11+$0x0], $0xffff;
	v57 =	vor.u32 v38, v47  }
0x15a: {  	s8 =	sor.u32 s12, s25;
	[tilespmem:s26+$0xC260] =	vst v11;
	v11 =	vld.idx.msk [tilespmem:v60+s11+$0x0], $0xffff;
	v61 =	vor.u32 v32, v54  }
0x15b: {  	[tilespmem:s8+$0xC270] =	vst v46;
	v46 =	vld.idx.msk [tilespmem:v56+s11+$0x0], $0xffff;
	v62 =	vor.u32 v36, v54  }
0x15c: {  	[tilespmem:s26+$0xC240] =	vst v6;
	v9 =	vld.idx.msk [tilespmem:v27+s11+$0x0], $0xffff;
	v27 =	vor.u32 v44, v47  }
0x15d: {  	[tilespmem:s26+$0xC270] =	vst v12;
	v14 =	vld.idx.msk [tilespmem:v14+s11+$0x0], $0xffff;
	v47 =	vor.u32 v29, v47  }
0x15e: {  	[tilespmem:s31+$0xFFFFF010] =	vst v51;
	v6 =	vld.idx.msk [tilespmem:v57+s11+$0x0], $0xffff;
	v53 =	vor.u32 v35, v54  }
0x15f: {  	s10 =	sadd.s32 $0xFFFFFF80, s1;
	[tilespmem:$0x1FDC0] =	vst v48;
	v63 =	vor.u32 v41, v54;
	v57 =	vld.idx.msk [tilespmem:v61+s11+$0x0], $0xffff  }
0x160: {  	s10 =	sand.u32 $0x300, s10;
	[tilespmem:$0x1FDE0] =	vst v55;
	v12 =	vor.u32 v42, v54;
	v51 =	vld.idx.msk [tilespmem:v62+s11+$0x0], $0xffff  }
0x161: {  	s25 =	sor.u32 s12, s10;
	[tilespmem:s8+$0xB200] =	vst v7;
	v61 =	vor.u32 v43, v54;
	v27 =	vld.idx.msk [tilespmem:v27+s11+$0x0], $0xffff  }
0x162: {  	v62 =	vor.u32 v31, v54;
	v60 =	vld.idx.msk [tilespmem:v47+s11+$0x0], $0xffff;
	[tilespmem:s25+$0xB200] =	vst v46  }
0x163: {  	v28 =	vld.idx.msk [tilespmem:v53+s11+$0x0], $0xffff;
	[tilespmem:s25+$0xB220] =	vst v14;
	v14 =	vor.u32 v30, v54  }
0x164: {  	[tilespmem:s25+$0xB230] =	vst v45;
	v45 =	vld.idx.msk [tilespmem:v63+s11+$0x0], $0xffff;
	v63 =	vor.u32 v34, v54  }
0x165: {  	s12 =	sadd.s32 $0x1, s7;
	[tilespmem:s25+$0xB240] =	vst v1;
	v46 =	vld.idx.msk [tilespmem:v12+s11+$0x0], $0xffff;
	v1 =	vor.u32 v33, v54  }
0x166: {  	[tilespmem:s25+$0xB250] =	vst v2;
	v2 =	vor.u32 v37, v54;
	v12 =	vmov s12;
	v47 =	vld.idx.msk [tilespmem:v61+s11+$0x0], $0xffff  }
0x167: {  	[tilespmem:s25+$0xB260] =	vst v3;
	v3 =	vor.u32 v38, v54;
	v12 =	vand.u32 $0x1D, v12;
	v48 =	vld.idx.msk [tilespmem:v62+s11+$0x0], $0xffff  }
0x168: {  	[tilespmem:s25+$0xB270] =	vst v4;
	v4 =	vor.u32 v39, v54;
	v12 =	vbroadcast v12, $0x0;
	v50 =	vld.idx.msk [tilespmem:v14+s11+$0x0], $0xffff  }
0x169: {  	[tilespmem:s25+$0xC200] =	vst v8;
	v8 =	vor.u32 v40, v54;
	v53 =	vld.idx.msk [tilespmem:v63+s11+$0x0], $0xffff  }
0x16a: {  	[tilespmem:s25+$0xC220] =	vst v5;
	v5 =	vor.u32 v35, v12;
	v55 =	vld.idx.msk [tilespmem:v1+s11+$0x0], $0xffff  }
0x16b: {  	[tilespmem:s25+$0xC230] =	vst v6;
	v6 =	vor.u32 v33, v12;
	v58 =	vld.idx.msk [tilespmem:v2+s11+$0x0], $0xffff  }
0x16c: {  	[tilespmem:s25+$0xC250] =	vst v11;
	v7 =	vor.u32 v37, v12;
	v56 =	vld.idx.msk [tilespmem:v3+s11+$0x0], $0xffff  }
0x16d: {  	v11 =	vor.u32 v39, v12;
	v1 =	vor.u32 v44, v54;
	v2 =	vor.u32 v29, v54;
	v54 =	vld.idx.msk [tilespmem:v4+s11+$0x0], $0xffff  }
0x16e: {  	[tilespmem:s8+$0xB220] =	vst v16;
	v16 =	vor.u32 v44, v12;
	v52 =	vld.idx.msk [tilespmem:v8+s11+$0x0], $0xffff  }
0x16f: {  	[tilespmem:s8+$0xB210] =	vst v15;
	v61 =	vld.idx.msk [tilespmem:v5+s11+$0x0], $0xffff  }
0x170: {  	[tilespmem:s8+$0xB230] =	vst v0;
	v8 =	vld.idx.msk [tilespmem:v6+s11+$0x0], $0xffff  }
0x171: {  	[tilespmem:s25+$0xC210] =	vst v9;
	v3 =	vor.u32 v32, v12;
	v9 =	vld.idx.msk [tilespmem:v7+s11+$0x0], $0xffff  }
0x172: {  	[tilespmem:s8+$0xB240] =	vst v13;
	v4 =	vor.u32 v36, v12;
	v6 =	vld.idx.msk [tilespmem:v11+s11+$0x0], $0xffff  }
0x173: {  	[tilespmem:s8+$0xB250] =	vst v17;
	v11 =	vld.idx.msk [tilespmem:v16+s11+$0x0], $0xffff  }
0x174: {  	[tilespmem:s25+$0xB210] =	vst v49;
	v49 =	vld.idx.msk [tilespmem:v1+s11+$0x0], $0xffff;
	v1 =	vor.u32 v41, v12  }
0x175: {  	[tilespmem:s8+$0xB260] =	vst v18;
	v14 =	vld.idx.msk [tilespmem:v2+s11+$0x0], $0xffff;
	v2 =	vor.u32 v42, v12  }
0x176: {  	[tilespmem:s8+$0xB270] =	vst v19;
	v59 =	vld.idx.msk [tilespmem:v3+s11+$0x0], $0xffff;
	v3 =	vor.u32 v43, v12  }
0x177: {  	[tilespmem:s25+$0xC270] =	vst v60;
	v60 =	vld.idx.msk [tilespmem:v4+s11+$0x0], $0xffff;
	v4 =	vor.u32 v31, v12  }
0x178: {  	[tilespmem:s8+$0xC220] =	vst v22;
	v5 =	vor.u32 v30, v12;
	v7 =	vld [tilespmem:$0x1FDF0]  }
0x179: {  	[tilespmem:s8+$0xC200] =	vst v20;
	v0 =	vor.u32 v34, v12;
	v62 =	vld.idx.msk [tilespmem:v1+s11+$0x0], $0xffff  }
0x17a: {  	[tilespmem:s25+$0xC240] =	vst v10;
	v10 =	vor.u32 v38, v12;
	v63 =	vld.idx.msk [tilespmem:v2+s11+$0x0], $0xffff  }
0x17b: {  	[tilespmem:s8+$0xC210] =	vst v21;
	v13 =	vor.u32 v40, v12;
	v1 =	vld.idx.msk [tilespmem:v3+s11+$0x0], $0xffff  }
0x17c: {  	s26 =	sadd.s32 $0x3, s7;
	[tilespmem:s8+$0xC230] =	vst v23;
	v2 =	vld.idx.msk [tilespmem:v4+s11+$0x0], $0xffff  }
0x17d: {  	p1 =	slt.u32 s7, $0x1C;
	[tilespmem:s8+$0xC250] =	vst v25;
	v4 =	vmov s26;
	v3 =	vld.idx.msk [tilespmem:v5+s11+$0x0], $0xffff  }
.Ltmp0:
0x17e: {  	[tilespmem:s8+$0xC240] =	vst v24;
	v5 =	vand.u32 $0x1F, v4;
	v4 =	vld.idx.msk [tilespmem:v0+s11+$0x0], $0xffff;
	(pc) =	sbr.rel @p1 .LBB2_3-.Ltmp0, $4  }
0x17f: {  	[tilespmem:s25+$0xC260] =	vst v27;
	v27 =	vbroadcast v5, $0x0;
	v5 =	vld.idx.msk [tilespmem:v10+s11+$0x0], $0xffff  }
0x180: {  	[tilespmem:s8+$0xC260] =	vst v26;
	v10 =	vld.idx.msk [tilespmem:v13+s11+$0x0], $0xffff  }
0x181: {  	[tilespmem:s31+$0xFFFFF020] =	vst v7;
	v7 =	vmov v28;
	v18 =	vor.u32 v32, v27;
	v17 =	vor.u32 v41, v27;
	v41 =	vld [tilespmem:$0x1FD30]  }
0x182: {  	s5 =	smov.u32 s7;
	s7 =	sadd.s32 $0x4, s7;
	[tilespmem:$0x1FDF0] =	vst v7;
	v15 =	vor.u32 v36, v27;
	v0 =	vor.u32 v35, v27;
	v13 =	vor.u32 v42, v27;
	v42 =	vld [tilespmem:$0x1FD40]  }
0x183: {  	_ =	sdelay $0x3  }
0x184: {  	v7 =	vld.idx.msk [tilespmem:v18+s11+$0x0], $0xffff;
	_ =	sdelay $0x4  }
0x185: {  	v37 =	vld [tilespmem:$0x1FD50];
	[tilespmem:$0x1FCF0] =	vst v7  }
0x186: {  	v38 =	vld.idx.msk [tilespmem:v15+s11+$0x0], $0xffff;
	_ =	sdelay $0x3  }
0x187: {  	v36 =	vld [tilespmem:$0x1FFE0];
	[tilespmem:s31+$0xFFFFF030] =	vst v37  }
0x188: {  	[tilespmem:$0x1FD00] =	vst v38  }
0x189: {  	v0 =	vld.idx.msk [tilespmem:v0+s11+$0x0], $0xffff;
	_ =	sdelay $0x3  }
0x18a: {  	v43 =	vld [tilespmem:$0x1FF20];
	[tilespmem:s31+$0xFFFFF040] =	vst v42  }
0x18b: {  	v39 =	vld [tilespmem:$0x1FD60];
	[tilespmem:$0x1FD10] =	vst v0  }
0x18c: {  	v40 =	vld.idx.msk [tilespmem:v17+s11+$0x0], $0xffff;
	_ =	sdelay $0x3  }
0x18d: {  	v42 =	vld [tilespmem:$0x1FF30];
	[tilespmem:s31+$0xFFFFF050] =	vst v39  }
0x18e: {  	[tilespmem:$0x1FD20] =	vst v40  }
0x18f: {  	v17 =	vld [tilespmem:$0x1FF50];
	[tilespmem:s31+$0xFFFFF060] =	vst v41  }
0x190: {  	v44 =	vld [tilespmem:$0x1FD70];
	_ =	sdelay $0x4  }
0x191: {  	[tilespmem:s31+$0xFFFFF070] =	vst v44  }
0x192: {  	v0 =	vld [tilespmem:$0x1FD80];
	_ =	sdelay $0x4  }
0x193: {  	v41 =	vld [tilespmem:$0x1FF40];
	[tilespmem:s31+$0x0] =	vst v0  }
0x194: {  	v0 =	vld [tilespmem:$0x1FD90];
	_ =	sdelay $0x3  }
0x195: {  	v15 =	vld.idx.msk [tilespmem:v13+s11+$0x0], $0xffff  }
0x196: {  	v13 =	vld [tilespmem:$0x1FF80];
	[tilespmem:s31+$0x10] =	vst v0  }
0x197: {  	v0 =	vld [tilespmem:$0x1FDA0];
	_ =	sdelay $0x4  }
0x198: {  	v40 =	vld [tilespmem:$0x1FF90];
	[tilespmem:s31+$0x20] =	vst v0  }
0x199: {  	v0 =	vld [tilespmem:$0x1FDB0];
	_ =	sdelay $0x4  }
0x19a: {  	v7 =	vld [tilespmem:$0x1FFA0];
	[tilespmem:s31+$0x30] =	vst v0  }
0x19b: {  	v30 =	vld [tilespmem:$0x1FDC0];
	_ =	sdelay $0x1  }
0x19c: {  	v16 =	vor.u32 v36, v27  }
0x19d: {  	v18 =	vor.u32 v43, v27  }
0x19e: {  	v19 =	vor.u32 v42, v27  }
0x19f: {  	v21 =	vor.u32 v29, v27;
	v0 =	vld [tilespmem:$0x1FFB0];
	[tilespmem:s31+$0x40] =	vst v30  }
0x1a0: {  	v30 =	vld [tilespmem:$0x1FDD0]  }
0x1a1: {  	v16 =	vld.idx.msk [tilespmem:v16+s11+$0x0], $0xffff  }
0x1a2: {  	v12 =	vor.u32 v29, v12;
	v18 =	vld.idx.msk [tilespmem:v18+s11+$0x0], $0xffff  }
0x1a3: {  	v20 =	vor.u32 v17, v27;
	v19 =	vld.idx.msk [tilespmem:v19+s11+$0x0], $0xffff  }
0x1a4: {  	v21 =	vld.idx.msk [tilespmem:v21+s11+$0x0], $0xffff;
	v22 =	vor.u32 v41, v27  }
0x1a5: {  	v23 =	vor.u32 v13, v27;
	v44 =	vld [tilespmem:$0x1FF10];
	[tilespmem:s31+$0x50] =	vst v30  }
0x1a6: {  	v24 =	vor.u32 v40, v27;
	v30 =	vld [tilespmem:$0x1FDE0]  }
0x1a7: {  	v12 =	vld.idx.msk [tilespmem:v12+s11+$0x0], $0xffff  }
0x1a8: {  	v20 =	vld.idx.msk [tilespmem:v20+s11+$0x0], $0xffff;
	v26 =	vor.u32 v7, v27  }
0x1a9: {  	v22 =	vld.idx.msk [tilespmem:v22+s11+$0x0], $0xffff;
	v28 =	vor.u32 v0, v27  }
0x1aa: {  	v23 =	vld.idx.msk [tilespmem:v23+s11+$0x0], $0xffff;
	v27 =	vor.u32 v44, v27  }
0x1ab: {  	s5 =	sadd.s32 $0x2, s5;
	v24 =	vld.idx.msk [tilespmem:v24+s11+$0x0], $0xffff;
	[tilespmem:s31+$0x60] =	vst v30  }
0x1ac: {  	v25 =	vmov s5;
	v30 =	vld [tilespmem:$0x1FF00]  }
0x1ad: {  	v25 =	vand.u32 $0x1E, v25;
	v26 =	vld.idx.msk [tilespmem:v26+s11+$0x0], $0xffff  }
0x1ae: {  	s7 =	sadd.s32 $0x200, s1;
	v25 =	vbroadcast v25, $0x0;
	v28 =	vld.idx.msk [tilespmem:v28+s11+$0x0], $0xffff;
	s31 =	sadd.s32 $0x200, s31  }
0x1af: {  	s10 =	sadd.s32 $0xFFFFFE80, s7;
	v27 =	vld.idx.msk [tilespmem:v27+s11+$0x0], $0xffff;
	[tilespmem:s31+$0xFFFFF000] =	vst v57  }
0x1b0: {  	s8 =	sadd.s32 $0xFFFFFF00, s7;
	s12 =	sand.u32 $0x380, s7;
	s10 =	sand.u32 $0xC00, s10;
	v35 =	vor.u32 v36, v25;
	v57 =	vld [tilespmem:$0x1FF70];
	[tilespmem:s31+$0xFFFFF010] =	vst v51  }
0x1b1: {  	s8 =	sand.u32 $0x280, s8;
	s5 =	sor.u32 s10, s12;
	v37 =	vor.u32 v42, v25;
	v32 =	vor.u32 v30, v25;
	v30 =	vld [tilespmem:$0x1FF60];
	[tilespmem:s31+$0x70] =	vst v14  }
0x1b2: {  	s8 =	sor.u32 s10, s8;
	v38 =	vor.u32 v17, v25;
	v51 =	vld [tilespmem:$0x1FFC0];
	[tilespmem:s5+$0xC270] =	vst v21  }
0x1b3: {  	v39 =	vor.u32 v41, v25;
	v31 =	vld [tilespmem:$0x1FFD0];
	[tilespmem:s8+$0xB210] =	vst v60  }
0x1b4: {  	[tilespmem:s8+$0xB220] =	vst v61  }
0x1b5: {  	v33 =	vor.u32 v57, v25;
	[tilespmem:s8+$0xB250] =	vst v1;
	v1 =	vld.idx.msk [tilespmem:v35+s11+$0x0], $0xffff  }
0x1b6: {  	v60 =	vor.u32 v43, v25;
	[tilespmem:s8+$0xB270] =	vst v3;
	v3 =	vld.idx.msk [tilespmem:v37+s11+$0x0], $0xffff  }
0x1b7: {  	v35 =	vor.u32 v13, v25;
	[tilespmem:s8+$0xC200] =	vst v4;
	v4 =	vld.idx.msk [tilespmem:v38+s11+$0x0], $0xffff  }
0x1b8: {  	v61 =	vor.u32 v7, v25;
	[tilespmem:s8+$0xC210] =	vst v8;
	v8 =	vld.idx.msk [tilespmem:v39+s11+$0x0], $0xffff  }
0x1b9: {  	[tilespmem:s8+$0xB230] =	vst v62;
	v62 =	vor.u32 v0, v25;
	v32 =	vld.idx.msk [tilespmem:v32+s11+$0x0], $0xffff  }
0x1ba: {  	[tilespmem:s8+$0xB240] =	vst v63;
	v63 =	vor.u32 v44, v25;
	v33 =	vld.idx.msk [tilespmem:v33+s11+$0x0], $0xffff  }
0x1bb: {  	[tilespmem:s8+$0xB260] =	vst v2;
	v34 =	vor.u32 v30, v25;
	v2 =	vld.idx.msk [tilespmem:v60+s11+$0x0], $0xffff  }
0x1bc: {  	v14 =	vor.u32 v51, v25;
	v44 =	vld.idx.msk [tilespmem:v35+s11+$0x0], $0xffff  }
0x1bd: {  	[tilespmem:s8+$0xB200] =	vst v59;
	v21 =	vor.u32 v31, v25;
	v61 =	vld.idx.msk [tilespmem:v61+s11+$0x0], $0xffff  }
0x1be: {  	[tilespmem:s8+$0xC220] =	vst v9;
	v60 =	vor.u32 v40, v25;
	v62 =	vld.idx.msk [tilespmem:v62+s11+$0x0], $0xffff  }
0x1bf: {  	[tilespmem:s8+$0xC230] =	vst v5;
	v25 =	vor.u32 v29, v25;
	v63 =	vld.idx.msk [tilespmem:v63+s11+$0x0], $0xffff  }
0x1c0: {  	[tilespmem:s8+$0xC240] =	vst v6;
	v34 =	vld.idx.msk [tilespmem:v34+s11+$0x0], $0xffff  }
0x1c1: {  	s7 =	sadd.s32 $0xFFFFFF80, s7;
	[tilespmem:s8+$0xC250] =	vst v10;
	v14 =	vld.idx.msk [tilespmem:v14+s11+$0x0], $0xffff  }
0x1c2: {  	s7 =	sand.u32 $0x300, s7;
	[tilespmem:s8+$0xC260] =	vst v11;
	v21 =	vld.idx.msk [tilespmem:v21+s11+$0x0], $0xffff  }
0x1c3: {  	s7 =	sor.u32 s10, s7;
	[tilespmem:s8+$0xC270] =	vst v12;
	v60 =	vld.idx.msk [tilespmem:v60+s11+$0x0], $0xffff  }
0x1c4: {  	v12 =	vld.idx.msk [tilespmem:v25+s11+$0x0], $0xffff;
	[tilespmem:s7+$0xB200] =	vst v32  }
0x1c5: {  	[tilespmem:s7+$0xB210] =	vst v33  }
0x1c6: {  	[tilespmem:s7+$0xB250] =	vst v1  }
0x1c7: {  	[tilespmem:s7+$0xB260] =	vst v2  }
0x1c8: {  	[tilespmem:s7+$0xB270] =	vst v3  }
0x1c9: {  	[tilespmem:s7+$0xC200] =	vst v4  }
0x1ca: {  	[tilespmem:s7+$0xC210] =	vst v8  }
0x1cb: {  	[tilespmem:s7+$0xC220] =	vst v44  }
0x1cc: {  	[tilespmem:s7+$0xC240] =	vst v61  }
0x1cd: {  	[tilespmem:s7+$0xC250] =	vst v62  }
0x1ce: {  	[tilespmem:s7+$0xC260] =	vst v63  }
0x1cf: {  	[tilespmem:s7+$0xB220] =	vst v34  }
0x1d0: {  	[tilespmem:s7+$0xB230] =	vst v14  }
0x1d1: {  	[tilespmem:s7+$0xB240] =	vst v21  }
0x1d2: {  	[tilespmem:s7+$0xC230] =	vst v60  }
0x1d3: {  	[tilespmem:s7+$0xC270] =	vst v12  }
0x1d4: {  	v1 =	vld [tilespmem:$0x1FCF0];
	_ =	sdelay $0x4  }
0x1d5: {  	[tilespmem:s5+$0xB200] =	vst v1  }
0x1d6: {  	v1 =	vld [tilespmem:$0x1FD00];
	_ =	sdelay $0x4  }
0x1d7: {  	[tilespmem:s5+$0xB210] =	vst v1  }
0x1d8: {  	v1 =	vld [tilespmem:$0x1FD10];
	_ =	sdelay $0x4  }
0x1d9: {  	[tilespmem:s5+$0xB220] =	vst v1  }
0x1da: {  	v1 =	vld [tilespmem:$0x1FD20];
	[tilespmem:s5+$0xB240] =	vst v15  }
0x1db: {  	[tilespmem:s5+$0xB250] =	vst v16  }
0x1dc: {  	[tilespmem:s5+$0xB260] =	vst v18  }
0x1dd: {  	[tilespmem:s5+$0xB270] =	vst v19  }
0x1de: {  	[tilespmem:s5+$0xC200] =	vst v20  }
0x1df: {  	[tilespmem:s5+$0xC210] =	vst v22  }
0x1e0: {  	[tilespmem:s5+$0xC220] =	vst v23  }
0x1e1: {  	[tilespmem:s5+$0xC230] =	vst v24  }
0x1e2: {  	[tilespmem:s5+$0xC240] =	vst v26  }
0x1e3: {  	[tilespmem:s5+$0xC250] =	vst v28  }
0x1e4: {  	[tilespmem:s5+$0xC260] =	vst v27  }
0x1e5: {  	[tilespmem:s5+$0xB230] =	vst v1  }
0x1e6: {  	v1 =	vld [tilespmem:$0x1FDF0];
	[tilespmem:s31+$0xFFFFF030] =	vst v45  }
0x1e7: {  	[tilespmem:s31+$0xFFFFF040] =	vst v46  }
0x1e8: {  	[tilespmem:s31+$0xFFFFF050] =	vst v47  }
0x1e9: {  	[tilespmem:s31+$0xFFFFF060] =	vst v48  }
0x1ea: {  	s25 =	smulhi.u32 $0x51EB851F, s0;
	[tilespmem:s31+$0xFFFFF070] =	vst v50  }
0x1eb: {  	[tilespmem:s31+$0x0] =	vst v53  }
0x1ec: {  	s5 =	sshrl.u32 s25, $0x3;
	[tilespmem:s31+$0x10] =	vst v55  }
0x1ed: {  	s26 =	smul.u32 $0x19, s5;
	[tilespmem:s31+$0x20] =	vst v58  }
0x1ee: {  	p1 =	sne.s32 s28, $0x31;
	[tilespmem:s31+$0x30] =	vst v56  }
.Ltmp1:
0x1ef: {  	[tilespmem:s31+$0x40] =	vst v54;
	s7 =	ssub.s32 s0, s26;
	(pc) =	sbr.rel @p1 .LBB2_6-.Ltmp1, $4  }
0x1f0: {  	s5 =	sadd.s32 s6, s5;
	[tilespmem:s31+$0x50] =	vst v52;
	s7 =	sshll.u32 s7, $0x11  }
0x1f1: {  	v59 =	vmov v36;
	[tilespmem:s31+$0x60] =	vst v49;
	s5 =	sshll.u32 s5, $0x7;
	s7 =	sadd.s32 s2, s7  }
0x1f2: {  	v25 =	vmovc v59;
	v32 =	vmov v30;
	v21 =	vmov v7;
	v23 =	vmov v51;
	[tilespmem:s31+$0xFFFFF020] =	vst v1;
	s31 =	sadd.s32 s5, s7  }
0x1f3: {  	v15 =	vmovc v43;
	v16 =	vmovc v42;
	v18 =	vmov v41;
	v22 =	vmov v0;
	v24 =	vmov v57;
	[hbm4b:s31+s19] =	stream.strided.scatter [tilespmem:s21], [sflag:$0x3], $0x2000, s20, s19, $0x38;
	[tilespmem:$0xF200] =	vst v63  }
.Ltmp2:
0x1f4: {  	(pc) =	sbr.rel .LBB2_7-.Ltmp2, $4  }
0x1f5: {  	_ = 	snop  }
0x1f6: {  	_ =	swait.ge [sflag:s22], $0x2000  }
0x1f7: {  	[sflag:s22] =	ssyncset.done $0x0  }
0x1f8: {  	[sflag:s22] =	ssyncadd.s32 $0xFFFFE000  }
.LBB2_6:
0x1f9: {  	s0 =	sadd.s32 $0x2, s0  }
0x1fa: {  	s1 =	smulhi.u32 $0x51EB851F, s0;
	_ =	sdelay $0x1  }
0x1fb: {  	s5 =	sshrl.u32 s1, $0x3  }
0x1fc: {  	s1 =	sshll.u32 s5, $0x7  }
0x1fd: {  	v12 =	vld [tilespmem:$0x1FEE0];
	s5 =	smul.u32 $0x19, s5;
	v0 =	vmov s1  }
0x1fe: {  	v0 =	vmul.u32 $0x38, v0  }
0x1ff: {  	s0 =	ssub.s32 s0, s5  }
0x200: {  	s5 =	sshll.u32 s0, $0x1;
	v0 =	vbroadcast v0, $0x0  }
0x201: {  	v1 =	vmov s5  }
0x202: {  	s31 =	sor.u32 $0x10, s1;
	v2 =	vand.u32 $0x38, v1;
	v0 =	vor.u32 v12, v0  }
0x203: {  	v4 =	vmov s31;
	v1 =	vand.u32 $0x6, v1;
	v3 =	vadd.s32 v2, v0  }
0x204: {  	v4 =	vmul.u32 $0x38, v4;
	v3 =	vor.u32 v1, v3;
	_ =	sdelay $0x1  }
0x205: {  	v4 =	vbroadcast v4, $0x0;
	_ =	sdelay $0x1  }
0x206: {  	s7 =	sor.u32 $0x20, s1;
	v4 =	vadd.s32 v12, v4  }
0x207: {  	v6 =	vmov s7;
	v5 =	vadd.s32 v2, v4;
	v3 =	vld.idx.msk [tilespmem:v3+s3+$0x0], $0xffff  }
0x208: {  	v6 =	vmul.u32 $0x38, v6;
	v5 =	vor.u32 v1, v5;
	_ =	sdelay $0x1  }
0x209: {  	v6 =	vbroadcast v6, $0x0;
	_ =	sdelay $0x1  }
0x20a: {  	s8 =	sor.u32 $0x30, s1;
	v49 =	vadd.s32 v12, v6;
	[tilespmem:$0x7000] =	vst v3  }
0x20b: {  	v7 =	vmov s8;
	v6 =	vadd.s32 v2, v49;
	v5 =	vld.idx.msk [tilespmem:v5+s3+$0x0], $0xffff  }
0x20c: {  	v7 =	vmul.u32 $0x38, v7;
	v6 =	vor.u32 v1, v6;
	_ =	sdelay $0x1  }
0x20d: {  	v7 =	vbroadcast v7, $0x0;
	_ =	sdelay $0x1  }
0x20e: {  	s10 =	sor.u32 $0x40, s1;
	v50 =	vadd.s32 v12, v7;
	[tilespmem:$0x7010] =	vst v5  }
0x20f: {  	v8 =	vmov s10;
	v7 =	vadd.s32 v2, v50;
	v6 =	vld.idx.msk [tilespmem:v6+s3+$0x0], $0xffff  }
0x210: {  	v8 =	vmul.u32 $0x38, v8;
	v7 =	vor.u32 v1, v7;
	_ =	sdelay $0x1  }
0x211: {  	v8 =	vbroadcast v8, $0x0;
	_ =	sdelay $0x1  }
0x212: {  	s12 =	sor.u32 $0x50, s1;
	v51 =	vadd.s32 v12, v8;
	[tilespmem:$0x7020] =	vst v6  }
0x213: {  	v9 =	vmov s12;
	v8 =	vadd.s32 v2, v51;
	v7 =	vld.idx.msk [tilespmem:v7+s3+$0x0], $0xffff  }
0x214: {  	v9 =	vmul.u32 $0x38, v9;
	v8 =	vor.u32 v1, v8;
	_ =	sdelay $0x1  }
0x215: {  	v9 =	vbroadcast v9, $0x0;
	_ =	sdelay $0x1  }
0x216: {  	s25 =	sor.u32 $0x60, s1;
	v52 =	vadd.s32 v12, v9;
	[tilespmem:$0x7030] =	vst v7  }
0x217: {  	v10 =	vmov s25;
	v9 =	vadd.s32 v2, v52;
	v8 =	vld.idx.msk [tilespmem:v8+s3+$0x0], $0xffff  }
0x218: {  	v10 =	vmul.u32 $0x38, v10;
	v9 =	vor.u32 v1, v9;
	_ =	sdelay $0x1  }
0x219: {  	v10 =	vbroadcast v10, $0x0;
	_ =	sdelay $0x1  }
0x21a: {  	s1 =	sor.u32 $0x70, s1;
	v53 =	vadd.s32 v12, v10;
	[tilespmem:$0x7040] =	vst v8  }
0x21b: {  	v11 =	vmov s1;
	v10 =	vadd.s32 v2, v53;
	v9 =	vld.idx.msk [tilespmem:v9+s3+$0x0], $0xffff  }
0x21c: {  	v11 =	vmul.u32 $0x38, v11;
	v10 =	vor.u32 v1, v10;
	_ =	sdelay $0x1  }
0x21d: {  	v11 =	vbroadcast v11, $0x0;
	_ =	sdelay $0x1  }
0x21e: {  	v54 =	vadd.s32 v12, v11;
	[tilespmem:$0x7050] =	vst v9  }
0x21f: {  	v2 =	vadd.s32 v2, v54;
	v10 =	vld.idx.msk [tilespmem:v10+s3+$0x0], $0xffff  }
0x220: {  	v1 =	vor.u32 v1, v2;
	_ =	sdelay $0x1  }
0x221: {  	s0 =	sshllo.u32 s0, $0x1  }
0x222: {  	v55 =	vmov s0  }
0x223: {  	v56 =	vand.u32 $0x38, v55;
	[tilespmem:$0x7060] =	vst v10  }
0x224: {  	v0 =	vadd.s32 v56, v0;
	v2 =	vand.u32 $0x7, v55;
	v1 =	vld.idx.msk [tilespmem:v1+s3+$0x0], $0xffff  }
0x225: {  	v0 =	vor.u32 v2, v0;
	_ =	sdelay $0x3  }
0x226: {  	[tilespmem:$0x7070] =	vst v1  }
0x227: {  	v57 =	vadd.s32 v56, v4;
	v0 =	vld.idx.msk [tilespmem:v0+s3+$0x0], $0xffff  }
0x228: {  	v1 =	vor.u32 v2, v57;
	_ =	sdelay $0x3  }
0x229: {  	[tilespmem:$0x7080] =	vst v0  }
0x22a: {  	v58 =	vadd.s32 v56, v49;
	v0 =	vld.idx.msk [tilespmem:v1+s3+$0x0], $0xffff  }
0x22b: {  	v1 =	vor.u32 v2, v58;
	_ =	sdelay $0x3  }
0x22c: {  	[tilespmem:$0x7090] =	vst v0  }
0x22d: {  	v59 =	vadd.s32 v56, v50;
	v0 =	vld.idx.msk [tilespmem:v1+s3+$0x0], $0xffff  }
0x22e: {  	v1 =	vor.u32 v2, v59;
	_ =	sdelay $0x3  }
0x22f: {  	[tilespmem:$0x70A0] =	vst v0  }
0x230: {  	v60 =	vadd.s32 v56, v51;
	v0 =	vld.idx.msk [tilespmem:v1+s3+$0x0], $0xffff  }
0x231: {  	v1 =	vor.u32 v2, v60;
	_ =	sdelay $0x3  }
0x232: {  	[tilespmem:$0x70B0] =	vst v0  }
0x233: {  	v61 =	vadd.s32 v56, v52;
	v0 =	vld.idx.msk [tilespmem:v1+s3+$0x0], $0xffff  }
0x234: {  	v1 =	vor.u32 v2, v61;
	_ =	sdelay $0x3  }
0x235: {  	[tilespmem:$0x70C0] =	vst v0  }
0x236: {  	v62 =	vadd.s32 v56, v53;
	v0 =	vld.idx.msk [tilespmem:v1+s3+$0x0], $0xffff  }
0x237: {  	v1 =	vor.u32 v2, v62;
	_ =	sdelay $0x3  }
0x238: {  	[tilespmem:$0x70D0] =	vst v0  }
0x239: {  	v63 =	vadd.s32 v56, v54;
	v0 =	vld.idx.msk [tilespmem:v1+s3+$0x0], $0xffff  }
0x23a: {  	v1 =	vor.u32 v2, v63;
	_ =	sdelay $0x3  }
0x23b: {  	[tilespmem:$0x70E0] =	vst v0  }
0x23c: {  	v0 =	vld.idx.msk [tilespmem:v1+s3+$0x0], $0xffff;
	_ =	sdelay $0x4  }
0x23d: {  	s26 =	simm.s32 $0x7000;
	[tilespmem:$0x70F0] =	vst v0  }
0x23e: {  	[tilespmem:s11], [sflag:$0x1] =	stream.indirect.gather [hbm4b:s4+s9], $0x20, s26, s9, $0xb8;
	[tilespmem:$0xF200] =	vst v63  }
.Ltmp3:
0x23f: {  	s31 =	simm.s32 $0x7080;
	(pc) =	sbr.rel @p0 .LBB2_8-.Ltmp3, $4  }
0x240: {  	[tilespmem:s13], [sflag:$0x1] =	stream.indirect.gather [hbm4b:s4+s9], $0x20, s31, s9, $0xb8;
	[tilespmem:$0xF200] =	vst v63  }
0x241: {  	_ =	swait.ge [sflag:s22], $0x2000  }
0x242: {  	[sflag:s22] =	ssyncset.done $0x0  }
0x243: {  	[sflag:s22] =	ssyncadd.s32 $0xFFFFE000  }
.LBB2_7:
0x244: {  	_ =	swait.ge [sflag:s23], $0x2000  }
0x245: {  	[sflag:s23] =	ssyncset.done $0x0  }
0x246: {  	[sflag:s23] =	ssyncadd.s32 $0xFFFFE000  }
.LBB2_8:
0x247: {  	s0 =	simm.s32 $0x0  }
0x248: {  	v0 =	vmov s0  }
0x249: {  	v0 =	vand.u32 $0x1C, v0  }
0x24a: {  	v30 =	vld [tilespmem:$0x1FF00];
	v0 =	vbroadcast v0, $0x0;
	_ =	sdelay $0x1  }
0x24b: {  	v4 =	vor.u32 v23, v0;
	_ =	sdelay $0x2  }
0x24c: {  	v1 =	vor.u32 v30, v0  }
0x24d: {  	v2 =	vor.u32 v24, v0  }
0x24e: {  	v3 =	vor.u32 v32, v0;
	v4 =	vld.idx.msk [tilespmem:v4+s15+$0x0], $0xffff  }
0x24f: {  	v5 =	vor.u32 v31, v0;
	_ =	sdelay $0x1  }
0x250: {  	v12 =	vld.idx.msk [tilespmem:v1+s15+$0x0], $0xffff  }
0x251: {  	v14 =	vld.idx.msk [tilespmem:v2+s15+$0x0], $0xffff  }
0x252: {  	v7 =	vld.idx.msk [tilespmem:v3+s15+$0x0], $0xffff;
	[tilespmem:$0x1FC20] =	vst v4  }
0x253: {  	v5 =	vld.idx.msk [tilespmem:v5+s15+$0x0], $0xffff  }
0x254: {  	v1 =	vor.u32 v25, v0;
	_ =	sdelay $0x3  }
0x255: {  	[tilespmem:$0x1FC30] =	vst v5  }
0x256: {  	v1 =	vld.idx.msk [tilespmem:v1+s15+$0x0], $0xffff  }
0x257: {  	v2 =	vor.u32 v15, v0;
	_ =	sdelay $0x3  }
0x258: {  	[tilespmem:$0x1FC40] =	vst v1  }
0x259: {  	v2 =	vld.idx.msk [tilespmem:v2+s15+$0x0], $0xffff  }
0x25a: {  	v3 =	vor.u32 v16, v0;
	_ =	sdelay $0x3  }
0x25b: {  	[tilespmem:$0x1FC50] =	vst v2  }
0x25c: {  	v3 =	vld.idx.msk [tilespmem:v3+s15+$0x0], $0xffff  }
0x25d: {  	v4 =	vor.u32 v17, v0;
	_ =	sdelay $0x3  }
0x25e: {  	[tilespmem:$0x1FC60] =	vst v3  }
0x25f: {  	v4 =	vld.idx.msk [tilespmem:v4+s15+$0x0], $0xffff  }
0x260: {  	v5 =	vor.u32 v18, v0;
	_ =	sdelay $0x3  }
0x261: {  	[tilespmem:$0x1FC70] =	vst v4  }
0x262: {  	v5 =	vld.idx.msk [tilespmem:v5+s15+$0x0], $0xffff  }
0x263: {  	v1 =	vor.u32 v13, v0;
	_ =	sdelay $0x3  }
0x264: {  	[tilespmem:$0x1FC80] =	vst v5  }
0x265: {  	v1 =	vld.idx.msk [tilespmem:v1+s15+$0x0], $0xffff  }
0x266: {  	v2 =	vor.u32 v40, v0;
	_ =	sdelay $0x3  }
0x267: {  	[tilespmem:$0x1FC90] =	vst v1  }
0x268: {  	v1 =	vld.idx.msk [tilespmem:v2+s15+$0x0], $0xffff  }
0x269: {  	v3 =	vor.u32 v21, v0;
	_ =	sdelay $0x3  }
0x26a: {  	[tilespmem:$0x1FCA0] =	vst v1  }
0x26b: {  	v2 =	vld.idx.msk [tilespmem:v3+s15+$0x0], $0xffff  }
0x26c: {  	v4 =	vor.u32 v22, v0  }
0x26d: {  	v41 =	vld [tilespmem:$0x1FF10];
	_ =	sdelay $0x2  }
0x26e: {  	[tilespmem:$0x1FCB0] =	vst v2  }
0x26f: {  	v3 =	vld.idx.msk [tilespmem:v4+s15+$0x0], $0xffff  }
0x270: {  	v5 =	vor.u32 v41, v0;
	_ =	sdelay $0x1  }
0x271: {  	s1 =	simm.s32 $0x1  }
0x272: {  	v6 =	vmov s1  }
0x273: {  	v6 =	vand.u32 $0x1D, v6;
	[tilespmem:$0x1FCC0] =	vst v3  }
0x274: {  	s5 =	simm.s32 $0x3;
	v9 =	vbroadcast v6, $0x0;
	v4 =	vld.idx.msk [tilespmem:v5+s15+$0x0], $0xffff  }
0x275: {  	v0 =	vor.u32 v29, v0;
	v5 =	vmov s5  }
0x276: {  	v1 =	vor.u32 v30, v9;
	v5 =	vand.u32 $0x1F, v5  }
0x277: {  	v2 =	vor.u32 v24, v9;
	v5 =	vbroadcast v5, $0x0  }
0x278: {  	v61 =	vmov v25;
	v3 =	vor.u32 v32, v9  }
0x279: {  	v6 =	vor.u32 v61, v5;
	[tilespmem:$0x1FCD0] =	vst v4  }
0x27a: {  	v36 =	vmov v17;
	v48 =	vor.u32 v29, v5;
	v17 =	vld.idx.msk [tilespmem:v0+s15+$0x0], $0xffff  }
0x27b: {  	v35 =	vmov v18;
	v43 =	vmov v31;
	v4 =	vor.u32 v23, v9;
	v18 =	vld.idx.msk [tilespmem:v1+s15+$0x0], $0xffff  }
0x27c: {  	v0 =	vor.u32 v43, v9;
	v19 =	vld.idx.msk [tilespmem:v2+s15+$0x0], $0xffff  }
0x27d: {  	v1 =	vor.u32 v25, v9;
	v20 =	vld.idx.msk [tilespmem:v3+s15+$0x0], $0xffff  }
0x27e: {  	v2 =	vor.u32 v15, v9;
	v6 =	vld.idx.msk [tilespmem:v6+s15+$0x0], $0xffff  }
0x27f: {  	v3 =	vor.u32 v16, v9;
	v48 =	vld.idx.msk [tilespmem:v48+s15+$0x0], $0xffff  }
0x280: {  	v60 =	vor.u32 v41, v5;
	v57 =	vld.idx.msk [tilespmem:v4+s15+$0x0], $0xffff  }
0x281: {  	v4 =	vor.u32 v36, v9;
	v58 =	vld.idx.msk [tilespmem:v0+s15+$0x0], $0xffff  }
0x282: {  	v0 =	vor.u32 v35, v9;
	v59 =	vld.idx.msk [tilespmem:v1+s15+$0x0], $0xffff  }
0x283: {  	v39 =	vmov v21;
	v31 =	vmov v24;
	v1 =	vor.u32 v13, v9;
	v24 =	vld.idx.msk [tilespmem:v2+s15+$0x0], $0xffff  }
0x284: {  	v38 =	vmov v40;
	s31 =	simm.s32 $0xE200;
	v25 =	vld.idx.msk [tilespmem:v3+s15+$0x0], $0xffff;
	v3 =	vor.u32 v39, v9  }
0x285: {  	v37 =	vmov v13;
	v2 =	vor.u32 v38, v9;
	[tilespmem:s31+$0x70] =	vst v17;
	v17 =	vld.idx.msk [tilespmem:v60+s15+$0x0], $0xffff  }
0x286: {  	v40 =	vmov v22;
	v50 =	vor.u32 v37, v5;
	v26 =	vld.idx.msk [tilespmem:v4+s15+$0x0], $0xffff  }
0x287: {  	v4 =	vor.u32 v40, v9;
	v27 =	vld.idx.msk [tilespmem:v0+s15+$0x0], $0xffff  }
0x288: {  	v0 =	vor.u32 v41, v9;
	v28 =	vld.idx.msk [tilespmem:v1+s15+$0x0], $0xffff  }
0x289: {  	v45 =	vld.idx.msk [tilespmem:v3+s15+$0x0], $0xffff;
	v3 =	vor.u32 v32, v5  }
0x28a: {  	v10 =	vor.u32 v15, v5;
	v44 =	vld.idx.msk [tilespmem:v2+s15+$0x0], $0xffff  }
0x28b: {  	v42 =	vmov v23;
	v53 =	vor.u32 v29, v9;
	v1 =	vor.u32 v30, v5;
	v9 =	vld.idx.msk [tilespmem:v50+s15+$0x0], $0xffff  }
0x28c: {  	v46 =	vld.idx.msk [tilespmem:v4+s15+$0x0], $0xffff;
	v4 =	vor.u32 v42, v5  }
0x28d: {  	v13 =	vor.u32 v16, v5;
	v47 =	vld.idx.msk [tilespmem:v0+s15+$0x0], $0xffff  }
0x28e: {  	v33 =	vmov v15;
	s7 =	simm.s32 $0x2;
	v0 =	vor.u32 v43, v5;
	v15 =	vld.idx.msk [tilespmem:v3+s15+$0x0], $0xffff  }
0x28f: {  	v34 =	vmov v16;
	v16 =	vor.u32 v36, v5;
	v3 =	vld.idx.msk [tilespmem:v10+s15+$0x0], $0xffff;
	v10 =	vmov s7  }
0x290: {  	v2 =	vor.u32 v31, v5;
	v1 =	vld.idx.msk [tilespmem:v1+s15+$0x0], $0xffff;
	v10 =	vand.u32 $0x1E, v10  }
0x291: {  	v49 =	vor.u32 v35, v5;
	v52 =	vbroadcast v10, $0x0;
	v11 =	vld.idx.msk [tilespmem:v4+s15+$0x0], $0xffff  }
0x292: {  	v4 =	vld.idx.msk [tilespmem:v13+s15+$0x0], $0xffff;
	v13 =	vor.u32 v38, v5  }
0x293: {  	[tilespmem:s31+$0xFFFFF000] =	vst v12;
	v12 =	vor.u32 v31, v52;
	v8 =	vld.idx.msk [tilespmem:v0+s15+$0x0], $0xffff  }
0x294: {  	v0 =	vld.idx.msk [tilespmem:v16+s15+$0x0], $0xffff;
	v16 =	vor.u32 v39, v5  }
0x295: {  	v51 =	vor.u32 v40, v5;
	v2 =	vld.idx.msk [tilespmem:v2+s15+$0x0], $0xffff  }
0x296: {  	v10 =	vld.idx.msk [tilespmem:v49+s15+$0x0], $0xffff  }
0x297: {  	s8 =	simm.s32 $0x0;
	s1 =	simm.s32 $0x180;
	[tilespmem:s31+$0xFFFFF010] =	vst v14;
	v14 =	vor.u32 v32, v52;
	v5 =	vld.idx.msk [tilespmem:v13+s15+$0x0], $0xffff  }
0x298: {  	s10 =	sand.u32 $0x380, s1;
	s5 =	simm.s32 $0x80;
	s7 =	sand.u32 $0xC00, s8;
	v63 =	vor.u32 v42, v52;
	v12 =	vld.idx.msk [tilespmem:v12+s15+$0x0], $0xffff  }
0x299: {  	s8 =	sand.u32 $0x280, s5;
	s12 =	sor.u32 s7, s10;
	v54 =	vor.u32 v43, v52;
	v13 =	vld.idx.msk [tilespmem:v16+s15+$0x0], $0xffff  }
0x29a: {  	s8 =	sor.u32 s7, s8;
	v55 =	vor.u32 v61, v52;
	v16 =	vld.idx.msk [tilespmem:v51+s15+$0x0], $0xffff;
	[tilespmem:s12+$0xE270] =	vst v48  }
0x29b: {  	v62 =	vor.u32 v30, v52;
	v48 =	vld.idx.msk [tilespmem:v53+s15+$0x0], $0xffff;
	[tilespmem:s8+$0xD200] =	vst v18  }
0x29c: {  	v56 =	vor.u32 v36, v52;
	v14 =	vld.idx.msk [tilespmem:v14+s15+$0x0], $0xffff;
	[tilespmem:s8+$0xD210] =	vst v19  }
0x29d: {  	v60 =	vor.u32 v40, v52;
	v21 =	vld.idx.msk [tilespmem:v63+s15+$0x0], $0xffff;
	[tilespmem:s8+$0xD220] =	vst v20  }
0x29e: {  	v22 =	vld.idx.msk [tilespmem:v54+s15+$0x0], $0xffff;
	v63 =	vor.u32 v29, v52;
	[tilespmem:s8+$0xD230] =	vst v57  }
0x29f: {  	v23 =	vld.idx.msk [tilespmem:v55+s15+$0x0], $0xffff;
	v19 =	vor.u32 v33, v52;
	[tilespmem:s8+$0xD240] =	vst v58  }
0x2a0: {  	v18 =	vld.idx.msk [tilespmem:v62+s15+$0x0], $0xffff;
	v20 =	vor.u32 v34, v52;
	[tilespmem:s8+$0xD250] =	vst v59  }
0x2a1: {  	s0 =	simm.s32 $0x4;
	v57 =	vor.u32 v35, v52;
	[tilespmem:s8+$0xE200] =	vst v26;
	v26 =	vld.idx.msk [tilespmem:v56+s15+$0x0], $0xffff  }
0x2a2: {  	v58 =	vor.u32 v37, v52;
	[tilespmem:s8+$0xD260] =	vst v24;
	v59 =	vmov s0;
	v51 =	vld.idx.msk [tilespmem:v60+s15+$0x0], $0xffff  }
0x2a3: {  	v24 =	vor.u32 v38, v52;
	[tilespmem:s8+$0xD270] =	vst v25;
	v53 =	vand.u32 $0x1C, v59;
	v60 =	vld.idx.msk [tilespmem:v63+s15+$0x0], $0xffff  }
0x2a4: {  	v25 =	vor.u32 v39, v52;
	[tilespmem:s8+$0xE220] =	vst v28;
	v28 =	vbroadcast v53, $0x0;
	v19 =	vld.idx.msk [tilespmem:v19+s15+$0x0], $0xffff  }
0x2a5: {  	[tilespmem:s8+$0xE210] =	vst v27;
	v62 =	vor.u32 v41, v52;
	v20 =	vld.idx.msk [tilespmem:v20+s15+$0x0], $0xffff  }
0x2a6: {  	[tilespmem:s8+$0xE250] =	vst v46;
	v46 =	vor.u32 v32, v28;
	v27 =	vld.idx.msk [tilespmem:v57+s15+$0x0], $0xffff  }
0x2a7: {  	v54 =	vld.idx.msk [tilespmem:v58+s15+$0x0], $0xffff  }
0x2a8: {  	s10 =	simm.s32 $0x100;
	v24 =	vld.idx.msk [tilespmem:v24+s15+$0x0], $0xffff  }
0x2a9: {  	s10 =	sand.u32 $0x300, s10;
	[tilespmem:s8+$0xE230] =	vst v44;
	v25 =	vld.idx.msk [tilespmem:v25+s15+$0x0], $0xffff  }
0x2aa: {  	s7 =	sor.u32 s7, s10;
	[tilespmem:s8+$0xE240] =	vst v45;
	v55 =	vor.u32 v30, v28;
	v59 =	vld.idx.msk [tilespmem:v62+s15+$0x0], $0xffff  }
0x2ab: {  	v45 =	vor.u32 v31, v28;
	[tilespmem:s7+$0xD220] =	vst v14;
	v14 =	vld.idx.msk [tilespmem:v46+s15+$0x0], $0xffff  }
0x2ac: {  	[tilespmem:s8+$0xE260] =	vst v47  }
0x2ad: {  	[tilespmem:s8+$0xE270] =	vst v48  }
0x2ae: {  	v57 =	vor.u32 v42, v28;
	[tilespmem:s7+$0xD200] =	vst v18  }
0x2af: {  	v58 =	vor.u32 v43, v28;
	[tilespmem:s7+$0xD210] =	vst v12;
	v53 =	vld.idx.msk [tilespmem:v55+s15+$0x0], $0xffff  }
0x2b0: {  	v18 =	vor.u32 v61, v28;
	v49 =	vld.idx.msk [tilespmem:v45+s15+$0x0], $0xffff;
	[tilespmem:$0x1FCE0] =	vst v14  }
0x2b1: {  	v12 =	vor.u32 v33, v28;
	[tilespmem:s7+$0xD230] =	vst v21  }
0x2b2: {  	v62 =	vor.u32 v36, v28;
	[tilespmem:s7+$0xD240] =	vst v22  }
0x2b3: {  	v63 =	vor.u32 v35, v28;
	v45 =	vld.idx.msk [tilespmem:v57+s15+$0x0], $0xffff;
	[tilespmem:s7+$0xD250] =	vst v23  }
0x2b4: {  	v14 =	vor.u32 v34, v28;
	v46 =	vld.idx.msk [tilespmem:v58+s15+$0x0], $0xffff;
	[tilespmem:s7+$0xD260] =	vst v19  }
0x2b5: {  	s25 =	simm.s32 $0x5;
	v44 =	vor.u32 v41, v28;
	v47 =	vld.idx.msk [tilespmem:v18+s15+$0x0], $0xffff;
	[tilespmem:s7+$0xD270] =	vst v20  }
0x2b6: {  	v18 =	vor.u32 v37, v28;
	v48 =	vld.idx.msk [tilespmem:v12+s15+$0x0], $0xffff;
	[tilespmem:s7+$0xE200] =	vst v26;
	v12 =	vmov s25  }
0x2b7: {  	v19 =	vor.u32 v38, v28;
	v52 =	vld.idx.msk [tilespmem:v62+s15+$0x0], $0xffff;
	[tilespmem:s7+$0xE210] =	vst v27;
	v12 =	vand.u32 $0x1D, v12  }
0x2b8: {  	v20 =	vor.u32 v40, v28;
	v55 =	vld.idx.msk [tilespmem:v63+s15+$0x0], $0xffff;
	[tilespmem:s7+$0xE220] =	vst v54;
	v12 =	vbroadcast v12, $0x0  }
0x2b9: {  	[tilespmem:s7+$0xE230] =	vst v24;
	v50 =	vld.idx.msk [tilespmem:v14+s15+$0x0], $0xffff;
	v14 =	vor.u32 v39, v28  }
0x2ba: {  	[tilespmem:s7+$0xE250] =	vst v51;
	v51 =	vld.idx.msk [tilespmem:v44+s15+$0x0], $0xffff;
	v62 =	vor.u32 v31, v12  }
0x2bb: {  	[tilespmem:s7+$0xE240] =	vst v25;
	v63 =	vor.u32 v42, v12;
	v58 =	vld.idx.msk [tilespmem:v18+s15+$0x0], $0xffff  }
0x2bc: {  	[tilespmem:s7+$0xE270] =	vst v60;
	v44 =	vor.u32 v33, v12;
	v56 =	vld.idx.msk [tilespmem:v19+s15+$0x0], $0xffff  }
0x2bd: {  	[tilespmem:s12+$0xD220] =	vst v15;
	v15 =	vor.u32 v34, v12;
	v54 =	vld.idx.msk [tilespmem:v20+s15+$0x0], $0xffff  }
0x2be: {  	[tilespmem:s12+$0xD210] =	vst v2;
	v18 =	vor.u32 v29, v28;
	v57 =	vld.idx.msk [tilespmem:v14+s15+$0x0], $0xffff  }
0x2bf: {  	[tilespmem:s12+$0xD230] =	vst v11;
	v11 =	vor.u32 v36, v12;
	v2 =	vld.idx.msk [tilespmem:v62+s15+$0x0], $0xffff  }
0x2c0: {  	[tilespmem:s12+$0xD240] =	vst v8;
	v8 =	vor.u32 v35, v12;
	v60 =	vld.idx.msk [tilespmem:v63+s15+$0x0], $0xffff  }
0x2c1: {  	[tilespmem:s12+$0xD250] =	vst v6;
	v6 =	vor.u32 v37, v12;
	v63 =	vld.idx.msk [tilespmem:v44+s15+$0x0], $0xffff  }
0x2c2: {  	[tilespmem:s12+$0xD260] =	vst v3;
	v19 =	vor.u32 v30, v12;
	v3 =	vld.idx.msk [tilespmem:v15+s15+$0x0], $0xffff  }
0x2c3: {  	[tilespmem:s12+$0xD270] =	vst v4;
	v14 =	vld.idx.msk [tilespmem:v18+s15+$0x0], $0xffff;
	v18 =	vor.u32 v43, v12  }
0x2c4: {  	[tilespmem:s12+$0xE210] =	vst v10;
	v10 =	vor.u32 v40, v12;
	v4 =	vld.idx.msk [tilespmem:v11+s15+$0x0], $0xffff  }
0x2c5: {  	[tilespmem:s7+$0xE260] =	vst v59;
	v20 =	vor.u32 v32, v12;
	v8 =	vld.idx.msk [tilespmem:v8+s15+$0x0], $0xffff  }
0x2c6: {  	[tilespmem:s12+$0xE220] =	vst v9;
	v15 =	vor.u32 v39, v12;
	v9 =	vld.idx.msk [tilespmem:v6+s15+$0x0], $0xffff  }
0x2c7: {  	[tilespmem:s12+$0xD200] =	vst v1;
	v11 =	vor.u32 v41, v12;
	v1 =	vld.idx.msk [tilespmem:v19+s15+$0x0], $0xffff  }
0x2c8: {  	s26 =	simm.s32 $0x7;
	[tilespmem:s12+$0xE200] =	vst v0;
	v19 =	vor.u32 v61, v12;
	v61 =	vld.idx.msk [tilespmem:v18+s15+$0x0], $0xffff;
	v18 =	vor.u32 v38, v12  }
0x2c9: {  	v0 =	vmov s26;
	[tilespmem:s12+$0xE230] =	vst v5;
	v10 =	vld.idx.msk [tilespmem:v10+s15+$0x0], $0xffff  }
0x2ca: {  	[tilespmem:s12+$0xE240] =	vst v13;
	v0 =	vand.u32 $0x1F, v0;
	v59 =	vld.idx.msk [tilespmem:v20+s15+$0x0], $0xffff  }
0x2cb: {  	[tilespmem:s12+$0xE250] =	vst v16;
	v27 =	vbroadcast v0, $0x0;
	v6 =	vld.idx.msk [tilespmem:v15+s15+$0x0], $0xffff  }
0x2cc: {  	[tilespmem:s12+$0xE260] =	vst v17;
	v11 =	vld.idx.msk [tilespmem:v11+s15+$0x0], $0xffff  }
0x2cd: {  	[tilespmem:s31+$0xFFFFF020] =	vst v7;
	v16 =	vor.u32 v32, v27;
	v5 =	vld.idx.msk [tilespmem:v18+s15+$0x0], $0xffff;
	v18 =	vor.u32 v30, v27  }
0x2ce: {  	s5 =	simm.s32 $0x8;
	v0 =	vor.u32 v42, v27;
	v13 =	vor.u32 v43, v27;
	v15 =	vor.u32 v31, v27;
	v62 =	vld.idx.msk [tilespmem:v19+s15+$0x0], $0xffff  }
.LBB2_9:
0x2cf: {  	_ =	sdelay $0x2  }
0x2d0: {  	v7 =	vld.idx.msk [tilespmem:v18+s15+$0x0], $0xffff  }
0x2d1: {  	v33 =	vld [tilespmem:$0x1FFE0]  }
0x2d2: {  	v18 =	vld [tilespmem:$0x1FC20]  }
0x2d3: {  	v15 =	vld.idx.msk [tilespmem:v15+s15+$0x0], $0xffff  }
0x2d4: {  	v34 =	vld [tilespmem:$0x1FF20]  }
0x2d5: {  	v19 =	vld [tilespmem:$0x1FC30]  }
0x2d6: {  	v16 =	vld.idx.msk [tilespmem:v16+s15+$0x0], $0xffff  }
0x2d7: {  	v35 =	vld [tilespmem:$0x1FF30]  }
0x2d8: {  	v20 =	vld [tilespmem:$0x1FC40]  }
0x2d9: {  	v37 =	vld [tilespmem:$0x1FF50]  }
0x2da: {  	v21 =	vld [tilespmem:$0x1FC50]  }
0x2db: {  	v13 =	vld.idx.msk [tilespmem:v13+s15+$0x0], $0xffff  }
0x2dc: {  	v22 =	vld [tilespmem:$0x1FC60]  }
0x2dd: {  	v36 =	vld [tilespmem:$0x1FF40];
	[tilespmem:$0x1FC10] =	vst v7  }
0x2de: {  	v23 =	vld [tilespmem:$0x1FC70];
	[tilespmem:s31+$0xFFFFF030] =	vst v18  }
0x2df: {  	v24 =	vld [tilespmem:$0x1FC80];
	[tilespmem:s31+$0xFFFFF040] =	vst v19  }
0x2e0: {  	v25 =	vld [tilespmem:$0x1FC90];
	[tilespmem:s31+$0xFFFFF050] =	vst v20  }
0x2e1: {  	v28 =	vld [tilespmem:$0x1FCA0];
	[tilespmem:s31+$0xFFFFF060] =	vst v21  }
0x2e2: {  	v38 =	vld [tilespmem:$0x1FF80];
	[tilespmem:s31+$0xFFFFF070] =	vst v22  }
0x2e3: {  	v39 =	vld [tilespmem:$0x1FF90];
	[tilespmem:s31+$0x0] =	vst v23  }
0x2e4: {  	v40 =	vld [tilespmem:$0x1FFA0];
	[tilespmem:s31+$0x10] =	vst v24  }
0x2e5: {  	v41 =	vld [tilespmem:$0x1FFB0];
	[tilespmem:s31+$0x20] =	vst v25  }
0x2e6: {  	v42 =	vld [tilespmem:$0x1FF10];
	v18 =	vmov v45;
	[tilespmem:s31+$0x30] =	vst v28  }
0x2e7: {  	v19 =	vmov v46;
	v7 =	vld.idx.msk [tilespmem:v0+s15+$0x0], $0xffff;
	[tilespmem:$0x1FC20] =	vst v18  }
0x2e8: {  	v17 =	vor.u32 v33, v27;
	v20 =	vmov v47;
	v0 =	vld [tilespmem:$0x1FFF0];
	[tilespmem:$0x1FC30] =	vst v19  }
0x2e9: {  	v29 =	vld [tilespmem:$0x1FF00];
	v46 =	vmov v48;
	v48 =	vmov v50;
	v50 =	vor.u32 v36, v27;
	[tilespmem:$0x1FC40] =	vst v20  }
0x2ea: {  	v43 =	vld [tilespmem:$0x1FFC0];
	[tilespmem:$0x1FC50] =	vst v46  }
0x2eb: {  	v44 =	vld [tilespmem:$0x1FFD0];
	v23 =	vor.u32 v38, v27;
	v24 =	vmov v55;
	[tilespmem:$0x1FC60] =	vst v48  }
0x2ec: {  	v25 =	vmov v58;
	v55 =	vld [tilespmem:$0x1FCD0];
	v18 =	vor.u32 v34, v27;
	[tilespmem:$0x1FC80] =	vst v24  }
0x2ed: {  	v28 =	vmov v56;
	[tilespmem:$0x1FC90] =	vst v25;
	v47 =	vor.u32 v0, v27;
	v17 =	vld.idx.msk [tilespmem:v17+s15+$0x0], $0xffff  }
0x2ee: {  	v56 =	vmov v51;
	[tilespmem:$0x1FCA0] =	vst v28;
	v21 =	vld.idx.msk [tilespmem:v50+s15+$0x0], $0xffff  }
0x2ef: {  	v19 =	vor.u32 v35, v27;
	[tilespmem:$0x1FCD0] =	vst v56;
	v46 =	vmov v52;
	v50 =	vld [tilespmem:$0x1FCC0]  }
0x2f0: {  	v52 =	vmov v54;
	[tilespmem:$0x1FC70] =	vst v46;
	v12 =	vor.u32 v0, v12;
	v22 =	vld.idx.msk [tilespmem:v23+s15+$0x0], $0xffff  }
0x2f1: {  	s7 =	sadd.s32 $0x2, s0;
	s1 =	sadd.s32 $0x200, s1;
	v20 =	vor.u32 v37, v27;
	[tilespmem:$0x1FCC0] =	vst v52;
	v18 =	vld.idx.msk [tilespmem:v18+s15+$0x0], $0xffff  }
0x2f2: {  	s12 =	sadd.s32 $0xFFFFFE80, s1;
	s8 =	sadd.s32 $0xFFFFFF00, s1;
	v25 =	vmov s7;
	v28 =	vor.u32 v41, v27;
	v48 =	vmov v57;
	[tilespmem:s31+$0x60] =	vst v55;
	v45 =	vld.idx.msk [tilespmem:v47+s15+$0x0], $0xffff  }
0x2f3: {  	s12 =	sand.u32 $0xC00, s12;
	s25 =	sand.u32 $0x280, s8;
	v24 =	vor.u32 v39, v27;
	v25 =	vand.u32 $0x1E, v25;
	v47 =	vld [tilespmem:$0x1FCB0];
	[tilespmem:$0x1FCB0] =	vst v48  }
0x2f4: {  	s25 =	sor.u32 s12, s25;
	v26 =	vor.u32 v40, v27;
	v46 =	vbroadcast v25, $0x0;
	v19 =	vld.idx.msk [tilespmem:v19+s15+$0x0], $0xffff;
	[tilespmem:s31+$0x50] =	vst v50  }
0x2f5: {  	v27 =	vor.u32 v42, v27;
	v12 =	vld.idx.msk [tilespmem:v12+s15+$0x0], $0xffff;
	[tilespmem:s25+$0xD200] =	vst v1  }
0x2f6: {  	v20 =	vld.idx.msk [tilespmem:v20+s15+$0x0], $0xffff;
	v57 =	vor.u32 v29, v46;
	[tilespmem:s25+$0xD210] =	vst v2  }
0x2f7: {  	v25 =	vld.idx.msk [tilespmem:v28+s15+$0x0], $0xffff;
	v28 =	vor.u32 v43, v46;
	[tilespmem:s25+$0xD220] =	vst v59  }
0x2f8: {  	v23 =	vld.idx.msk [tilespmem:v24+s15+$0x0], $0xffff;
	v58 =	vor.u32 v31, v46;
	[tilespmem:s25+$0xD230] =	vst v60  }
0x2f9: {  	v24 =	vld.idx.msk [tilespmem:v26+s15+$0x0], $0xffff;
	v1 =	vor.u32 v44, v46;
	[tilespmem:s25+$0xD240] =	vst v61  }
0x2fa: {  	v26 =	vld.idx.msk [tilespmem:v27+s15+$0x0], $0xffff;
	v27 =	vor.u32 v33, v46;
	[tilespmem:s25+$0xD250] =	vst v62  }
0x2fb: {  	s26 =	sand.u32 $0x380, s1;
	v59 =	vor.u32 v34, v46;
	[tilespmem:s25+$0xD260] =	vst v63;
	v2 =	vld.idx.msk [tilespmem:v57+s15+$0x0], $0xffff  }
0x2fc: {  	s7 =	sor.u32 s12, s26;
	v60 =	vor.u32 v35, v46;
	[tilespmem:s25+$0xD270] =	vst v3;
	v28 =	vld.idx.msk [tilespmem:v28+s15+$0x0], $0xffff  }
0x2fd: {  	v61 =	vor.u32 v37, v46;
	[tilespmem:s7+$0xE270] =	vst v45;
	v45 =	vld.idx.msk [tilespmem:v58+s15+$0x0], $0xffff  }
0x2fe: {  	v62 =	vor.u32 v36, v46;
	[tilespmem:s25+$0xE200] =	vst v4;
	v1 =	vld.idx.msk [tilespmem:v1+s15+$0x0], $0xffff  }
0x2ff: {  	[tilespmem:s25+$0xE210] =	vst v8;
	v57 =	vor.u32 v38, v46;
	v27 =	vld.idx.msk [tilespmem:v27+s15+$0x0], $0xffff  }
0x300: {  	[tilespmem:s25+$0xE220] =	vst v9;
	v3 =	vld.idx.msk [tilespmem:v59+s15+$0x0], $0xffff;
	v58 =	vor.u32 v39, v46  }
0x301: {  	[tilespmem:s25+$0xE230] =	vst v5;
	v4 =	vld.idx.msk [tilespmem:v60+s15+$0x0], $0xffff;
	v60 =	vor.u32 v40, v46  }
0x302: {  	[tilespmem:s25+$0xE240] =	vst v6;
	v59 =	vmov s5;
	v8 =	vld.idx.msk [tilespmem:v61+s15+$0x0], $0xffff;
	v61 =	vor.u32 v41, v46  }
0x303: {  	[tilespmem:s31+$0x40] =	vst v47;
	s31 =	sadd.s32 $0x200, s31;
	v9 =	vld.idx.msk [tilespmem:v62+s15+$0x0], $0xffff;
	v62 =	vor.u32 v42, v46;
	v52 =	vand.u32 $0x1C, v59  }
0x304: {  	[tilespmem:s31+$0x70] =	vst v14;
	v14 =	vor.u32 v32, v46;
	v5 =	vld.idx.msk [tilespmem:v57+s15+$0x0], $0xffff;
	v54 =	vbroadcast v52, $0x0  }
0x305: {  	[tilespmem:s25+$0xE250] =	vst v10;
	v46 =	vor.u32 v0, v46;
	v6 =	vld.idx.msk [tilespmem:v58+s15+$0x0], $0xffff  }
0x306: {  	[tilespmem:s25+$0xE260] =	vst v11;
	v51 =	vor.u32 v29, v54;
	v10 =	vld.idx.msk [tilespmem:v60+s15+$0x0], $0xffff  }
0x307: {  	[tilespmem:s7+$0xD210] =	vst v15;
	v47 =	vor.u32 v31, v54;
	v11 =	vld.idx.msk [tilespmem:v61+s15+$0x0], $0xffff  }
0x308: {  	s10 =	sadd.s32 $0xFFFFFF80, s1;
	[tilespmem:s25+$0xE270] =	vst v12;
	v48 =	vor.u32 v32, v54;
	v59 =	vld.idx.msk [tilespmem:v62+s15+$0x0], $0xffff  }
0x309: {  	s10 =	sand.u32 $0x300, s10;
	[tilespmem:s31+$0xFFFFF000] =	vst v53;
	v52 =	vor.u32 v43, v54;
	v14 =	vld.idx.msk [tilespmem:v14+s15+$0x0], $0xffff  }
0x30a: {  	s12 =	sor.u32 s12, s10;
	[tilespmem:s31+$0xFFFFF010] =	vst v49;
	v12 =	vor.u32 v44, v54;
	v60 =	vld.idx.msk [tilespmem:v46+s15+$0x0], $0xffff  }
0x30b: {  	v63 =	vor.u32 v34, v54;
	[tilespmem:s12+$0xD200] =	vst v2;
	v53 =	vld.idx.msk [tilespmem:v51+s15+$0x0], $0xffff  }
0x30c: {  	v2 =	vor.u32 v33, v54;
	[tilespmem:s12+$0xD210] =	vst v45;
	v49 =	vld.idx.msk [tilespmem:v47+s15+$0x0], $0xffff  }
0x30d: {  	[tilespmem:s12+$0xD230] =	vst v28;
	v28 =	vor.u32 v37, v54;
	v30 =	vld.idx.msk [tilespmem:v48+s15+$0x0], $0xffff  }
0x30e: {  	[tilespmem:s12+$0xD240] =	vst v1;
	v1 =	vor.u32 v36, v54;
	v45 =	vld.idx.msk [tilespmem:v52+s15+$0x0], $0xffff  }
0x30f: {  	[tilespmem:s12+$0xD260] =	vst v3;
	v3 =	vor.u32 v39, v54;
	v46 =	vld.idx.msk [tilespmem:v12+s15+$0x0], $0xffff  }
0x310: {  	[tilespmem:s12+$0xD270] =	vst v4;
	v4 =	vor.u32 v40, v54;
	v48 =	vld.idx.msk [tilespmem:v63+s15+$0x0], $0xffff  }
0x311: {  	s25 =	sadd.s32 $0x1, s5;
	[tilespmem:s12+$0xD220] =	vst v14;
	v14 =	vor.u32 v35, v54;
	v47 =	vld.idx.msk [tilespmem:v2+s15+$0x0], $0xffff  }
0x312: {  	[tilespmem:s7+$0xD220] =	vst v16;
	v12 =	vmov s25;
	v2 =	vor.u32 v38, v54;
	v52 =	vld.idx.msk [tilespmem:v28+s15+$0x0], $0xffff  }
0x313: {  	[tilespmem:s12+$0xE200] =	vst v8;
	v8 =	vor.u32 v41, v54;
	v12 =	vand.u32 $0x1D, v12;
	v55 =	vld.idx.msk [tilespmem:v1+s15+$0x0], $0xffff  }
0x314: {  	[tilespmem:s7+$0xD230] =	vst v7;
	v1 =	vor.u32 v42, v54;
	v12 =	vbroadcast v12, $0x0;
	v56 =	vld.idx.msk [tilespmem:v3+s15+$0x0], $0xffff  }
0x315: {  	[tilespmem:s7+$0xD240] =	vst v13;
	v57 =	vld.idx.msk [tilespmem:v4+s15+$0x0], $0xffff  }
0x316: {  	[tilespmem:s7+$0xD250] =	vst v17;
	v3 =	vor.u32 v29, v12;
	v50 =	vld.idx.msk [tilespmem:v14+s15+$0x0], $0xffff  }
0x317: {  	[tilespmem:s12+$0xE220] =	vst v5;
	v5 =	vor.u32 v32, v12;
	v58 =	vld.idx.msk [tilespmem:v2+s15+$0x0], $0xffff  }
0x318: {  	[tilespmem:s12+$0xE230] =	vst v6;
	v6 =	vor.u32 v43, v12;
	v2 =	vor.u32 v0, v54;
	v54 =	vld.idx.msk [tilespmem:v8+s15+$0x0], $0xffff  }
0x319: {  	[tilespmem:s7+$0xE210] =	vst v21;
	v7 =	vor.u32 v38, v12;
	v51 =	vld.idx.msk [tilespmem:v1+s15+$0x0], $0xffff  }
0x31a: {  	[tilespmem:s7+$0xE220] =	vst v22;
	v0 =	vld [tilespmem:$0x1FC10]  }
0x31b: {  	[tilespmem:s7+$0xD260] =	vst v18;
	v4 =	vor.u32 v31, v12;
	v1 =	vld.idx.msk [tilespmem:v3+s15+$0x0], $0xffff  }
0x31c: {  	[tilespmem:s12+$0xE260] =	vst v59;
	v59 =	vld.idx.msk [tilespmem:v5+s15+$0x0], $0xffff  }
0x31d: {  	[tilespmem:s12+$0xE270] =	vst v60;
	v8 =	vor.u32 v44, v12;
	v60 =	vld.idx.msk [tilespmem:v6+s15+$0x0], $0xffff  }
0x31e: {  	[tilespmem:s12+$0xE210] =	vst v9;
	v3 =	vor.u32 v33, v12;
	v9 =	vld.idx.msk [tilespmem:v7+s15+$0x0], $0xffff  }
0x31f: {  	[tilespmem:s7+$0xD270] =	vst v19;
	v5 =	vor.u32 v35, v12;
	v14 =	vld.idx.msk [tilespmem:v2+s15+$0x0], $0xffff  }
0x320: {  	[tilespmem:s7+$0xE200] =	vst v20;
	v2 =	vld.idx.msk [tilespmem:v4+s15+$0x0], $0xffff;
	v4 =	vor.u32 v34, v12  }
0x321: {  	v7 =	vld [tilespmem:$0x1FCE0];
	[tilespmem:s7+$0xD200] =	vst v0;
	v0 =	vor.u32 v37, v12  }
0x322: {  	[tilespmem:s7+$0xE230] =	vst v23;
	v6 =	vor.u32 v36, v12;
	v61 =	vld.idx.msk [tilespmem:v8+s15+$0x0], $0xffff  }
0x323: {  	[tilespmem:s12+$0xE250] =	vst v11;
	v11 =	vor.u32 v40, v12;
	v62 =	vld.idx.msk [tilespmem:v3+s15+$0x0], $0xffff  }
0x324: {  	s26 =	sadd.s32 $0x3, s5;
	[tilespmem:s7+$0xE240] =	vst v24;
	v13 =	vor.u32 v42, v12;
	v3 =	vld.idx.msk [tilespmem:v5+s15+$0x0], $0xffff  }
0x325: {  	[tilespmem:s12+$0xE240] =	vst v10;
	v10 =	vor.u32 v39, v12;
	v63 =	vld.idx.msk [tilespmem:v4+s15+$0x0], $0xffff;
	v4 =	vmov s26  }
0x326: {  	p0 =	slt.u32 s5, $0x1C;
	[tilespmem:s7+$0xE250] =	vst v25;
	v5 =	vand.u32 $0x1F, v4;
	v4 =	vld.idx.msk [tilespmem:v0+s15+$0x0], $0xffff;
	v0 =	vor.u32 v41, v12  }
.Ltmp4:
0x327: {  	[tilespmem:s7+$0xE260] =	vst v26;
	v8 =	vld.idx.msk [tilespmem:v6+s15+$0x0], $0xffff;
	(pc) =	sbr.rel @p0 .LBB2_9-.Ltmp4, $4  }
0x328: {  	[tilespmem:s12+$0xD250] =	vst v27;
	v6 =	vld.idx.msk [tilespmem:v11+s15+$0x0], $0xffff;
	v27 =	vbroadcast v5, $0x0  }
0x329: {  	v11 =	vld.idx.msk [tilespmem:v13+s15+$0x0], $0xffff;
	[tilespmem:s31+$0xFFFFF020] =	vst v7;
	v7 =	vmov v30  }
0x32a: {  	[tilespmem:$0x1FCE0] =	vst v7;
	v5 =	vld.idx.msk [tilespmem:v10+s15+$0x0], $0xffff;
	v18 =	vor.u32 v29, v27;
	v15 =	vor.u32 v31, v27  }
0x32b: {  	s0 =	smov.u32 s5;
	s5 =	sadd.s32 $0x4, s5;
	v16 =	vor.u32 v32, v27;
	v13 =	vor.u32 v44, v27;
	v10 =	vld.idx.msk [tilespmem:v0+s15+$0x0], $0xffff;
	v0 =	vor.u32 v43, v27  }
0x32c: {  	_ =	sdelay $0x3  }
0x32d: {  	v7 =	vld.idx.msk [tilespmem:v18+s15+$0x0], $0xffff  }
0x32e: {  	v25 =	vld [tilespmem:$0x1FC20];
	_ =	sdelay $0x3  }
0x32f: {  	v44 =	vld [tilespmem:$0x1FFE0];
	[tilespmem:$0x1FBB0] =	vst v7  }
0x330: {  	[tilespmem:s31+$0xFFFFF030] =	vst v25;
	v26 =	vld.idx.msk [tilespmem:v15+s15+$0x0], $0xffff  }
0x331: {  	v33 =	vld [tilespmem:$0x1FC30];
	_ =	sdelay $0x3  }
0x332: {  	v43 =	vld [tilespmem:$0x1FF20];
	[tilespmem:$0x1FBC0] =	vst v26  }
0x333: {  	[tilespmem:s31+$0xFFFFF040] =	vst v33;
	v34 =	vld.idx.msk [tilespmem:v16+s15+$0x0], $0xffff  }
0x334: {  	v35 =	vld [tilespmem:$0x1FC40];
	_ =	sdelay $0x3  }
0x335: {  	v42 =	vld [tilespmem:$0x1FF30];
	[tilespmem:$0x1FBD0] =	vst v34  }
0x336: {  	[tilespmem:s31+$0xFFFFF050] =	vst v35;
	v0 =	vld.idx.msk [tilespmem:v0+s15+$0x0], $0xffff  }
0x337: {  	v36 =	vld [tilespmem:$0x1FC50];
	_ =	sdelay $0x3  }
0x338: {  	v16 =	vld [tilespmem:$0x1FF50];
	[tilespmem:$0x1FBE0] =	vst v0  }
0x339: {  	[tilespmem:s31+$0xFFFFF060] =	vst v36;
	v37 =	vld.idx.msk [tilespmem:v13+s15+$0x0], $0xffff  }
0x33a: {  	v17 =	vor.u32 v44, v27;
	v38 =	vld [tilespmem:$0x1FC60];
	_ =	sdelay $0x3  }
0x33b: {  	v33 =	vld [tilespmem:$0x1FFF0];
	[tilespmem:$0x1FBF0] =	vst v37  }
0x33c: {  	[tilespmem:s31+$0xFFFFF070] =	vst v38;
	v39 =	vld.idx.msk [tilespmem:v17+s15+$0x0], $0xffff  }
0x33d: {  	v40 =	vld [tilespmem:$0x1FC70];
	_ =	sdelay $0x3  }
0x33e: {  	[tilespmem:$0x1FC00] =	vst v39  }
0x33f: {  	v18 =	vor.u32 v43, v27;
	v41 =	vld [tilespmem:$0x1FF40];
	[tilespmem:s31+$0x0] =	vst v40  }
0x340: {  	v0 =	vld [tilespmem:$0x1FC80];
	_ =	sdelay $0x3  }
0x341: {  	v17 =	vld.idx.msk [tilespmem:v18+s15+$0x0], $0xffff  }
0x342: {  	v19 =	vor.u32 v42, v27;
	v18 =	vld [tilespmem:$0x1FF80];
	[tilespmem:s31+$0x10] =	vst v0  }
0x343: {  	v0 =	vld [tilespmem:$0x1FC90];
	_ =	sdelay $0x3  }
0x344: {  	v15 =	vld.idx.msk [tilespmem:v19+s15+$0x0], $0xffff  }
0x345: {  	v20 =	vor.u32 v16, v27;
	v19 =	vld [tilespmem:$0x1FF90];
	[tilespmem:s31+$0x20] =	vst v0  }
0x346: {  	v0 =	vld [tilespmem:$0x1FCA0];
	_ =	sdelay $0x3  }
0x347: {  	v13 =	vld.idx.msk [tilespmem:v20+s15+$0x0], $0xffff  }
0x348: {  	v20 =	vld [tilespmem:$0x1FFA0];
	[tilespmem:s31+$0x30] =	vst v0  }
0x349: {  	v22 =	vor.u32 v41, v27;
	v7 =	vld [tilespmem:$0x1FCB0];
	_ =	sdelay $0x3  }
0x34a: {  	v0 =	vld [tilespmem:$0x1FFB0]  }
0x34b: {  	v21 =	vor.u32 v33, v27;
	[tilespmem:s31+$0x40] =	vst v7;
	v7 =	vld.idx.msk [tilespmem:v22+s15+$0x0], $0xffff  }
0x34c: {  	v12 =	vor.u32 v33, v12;
	v30 =	vld [tilespmem:$0x1FCC0]  }
0x34d: {  	v22 =	vld [tilespmem:$0x1FF10]  }
0x34e: {  	v23 =	vor.u32 v18, v27  }
0x34f: {  	v24 =	vor.u32 v19, v27  }
0x350: {  	v21 =	vld.idx.msk [tilespmem:v21+s15+$0x0], $0xffff;
	v26 =	vor.u32 v20, v27  }
0x351: {  	v12 =	vld.idx.msk [tilespmem:v12+s15+$0x0], $0xffff;
	v28 =	vor.u32 v0, v27;
	[tilespmem:s31+$0x50] =	vst v30  }
0x352: {  	s0 =	sadd.s32 $0x2, s0;
	v27 =	vor.u32 v22, v27;
	v30 =	vld [tilespmem:$0x1FCD0]  }
0x353: {  	s12 =	sadd.s32 $0x200, s31;
	v25 =	vmov s0;
	v23 =	vld.idx.msk [tilespmem:v23+s15+$0x0], $0xffff  }
0x354: {  	s5 =	sadd.s32 $0x200, s1;
	v25 =	vand.u32 $0x1E, v25;
	v24 =	vld.idx.msk [tilespmem:v24+s15+$0x0], $0xffff;
	[tilespmem:s12+$0xFFFFF000] =	vst v53  }
0x355: {  	s1 =	sadd.s32 $0xFFFFFE80, s5;
	v25 =	vbroadcast v25, $0x0;
	v26 =	vld.idx.msk [tilespmem:v26+s15+$0x0], $0xffff;
	[tilespmem:s12+$0xFFFFF010] =	vst v49  }
0x356: {  	s7 =	sadd.s32 $0xFFFFFF00, s5;
	s25 =	sand.u32 $0x380, s5;
	s8 =	sand.u32 $0xC00, s1;
	v28 =	vld.idx.msk [tilespmem:v28+s15+$0x0], $0xffff;
	[tilespmem:s12+$0x70] =	vst v14  }
0x357: {  	s7 =	sand.u32 $0x280, s7;
	s1 =	sor.u32 s8, s25;
	v35 =	vor.u32 v32, v25;
	v27 =	vld.idx.msk [tilespmem:v27+s15+$0x0], $0xffff;
	[tilespmem:s31+$0x60] =	vst v30  }
0x358: {  	s7 =	sor.u32 s8, s7;
	v38 =	vor.u32 v43, v25;
	v30 =	vor.u32 v29, v25;
	v29 =	vld [tilespmem:$0x1FFC0];
	[tilespmem:s1+$0xE270] =	vst v21  }
0x359: {  	v34 =	vor.u32 v31, v25;
	v53 =	vld [tilespmem:$0x1FFD0];
	[tilespmem:s7+$0xD200] =	vst v1  }
0x35a: {  	v36 =	vor.u32 v41, v25;
	[tilespmem:s7+$0xD210] =	vst v2  }
0x35b: {  	[tilespmem:s7+$0xD220] =	vst v59  }
0x35c: {  	v40 =	vld.idx.msk [tilespmem:v35+s15+$0x0], $0xffff;
	v59 =	vor.u32 v42, v25;
	[tilespmem:s7+$0xD230] =	vst v60  }
0x35d: {  	v39 =	vld.idx.msk [tilespmem:v38+s15+$0x0], $0xffff;
	v60 =	vor.u32 v16, v25;
	[tilespmem:s7+$0xD240] =	vst v61  }
0x35e: {  	v37 =	vor.u32 v18, v25;
	v2 =	vld.idx.msk [tilespmem:v34+s15+$0x0], $0xffff;
	[tilespmem:s7+$0xD250] =	vst v62  }
0x35f: {  	v61 =	vor.u32 v19, v25;
	[tilespmem:s7+$0xE210] =	vst v8;
	v8 =	vld.idx.msk [tilespmem:v36+s15+$0x0], $0xffff  }
0x360: {  	[tilespmem:s7+$0xD260] =	vst v63;
	v62 =	vor.u32 v20, v25;
	v1 =	vld.idx.msk [tilespmem:v30+s15+$0x0], $0xffff  }
0x361: {  	[tilespmem:s7+$0xD270] =	vst v3;
	v63 =	vor.u32 v0, v25;
	v3 =	vld.idx.msk [tilespmem:v59+s15+$0x0], $0xffff  }
0x362: {  	v49 =	vor.u32 v22, v25;
	[tilespmem:s7+$0xE200] =	vst v4;
	v4 =	vld.idx.msk [tilespmem:v60+s15+$0x0], $0xffff  }
0x363: {  	v30 =	vor.u32 v44, v25;
	v59 =	vld.idx.msk [tilespmem:v37+s15+$0x0], $0xffff  }
0x364: {  	v14 =	vor.u32 v29, v25;
	v60 =	vld.idx.msk [tilespmem:v61+s15+$0x0], $0xffff  }
0x365: {  	[tilespmem:s7+$0xE220] =	vst v9;
	v21 =	vor.u32 v53, v25;
	v61 =	vld.idx.msk [tilespmem:v62+s15+$0x0], $0xffff  }
0x366: {  	[tilespmem:s7+$0xE230] =	vst v5;
	v25 =	vor.u32 v33, v25;
	v62 =	vld.idx.msk [tilespmem:v63+s15+$0x0], $0xffff  }
0x367: {  	[tilespmem:s7+$0xE240] =	vst v6;
	v63 =	vld.idx.msk [tilespmem:v49+s15+$0x0], $0xffff  }
0x368: {  	s5 =	sadd.s32 $0xFFFFFF80, s5;
	[tilespmem:s7+$0xE250] =	vst v10;
	v30 =	vld.idx.msk [tilespmem:v30+s15+$0x0], $0xffff  }
0x369: {  	s5 =	sand.u32 $0x300, s5;
	[tilespmem:s7+$0xE260] =	vst v11;
	v14 =	vld.idx.msk [tilespmem:v14+s15+$0x0], $0xffff  }
0x36a: {  	s5 =	sor.u32 s8, s5;
	[tilespmem:s7+$0xE270] =	vst v12;
	v21 =	vld.idx.msk [tilespmem:v21+s15+$0x0], $0xffff  }
0x36b: {  	v12 =	vld.idx.msk [tilespmem:v25+s15+$0x0], $0xffff;
	[tilespmem:s5+$0xD200] =	vst v1  }
0x36c: {  	[tilespmem:s5+$0xD210] =	vst v2  }
0x36d: {  	[tilespmem:s5+$0xD220] =	vst v40  }
0x36e: {  	[tilespmem:s5+$0xD260] =	vst v39  }
0x36f: {  	[tilespmem:s5+$0xD270] =	vst v3  }
0x370: {  	[tilespmem:s5+$0xE200] =	vst v4  }
0x371: {  	[tilespmem:s5+$0xE210] =	vst v8  }
0x372: {  	[tilespmem:s5+$0xE220] =	vst v59  }
0x373: {  	[tilespmem:s5+$0xE230] =	vst v60  }
0x374: {  	[tilespmem:s5+$0xE240] =	vst v61  }
0x375: {  	[tilespmem:s5+$0xE250] =	vst v62  }
0x376: {  	[tilespmem:s5+$0xE260] =	vst v63  }
0x377: {  	[tilespmem:s5+$0xD250] =	vst v30  }
0x378: {  	[tilespmem:s5+$0xD230] =	vst v14  }
0x379: {  	[tilespmem:s5+$0xD240] =	vst v21  }
0x37a: {  	[tilespmem:s5+$0xE270] =	vst v12  }
0x37b: {  	v1 =	vld [tilespmem:$0x1FBB0];
	_ =	sdelay $0x4  }
0x37c: {  	[tilespmem:s1+$0xD200] =	vst v1  }
0x37d: {  	v1 =	vld [tilespmem:$0x1FBC0];
	_ =	sdelay $0x4  }
0x37e: {  	[tilespmem:s1+$0xD210] =	vst v1  }
0x37f: {  	v1 =	vld [tilespmem:$0x1FBD0];
	_ =	sdelay $0x4  }
0x380: {  	[tilespmem:s1+$0xD220] =	vst v1  }
0x381: {  	v1 =	vld [tilespmem:$0x1FBE0];
	_ =	sdelay $0x4  }
0x382: {  	[tilespmem:s1+$0xD230] =	vst v1  }
0x383: {  	v1 =	vld [tilespmem:$0x1FBF0];
	_ =	sdelay $0x4  }
0x384: {  	[tilespmem:s1+$0xD240] =	vst v1  }
0x385: {  	v1 =	vld [tilespmem:$0x1FC00];
	[tilespmem:s1+$0xD260] =	vst v17  }
0x386: {  	[tilespmem:s1+$0xD270] =	vst v15  }
0x387: {  	[tilespmem:s1+$0xE200] =	vst v13  }
0x388: {  	[tilespmem:s1+$0xE210] =	vst v7  }
0x389: {  	[tilespmem:s1+$0xE220] =	vst v23  }
0x38a: {  	[tilespmem:s1+$0xE230] =	vst v24  }
0x38b: {  	[tilespmem:s1+$0xE240] =	vst v26  }
0x38c: {  	[tilespmem:s1+$0xE250] =	vst v28  }
0x38d: {  	[tilespmem:s1+$0xE260] =	vst v27  }
0x38e: {  	[tilespmem:s1+$0xD250] =	vst v1  }
0x38f: {  	v1 =	vld [tilespmem:$0x1FCE0];
	[tilespmem:s12+$0xFFFFF030] =	vst v45  }
0x390: {  	[tilespmem:s12+$0xFFFFF040] =	vst v46  }
0x391: {  	[tilespmem:s12+$0xFFFFF050] =	vst v47  }
0x392: {  	[tilespmem:s12+$0xFFFFF060] =	vst v48  }
0x393: {  	[tilespmem:s12+$0xFFFFF070] =	vst v50  }
0x394: {  	[tilespmem:s12+$0x0] =	vst v52  }
0x395: {  	[tilespmem:s12+$0x10] =	vst v55  }
0x396: {  	s28 =	sadd.s32 $0x1, s28;
	[tilespmem:s12+$0x20] =	vst v58  }
0x397: {  	p0 =	sne.s32 s28, $0x32;
	[tilespmem:s12+$0x30] =	vst v56  }
.Ltmp5:
0x398: {  	[tilespmem:s12+$0x40] =	vst v57;
	(pc) =	sbr.rel @p0 .LBB2_2-.Ltmp5, $4  }
0x399: {  	s26 =	sshll.u32 s30, $0x11;
	s30 =	sadd.s32 s29, s6;
	[tilespmem:s12+$0x50] =	vst v54  }
0x39a: {  	s5 =	sshll.u32 s30, $0x7;
	s1 =	sadd.s32 s2, s26;
	[tilespmem:s12+$0x60] =	vst v51  }
0x39b: {  	v14 =	vmov v43;
	v21 =	vmov v0;
	v23 =	vmov v31;
	s31 =	sadd.s32 s5, s1;
	[tilespmem:s12+$0xFFFFF020] =	vst v1  }
0x39c: {  	v31 =	vmovc v53;
	v13 =	vmovc v44;
	v15 =	vmov v42;
	v17 =	vmov v41;
	v28 =	vmov v33;
	[hbm4b:s31+s19] =	stream.strided.scatter [tilespmem:s24], [sflag:$0x4], $0x2000, s20, s19, $0x38;
	[tilespmem:$0xF200] =	vst v63  }
0x39d: {  	s0 =	simm.s32 $0x3  }
0x39e: {  	_ =	swait.ge [sflag:s0], $0x2000  }
0x39f: {  	[sflag:s0] =	ssyncset.done $0x0  }
0x3a0: {  	[sflag:s0] =	ssyncadd.s32 $0xFFFFE000  }
0x3a1: {  	_ =	swait.ge [sflag:s23], $0x2000  }
0x3a2: {  	s1 =	rddreg [dreg:$0x5]  }
0x3a3: {  	s31 =	rddreg [dreg:$0x4];
	s1 =	sadd.s32 $0x1, s1  }
0x3a4: {  	p0 =	sne.s32 s1, s31  }
.Ltmp6:
0x3a5: {  	_ = 	snop;
	(pc) =	sbr.rel @p0 .LBB2_1-.Ltmp6, $3  }
0x3a6: {  	_ =	sdelay $0x1  }
0x3a7: {  	[sflag:s23] =	ssyncset.done $0x0  }
0x3a8: {  	[sflag:s23] =	ssyncadd.s32 $0xFFFFE000  }
0x3a9: {  	_ =	sfence.sel $0x180000  }
0x3aa: {  	[bflag:$0x0] =	sbarrier.arrive $0xFFFF  }
0x3ab: {  	_ =	strace $0x90000047  }
0x3ac: {  	s0 =	stileid.u32;
	[bflag:$0x2] =	sbarrier.arrive $0xFFFF  }
0x3ad: {  	p0 =	sne.s32 s0, $0x0;
	s0 =	rddreg [dreg:$0x2]  }
0x3ae: {  	s0 =	sadd.s32 @!p0 $0x100000, s0  }
0x3af: {  	[sflag:s0] =	ssyncadd.tile.s32 @!p0 $0x1;
	_ =	shalt  }
.Lfunc_end2:
_tile_overlayer_lowered:
.L_overlay_start_2:
0x3b0: {  	(tag) =	ssettag $0x2  }
0x3b1: {  	s0 =	rddreg [dreg:$0x0];
	s2 =	stileid.u32  }
0x3b2: {  	s1 =	rddreg [dreg:$0x1];
	p0 =	sne.s32 s2, $0x0  }
0x3b3: {  	s3 =	rddreg [dreg:$0x2];
	[bflag:$0x3] =	sbarrier.arrive $0xFFFF;
	s2 =	simm.s32 @!p0 $0x1C05  }
0x3b4: {  	[timem:s3], [sflag:s2] =	dma.local @!p0 [hbm:s0], s1  }
0x3b5: {  	s0 =	simm.s32 @!p0 $0x5  }
0x3b6: {  	_ =	swait.ge @!p0 [sflag:s0], s1  }
0x3b7: {  	s1 =	ssub.s32 @!p0 $0x0, s1;
	[sflag:s0] =	ssyncset.done @!p0 $0x0  }
0x3b8: {  	[sflag:s0] =	ssyncadd.s32 @!p0 s1  }
0x3b9: {  	[bflag:$0x3] =	sbarrier.arrive $0xFFFF  }
0x3ba: {  	_ =	shalt  }

</sc_bundles>
